<compile_context>
chip_gen: v7x
topology: tpu7x:2x2x1
jax: 0.10.2.dev20260603
libtpu: 0.0.44.dev20260713+nightly
codegen_flags: <defaults>
</compile_context>

<pallas_src>
import functools

import jax
import jax.numpy as jnp
from jax import lax
from jax.experimental import pallas as pl
from jax.experimental.pallas import tpu as pltpu
from jax.experimental.pallas import tpu_sc as plsc

NN = 10000
NE = 320000
NC = 2
NS = 16
NW = NC * NS
EPW = NE // NW
F32 = jnp.float32
BF16 = jnp.bfloat16

_R1 = 1000
_R5 = 1000
_E3 = 12800
_KC = 2000


def _b1dot(x, w_bf16):
    return jnp.dot(x.astype(BF16), w_bf16, preferred_element_type=F32)


def _mass4(x, y, z, e):
    return jnp.sqrt(jnp.clip(e * e - x * x - y * y - z * z, 1e-12, None))


def _asinh(u):
    return jnp.sign(u) * jnp.log(jnp.abs(u) + jnp.sqrt(u * u + 1.0))


def _sinh(x):
    s = jnp.exp(x)
    return 0.5 * (s - 1.0 / s)



def _s1_body(xpt, xeta, xphi, xen, *rest):
    enc_w = [rest[4 * k:4 * k + 4] for k in range(4)]
    dec_w = [rest[16 + 4 * k:20 + 4 * k] for k in range(4)]
    dlt_w = rest[32:36]
    prb_w = [rest[36 + 6 * k:42 + 6 * k] for k in range(4)]
    o_pt, o_eta, o_phi, o_en, f_out = rest[60:]

    xs = (xpt[...], xeta[...], xphi[...], xen[...])

    encs = []
    for k in range(4):
        e1w, e1b, e2w, e2b = enc_w[k]
        h = xs[k] * e1w[...] + e1b[...]
        encs.append(_b1dot(h, e2w[...]) + e2b[...])

    outs = []
    for k in range(4):
        v1, c1, v2p, c2 = dec_w[k]
        t = _b1dot(encs[k], v1[...]) + c1[...]
        outs.append(_b1dot(t, v2p[...])[:, 0:1] + c2[...])
    op, oe, oph, oen = outs
    o_pt[...] = op
    o_eta[...] = oe
    o_phi[...] = oph
    o_en[...] = oen

    pt, eta, phi, en = xs
    tx = pt * jnp.cos(phi)
    ty = pt * jnp.sin(phi)
    tz = pt * _sinh(eta)
    te = en
    px_ = op * jnp.cos(oph)
    py_ = op * jnp.sin(oph)
    pz_ = op * _sinh(oe)
    pe_ = oen

    delta4 = jnp.concatenate(
        [px_ - tx, py_ - ty, pz_ - tz, pe_ - te], axis=1)
    d1w, d1b, d2w, d2b = dlt_w
    dh = _b1dot(delta4, d1w[...]) + d1b[...]
    delta_enc = _b1dot(dh, d2w[...]) + d2b[...]

    enc_for_prob = (encs[1], encs[2], encs[0], encs[3])
    wcols = []
    for k in range(4):
        p1w, p1b, p2w, p2b, p3p, p3b = prb_w[k]
        hin = delta_enc * enc_for_prob[k]
        h = jax.nn.sigmoid(_b1dot(hin, p1w[...]) + p1b[...])
        h = jax.nn.sigmoid(_b1dot(h, p2w[...]) + p2b[...])
        w = jax.nn.sigmoid(_b1dot(h, p3p[...])[:, 0:1] + p3b[...])
        wcols.append(w)

    tpt = jnp.sqrt(tx * tx + ty * ty + 1e-12)
    eta2 = _asinh(tz / tpt)
    phi2 = jnp.arctan2(ty, tx)
    delr = jnp.sqrt(eta2 * eta2 + phi2 * phi2 + 1e-12)

    zeros1 = jnp.zeros_like(tx)
    zeros6 = zeros1 * jnp.zeros((1, 6), F32)
    f_out[...] = jnp.concatenate(
        [delr, zeros1, tx, ty, tz, te] + wcols + [zeros6], axis=1)


def _stage1(xpt, xeta, xphi, xen, wts):
    grid = NN // _R1
    n_spec = pl.BlockSpec((_R1, 1), lambda i: (i, 0))

    def wspec(a):
        nd = a.ndim
        return pl.BlockSpec(a.shape, lambda i, _n=nd: (0,) * _n)

    in_specs = [n_spec] * 4 + [wspec(a) for a in wts]
    out_shape = (
        jax.ShapeDtypeStruct((NN, 1), F32),
        jax.ShapeDtypeStruct((NN, 1), F32),
        jax.ShapeDtypeStruct((NN, 1), F32),
        jax.ShapeDtypeStruct((NN, 1), F32),
        jax.ShapeDtypeStruct((NN, 16), F32),
    )
    out_specs = (n_spec, n_spec, n_spec, n_spec,
                 pl.BlockSpec((_R1, 16), lambda i: (i, 0)))
    return pl.pallas_call(
        _s1_body, grid=(grid,), in_specs=in_specs, out_specs=out_specs,
        out_shape=out_shape)(xpt, xeta, xphi, xen, *wts)



def _stage2(f16, src, dst):
    mesh = plsc.VectorSubcoreMesh(core_axis_name="c", subcore_axis_name="s")

    @functools.partial(
        pl.kernel,
        out_type=(jax.ShapeDtypeStruct((NE, 16), F32),
                  jax.ShapeDtypeStruct((NE, 16), F32)),
        mesh=mesh,
        scratch_types=[
            pltpu.VMEM((_KC,), jnp.int32),
            pltpu.VMEM((_KC, 16), F32),
            pltpu.SemaphoreType.DMA,
        ],
        compiler_params=pltpu.CompilerParams(use_tc_tiling_on_sc=False),
    )
    def k(f_hbm, src_hbm, dst_hbm, gi_hbm, gj_hbm, idx_v, rows_v, sem):
        wid = lax.axis_index("s") * NC + lax.axis_index("c")
        base = wid * EPW
        for t in range(EPW // _KC):
            off = base + t * _KC
            pltpu.sync_copy(src_hbm.at[pl.ds(off, _KC)], idx_v)
            pltpu.async_copy(f_hbm.at[idx_v], rows_v, sem).wait()
            pltpu.sync_copy(rows_v, gi_hbm.at[pl.ds(off, _KC)])
            pltpu.sync_copy(dst_hbm.at[pl.ds(off, _KC)], idx_v)
            pltpu.async_copy(f_hbm.at[idx_v], rows_v, sem).wait()
            pltpu.sync_copy(rows_v, gj_hbm.at[pl.ds(off, _KC)])

    return k(f16, src, dst)



def _lroll(x, k):
    return jnp.concatenate([x[:, k:], x[:, :k]], axis=1)


def _s3_body(gi, gj, me0f, mdf, mask1, kmask, w1p, b1, w2, b2, w3p, b3p,
             c_out):
    gi_v = gi[...]
    gj_v = gj[...]
    s = gi_v + gj_v
    squ = s * s
    q = ((_lroll(squ, 3) - squ) - _lroll(squ, 1)) - _lroll(squ, 2)
    m = jnp.sqrt(jnp.clip(q, 1e-12, None))
    m1 = _lroll(m, 1) * mask1[...]
    feat = gi_v * me0f[...] + (gi_v - gj_v) * mdf[...] + m1
    km = kmask[...]
    keepfull = jnp.zeros_like(gi_v)
    for k in range(8):
        fk = feat[:, 16 * k:16 * k + 16]
        h = jnp.maximum(_b1dot(fk, w1p[...]) + b1[...], 0.0)
        h = jnp.maximum(_b1dot(h, w2[...]) + b2[...], 0.0)
        wp = _b1dot(h, w3p[...]) + b3p[...]
        keepk = (wp[:, 1:2] > wp[:, 0:1]).astype(F32)
        keepfull = keepfull + keepk * km[k:k + 1, :]
    c_out[...] = gj_v * keepfull


def _stage3(gi, gj, wts):
    grid = NE // _E3
    e_spec = pl.BlockSpec((_E3 // 8, 128), lambda i: (i, 0))

    def wspec(a):
        nd = a.ndim
        return pl.BlockSpec(a.shape, lambda i, _n=nd: (0,) * _n)

    return pl.pallas_call(
        _s3_body, grid=(grid,),
        in_specs=[e_spec, e_spec] + [wspec(a) for a in wts],
        out_specs=e_spec,
        out_shape=jax.ShapeDtypeStruct((NE // 8, 128), F32))(gi, gj, *wts)



def _stage4(contrib, src, zeros2):
    mesh = plsc.VectorSubcoreMesh(core_axis_name="c", subcore_axis_name="s")

    @functools.partial(
        pl.kernel,
        out_type=jax.ShapeDtypeStruct((NC, NN, 16), F32),
        mesh=mesh,
        scratch_types=[
            pltpu.VMEM((_KC,), jnp.int32),
            pltpu.VMEM((_KC, 16), F32),
            pltpu.VMEM_SHARED((NN, 16), F32),
        ],
        compiler_params=pltpu.CompilerParams(use_tc_tiling_on_sc=False),
    )
    def k(c_hbm, src_hbm, z_hbm, out_hbm, idx_v, rows_v, shared):
        c = lax.axis_index("c")
        s = lax.axis_index("s")
        wid = s * NC + c

        @pl.when(s == 0)
        def _():
            pltpu.sync_copy(z_hbm.at[c], shared)

        plsc.subcore_barrier()
        base = wid * EPW
        for t in range(EPW // _KC):
            off = base + t * _KC
            pltpu.sync_copy(src_hbm.at[pl.ds(off, _KC)], idx_v)
            pltpu.sync_copy(c_hbm.at[pl.ds(off, _KC)], rows_v)
            pltpu.sync_copy(rows_v, shared.at[idx_v], add=True)
        plsc.subcore_barrier()

        @pl.when(s == 0)
        def _():
            pltpu.sync_copy(shared, out_hbm.at[c])

    return k(contrib, src, zeros2)



def _s5_body(f, p0, p1, n1u, n1b, n2w, n2b, n3p, n3b,
             a1w, a1b, a2w, a2b, a3p, a3b, c1cat, c2blk, dpq, pq_out):
    f_v = f[...]
    pmu = f_v[:, 2:6] + p0[...][:, 2:6] + p1[...][:, 2:6]
    w4 = f_v[:, 6:10]
    mass = _mass4(pmu[:, 0:1], pmu[:, 1:2], pmu[:, 2:3], pmu[:, 3:4])
    g = jnp.maximum(mass * n1u[...] + n1b[...], 0.0)
    g = jnp.maximum(_b1dot(g, n2w[...]) + n2b[...], 0.0)
    aggr = _b1dot(g, n3p[...])[:, 0:8] + n3b[...]
    cat16 = jnp.concatenate([aggr, pmu, w4], axis=1)
    h = jnp.maximum(_b1dot(cat16, a1w[...]) + a1b[...], 0.0)
    h = jnp.maximum(_b1dot(h, a2w[...]) + a2b[...], 0.0)
    nodes = _b1dot(h, a3p[...])[:, 0:8] + a3b[...]
    zsd = _b1dot(nodes, c1cat[...])
    pq_out[...] = jnp.dot(zsd, c2blk[...],
                          preferred_element_type=F32) + dpq[...]


def _stage5(f16, part0, part1, wts):
    grid = NN // _R5
    spec16 = pl.BlockSpec((_R5, 16), lambda i: (i, 0))

    def wspec(a):
        nd = a.ndim
        return pl.BlockSpec(a.shape, lambda i, _n=nd: (0,) * _n)

    return pl.pallas_call(
        _s5_body, grid=(grid,),
        in_specs=[spec16, spec16, spec16] + [wspec(a) for a in wts],
        out_specs=pl.BlockSpec((_R5, 4), lambda i: (i, 0)),
        out_shape=jax.ShapeDtypeStruct((NN, 4), F32))(f16, part0, part1, *wts)



def _stage6(pqt, src, dst):
    mesh = plsc.VectorSubcoreMesh(core_axis_name="c", subcore_axis_name="s")

    @functools.partial(
        pl.kernel,
        out_type=(jax.ShapeDtypeStruct((NE,), F32),
                  jax.ShapeDtypeStruct((NE,), F32)),
        mesh=mesh,
        scratch_types=[
            pltpu.VMEM((NN * 4,), F32),
            pltpu.VMEM((EPW,), jnp.int32),
            pltpu.VMEM((EPW,), jnp.int32),
            pltpu.VMEM((EPW,), F32),
            pltpu.VMEM((EPW,), F32),
        ],
        compiler_params=pltpu.CompilerParams(use_tc_tiling_on_sc=False,
                                             needs_layout_passes=False),
    )
    def k(pqf_hbm, src_hbm, dst_hbm, o0_hbm, o1_hbm, pqf, sv, dv, ov0, ov1):
        wid = lax.axis_index("s") * NC + lax.axis_index("c")
        base = wid * EPW
        pltpu.sync_copy(pqf_hbm, pqf)
        pltpu.sync_copy(src_hbm.at[pl.ds(base, EPW)], sv)
        pltpu.sync_copy(dst_hbm.at[pl.ds(base, EPW)], dv)

        def body(i, carry):
            sl = sv[pl.ds(i * 16, 16)] * 4
            dl = dv[pl.ds(i * 16, 16)] * 4
            o0 = plsc.load_gather(pqf, [sl]) + plsc.load_gather(pqf, [dl + 2])
            o1 = (plsc.load_gather(pqf, [sl + 1])
                  + plsc.load_gather(pqf, [dl + 3]))
            ov0[pl.ds(i * 16, 16)] = o0
            ov1[pl.ds(i * 16, 16)] = o1
            return carry

        lax.fori_loop(0, EPW // 16, body, 0)
        pltpu.sync_copy(ov0, o0_hbm.at[pl.ds(base, EPW)])
        pltpu.sync_copy(ov1, o1_hbm.at[pl.ds(base, EPW)])

    return k(pqt, src, dst)



def _pad8(w):
    return jnp.zeros((w.shape[0], 8), w.dtype).at[:, 0:w.shape[1]].set(w)


def kernel(N_eta, N_energy, N_pT, N_phi, edge_index, params):
    p = params
    bf = lambda a: a.astype(BF16)

    s1_wts = []
    for nm in ['PtEnc', 'EtaEnc', 'PhiEnc', 'EnEnc']:
        (w1, b1), (w2, b2) = p[nm]
        s1_wts += [w1, b1.reshape(1, 256), bf(w2), b2.reshape(1, 1024)]
    for nm in ['PtDec', 'EtaDec', 'PhiDec', 'EnDec']:
        (v1, c1), (v2, c2) = p[nm]
        s1_wts += [bf(v1), c1.reshape(1, 256), bf(_pad8(v2)),
                   c2.reshape(1, 1)]
    (dw1, db1), (dw2, db2) = p['deltaEnc']
    s1_wts += [bf(dw1), db1.reshape(1, 256), bf(dw2), db2.reshape(1, 1024)]
    for nm in ['WPx', 'WPy', 'WPz', 'WEn']:
        (q1w, q1b), (q2w, q2b), (q3w, q3b) = p[nm]
        s1_wts += [bf(q1w), q1b.reshape(1, 256), bf(q2w), q2b.reshape(1, 256),
                   bf(_pad8(q3w)), q3b.reshape(1, 1)]

    xpt, xeta, xphi, xen = N_pT, N_eta, N_phi, N_energy
    o_pt, o_eta, o_phi, o_en, f16 = _stage1(xpt, xeta, xphi, xen, s1_wts)

    src = edge_index[0]
    dst = edge_index[1]

    gi, gj = _stage2(f16, src, dst)
    gi = gi.reshape(NE // 8, 128)
    gj = gj.reshape(NE // 8, 128)

    (e1w, e1b), (e2w, e2b), (e3w, e3b) = p['edgemlp']
    w1p = jnp.zeros((16, 256), F32).at[0:10, :].set(e1w)
    lane16 = jnp.arange(128) % 16
    me0f = (lane16 == 0).astype(F32).reshape(1, 128)
    mdf = ((lane16 >= 2) & (lane16 <= 9)).astype(F32).reshape(1, 128)
    mask1 = (lane16 == 1).astype(F32).reshape(1, 128)
    grp = jnp.arange(128) // 16
    kmask = ((grp[None, :] == jnp.arange(8)[:, None])
             & (lane16 >= 2)[None, :] & (lane16 <= 5)[None, :]).astype(F32)
    s3_wts = [me0f, mdf, mask1, kmask,
              bf(w1p), e1b.reshape(1, 256), bf(e2w), e2b.reshape(1, 256),
              bf(_pad8(e3w)), _pad8(e3b.reshape(1, 2))]
    contrib = _stage3(gi, gj, s3_wts).reshape(NE, 16)

    parts = _stage4(contrib, src, jnp.zeros((NC, NN, 16), F32))

    (n1w, n1b), (n2w, n2b), (n3w, n3b) = p['nodemlp']
    (a1w, a1b), (a2w, a2b), (a3w, a3b) = p['aggrmlp']
    (c1w, c1b), (c2w, c2b) = p['Cos']
    c1cat = jnp.concatenate([c1w[0:8, :], c1w[8:16, :]], axis=1)
    c2r = bf(c2w).astype(F32)
    c2blk = jnp.zeros((8, 4), F32)
    c2blk = c2blk.at[0:4, 0:2].set(c2r).at[4:8, 2:4].set(c2r)
    dvec = c1b @ c2r + c2b
    dpq = jnp.zeros((1, 4), F32).at[0, 0:2].set(dvec)
    s5_wts = [n1w, n1b.reshape(1, 256), bf(n2w), n2b.reshape(1, 256),
              bf(n3w), n3b.reshape(1, 8),
              bf(a1w), a1b.reshape(1, 256), bf(a2w), a2b.reshape(1, 256),
              bf(a3w), a3b.reshape(1, 8),
              bf(c1cat), c2blk, dpq]
    pq = _stage5(f16, parts[0], parts[1], s5_wts)

    o0, o1 = _stage6(pq.reshape(NN * 4), src, dst)
    o_index = jnp.stack([o0, o1], axis=-1)

    return (o_eta, o_en, o_phi, o_pt, o_index)

# --- scband reference (transcript-rebuilt; emitter-appended) ---
"""Pipeline reference for scband-pdfnet-truth-children-8598524526740 (READ-ONLY COPY).

The authoritative reference and input builder live on the scoring server;
editing this copy changes nothing except your own understanding.
"""

import jax, jax.numpy as jnp
import numpy as np

NODES = 256
N_NODES = 10000
N_EDGES = 320000

def _lin(key, din, dout):
    k1, k2 = jax.random.split(key)
    s = 1.0 / np.sqrt(din)
    return (jax.random.uniform(k1, (din, dout), minval=-s, maxval=s, dtype=jnp.float32),
            jax.random.uniform(k2, (dout,), minval=-s, maxval=s, dtype=jnp.float32))

def _apply(p, x):
    return x @ p[0] + p[1]

def _enc(p, x):
    # Seq(Linear, Linear) with no activation (used by both Encode and Decode blocks)
    return _apply(p[1], _apply(p[0], x))

def _prob(p, x):
    # Seq(Linear, Sigmoid, Linear, Sigmoid, Linear, Sigmoid)
    h = jax.nn.sigmoid(_apply(p[0], x))
    h = jax.nn.sigmoid(_apply(p[1], h))
    return jax.nn.sigmoid(_apply(p[2], h))

def _relu_mlp(p, x):
    # Seq(Linear, ReLU, Linear, ReLU, Linear)
    h = jax.nn.relu(_apply(p[0], x))
    h = jax.nn.relu(_apply(p[1], h))
    return _apply(p[2], h)

def _to_pxpypze(v):
    pt, eta, phi, e = v[..., 0:1], v[..., 1:2], v[..., 2:3], v[..., 3:4]
    return jnp.concatenate([pt * jnp.cos(phi), pt * jnp.sin(phi), pt * jnp.sinh(eta), e], axis=-1)

def _to_ptetaphie(v):
    px, py, pz, e = v[..., 0:1], v[..., 1:2], v[..., 2:3], v[..., 3:4]
    pt = jnp.sqrt(px ** 2 + py ** 2 + 1e-12)
    eta = jnp.arcsinh(pz / pt)
    phi = jnp.arctan2(py, px)
    return jnp.concatenate([pt, eta, phi, e], axis=-1)

def _mass(v):
    m2 = v[..., 3] ** 2 - v[..., 0] ** 2 - v[..., 1] ** 2 - v[..., 2] ** 2
    return jnp.sqrt(jnp.clip(m2, 1e-12, None))[..., None]

def _make_params(key):
    kit = iter(jax.random.split(key, 64))
    nk = lambda: next(kit)
    p = {}
    for name in ['PtEnc', 'EtaEnc', 'PhiEnc', 'EnEnc']:
        p[name] = (_lin(nk(), 1, NODES), _lin(nk(), NODES, NODES * 4))
    p['deltaEnc'] = (_lin(nk(), 4, NODES), _lin(nk(), NODES, NODES * 4))
    for name in ['PtDec', 'EtaDec', 'PhiDec', 'EnDec']:
        p[name] = (_lin(nk(), NODES * 4, NODES), _lin(nk(), NODES, 1))
    for name in ['WPx', 'WPy', 'WPz', 'WEn']:
        p[name] = (_lin(nk(), NODES * 4, NODES), _lin(nk(), NODES, NODES), _lin(nk(), NODES, 1))
    p['NodeScaling'] = (_lin(nk(), 8, NODES), _lin(nk(), NODES, NODES), _lin(nk(), NODES, 1))
    p['edgemlp'] = (_lin(nk(), 10, NODES), _lin(nk(), NODES, NODES), _lin(nk(), NODES, 2))
    p['nodemlp'] = (_lin(nk(), 1, NODES), _lin(nk(), NODES, NODES), _lin(nk(), NODES, 8))
    p['aggrmlp'] = (_lin(nk(), 16, NODES), _lin(nk(), NODES, NODES), _lin(nk(), NODES, 8))
    p['Cos'] = (_lin(nk(), 16, 4), _lin(nk(), 4, 2))
    return p

def setup_inputs(seed: int = 0):
    key = jax.random.key(seed)
    ks = jax.random.split(key, 6)
    return {
        'N_eta': jax.random.normal(ks[0], (N_NODES, 1), dtype=jnp.float32),
        'N_energy': jax.random.uniform(ks[1], (N_NODES, 1), dtype=jnp.float32),
        'N_pT': jax.random.uniform(ks[2], (N_NODES, 1), dtype=jnp.float32),
        'N_phi': jax.random.normal(ks[3], (N_NODES, 1), dtype=jnp.float32),
        'edge_index': jax.random.randint(ks[4], (2, N_EDGES), 0, N_NODES, dtype=jnp.int32),
        'params': _make_params(ks[5]),
    }

def _forward(N_eta, N_energy, N_pT, N_phi, params, edge_index):
    Pt_enc = _enc(params['PtEnc'], N_pT)
    Eta_enc = _enc(params['EtaEnc'], N_eta)
    Phi_enc = _enc(params['PhiEnc'], N_phi)
    E_enc = _enc(params['EnEnc'], N_energy)
    O_pT = _enc(params['PtDec'], Pt_enc)
    O_eta = _enc(params['EtaDec'], Eta_enc)
    O_phi = _enc(params['PhiDec'], Phi_enc)
    O_energy = _enc(params['EnDec'], E_enc)
    pred = _to_pxpypze(jnp.concatenate([O_pT, O_eta, O_phi, O_energy], axis=1))
    truth = _to_pxpypze(jnp.concatenate([N_pT, N_eta, N_phi, N_energy], axis=1))
    delta_enc = _enc(params['deltaEnc'], pred - truth)
    W_Px = _prob(params['WPx'], delta_enc * Eta_enc)
    W_Py = _prob(params['WPy'], delta_enc * Phi_enc)
    W_Pz = _prob(params['WPz'], delta_enc * Pt_enc)
    W_En = _prob(params['WEn'], delta_enc * E_enc)
    Pmu = truth
    W_Pmu = jnp.concatenate([W_Px, W_Py, W_Pz, W_En], axis=1)
    WeightedNodes = _prob(params['NodeScaling'], jnp.concatenate([Pmu, W_Pmu], axis=1)) * Pmu
    TopoGraphMass = _mass(jnp.sum(WeightedNodes, axis=0))  # computed (and printed/dropped) in original
    # --- GraphNeuralNetwork (MessagePassing, aggr='add', flow='target_to_source': i=edge_index[0], j=edge_index[1]) ---
    src = edge_index[0]
    dst = edge_index[1]
    Pmu_i = Pmu[src]
    Pmu_j = Pmu[dst]
    W_i = W_Pmu[src]
    W_j = W_Pmu[dst]
    tmp = _to_ptetaphie(Pmu_i)[:, 1:3] ** 2
    delR = jnp.sqrt(jnp.sum(tmp, axis=1, keepdims=True) + 1e-12)
    m_ij = _mass(Pmu_i + Pmu_j)
    edge_w = _relu_mlp(params['edgemlp'], jnp.concatenate([delR, m_ij, Pmu_i - Pmu_j, W_i - W_j], axis=1))
    sel = jnp.argmax(edge_w, axis=1)  # message_weight.max(1)[1]
    keep = (sel != 0).astype(Pmu.dtype)[:, None]
    # index_add_ of selected Pmu_j into Pmu at index i (masked scatter-add == boolean-filtered index_add)
    Pmu_new = Pmu.at[src].add(Pmu_j * keep)
    Pmu_mass = _mass(Pmu_new)
    aggr = _relu_mlp(params['nodemlp'], Pmu_mass)
    # original index_add_ is in-place, so forward's Pmu is the mutated tensor
    Nodes = _relu_mlp(params['aggrmlp'], jnp.concatenate([aggr, Pmu_new, W_Pmu], axis=1))
    cos_in = jnp.concatenate([Nodes[src], Nodes[dst]], axis=1)
    O_Index = _apply(params['Cos'][1], _apply(params['Cos'][0], cos_in))
    return (O_eta, O_energy, O_phi, O_pT, O_Index)

def reference(N_eta, N_energy, N_pT, N_phi, edge_index, params):
    return _forward(N_eta, N_energy, N_pT, N_phi, params, edge_index)

if __name__ == "__main__":
    import jax
    _d = setup_inputs()
    print(jax.jit(kernel)(*tuple(_d.values())))

</pallas_src>

<mosaic_0001>
#map = affine_map<(d0, d1) -> (0)>
module attributes {stable_mosaic.version = 14 : i64} {
  func.func @k(%arg0: i32, %arg1: i32, %arg2: memref<40000xf32, #tpu.memory_space<hbm>>, %arg3: memref<320000xi32, #tpu.memory_space<hbm>>, %arg4: memref<320000xi32, #tpu.memory_space<hbm>>, %arg5: memref<320000xf32, #tpu.memory_space<hbm>>, %arg6: memref<320000xf32, #tpu.memory_space<hbm>>, %arg7: memref<40000xf32, #tpu.memory_space<vmem>>, %arg8: memref<10000xi32, #tpu.memory_space<vmem>>, %arg9: memref<10000xi32, #tpu.memory_space<vmem>>, %arg10: memref<10000xf32, #tpu.memory_space<vmem>>, %arg11: memref<10000xf32, #tpu.memory_space<vmem>>) attributes {dimension_semantics = [#tpu.dimension_semantics<core_parallel>, #tpu.dimension_semantics<subcore_parallel>], iteration_bounds = array<i64: 2, 16>, scalar_prefetch = 0 : i64, scratch_operands = 5 : i64, tpu.core_type = #tpu.core_type<sc_vector_subcore>, window_params = [{transform_indices = #map}, {transform_indices = #map}, {transform_indices = #map}, {transform_indices = #map}, {transform_indices = #map}]} {
    %mul3A = arith.constant 2 : i32
    %mul3A_0 = arith.muli %arg1, %mul3A : i32
    %add3A = arith.addi %mul3A_0, %arg0 : i32
    %mul3A_1 = arith.constant 10000 : i32
    %mul3A_2 = arith.muli %add3A, %mul3A_1 : i32
    "tpu.region"() ({
      %run_scoped3A = tpu.sem_alloc : memref<!tpu.dma_semaphore, #tpu.memory_space<semaphore_mem>>
      tpu.enqueue_dma source(%arg2 : memref<40000xf32, #tpu.memory_space<hbm>>) target(%arg7 : memref<40000xf32, #tpu.memory_space<vmem>>) target_semaphore(%run_scoped3A : memref<!tpu.dma_semaphore, #tpu.memory_space<semaphore_mem>>)
      tpu.wait_dma2 semaphore(%run_scoped3A : memref<!tpu.dma_semaphore, #tpu.memory_space<semaphore_mem>>) src(%arg2 : memref<40000xf32, #tpu.memory_space<hbm>>) dst(%arg7 : memref<40000xf32, #tpu.memory_space<vmem>>)
      tpu.yield
    }) : () -> ()
    "tpu.region"() ({
      %run_scoped3A = tpu.sem_alloc : memref<!tpu.dma_semaphore, #tpu.memory_space<semaphore_mem>>
      %dma_start3A = tpu.memref_slice %arg3[%mul3A_2] : memref<320000xi32, #tpu.memory_space<hbm>> -> memref<10000xi32, #tpu.memory_space<hbm>>
      %dma_start3A_8 = tpu.memref_slice %arg3[%mul3A_2] : memref<320000xi32, #tpu.memory_space<hbm>> -> memref<10000xi32, #tpu.memory_space<hbm>>
      tpu.enqueue_dma source(%dma_start3A_8 : memref<10000xi32, #tpu.memory_space<hbm>>) target(%arg8 : memref<10000xi32, #tpu.memory_space<vmem>>) target_semaphore(%run_scoped3A : memref<!tpu.dma_semaphore, #tpu.memory_space<semaphore_mem>>)
      %dma_wait3A = tpu.memref_slice %arg3[%mul3A_2] : memref<320000xi32, #tpu.memory_space<hbm>> -> memref<10000xi32, #tpu.memory_space<hbm>>
      %dma_wait3A_9 = tpu.memref_slice %arg3[%mul3A_2] : memref<320000xi32, #tpu.memory_space<hbm>> -> memref<10000xi32, #tpu.memory_space<hbm>>
      tpu.wait_dma2 semaphore(%run_scoped3A : memref<!tpu.dma_semaphore, #tpu.memory_space<semaphore_mem>>) src(%dma_wait3A_9 : memref<10000xi32, #tpu.memory_space<hbm>>) dst(%arg8 : memref<10000xi32, #tpu.memory_space<vmem>>)
      tpu.yield
    }) : () -> ()
    "tpu.region"() ({
      %run_scoped3A = tpu.sem_alloc : memref<!tpu.dma_semaphore, #tpu.memory_space<semaphore_mem>>
      %dma_start3A = tpu.memref_slice %arg4[%mul3A_2] : memref<320000xi32, #tpu.memory_space<hbm>> -> memref<10000xi32, #tpu.memory_space<hbm>>
      %dma_start3A_8 = tpu.memref_slice %arg4[%mul3A_2] : memref<320000xi32, #tpu.memory_space<hbm>> -> memref<10000xi32, #tpu.memory_space<hbm>>
      tpu.enqueue_dma source(%dma_start3A_8 : memref<10000xi32, #tpu.memory_space<hbm>>) target(%arg9 : memref<10000xi32, #tpu.memory_space<vmem>>) target_semaphore(%run_scoped3A : memref<!tpu.dma_semaphore, #tpu.memory_space<semaphore_mem>>)
      %dma_wait3A = tpu.memref_slice %arg4[%mul3A_2] : memref<320000xi32, #tpu.memory_space<hbm>> -> memref<10000xi32, #tpu.memory_space<hbm>>
      %dma_wait3A_9 = tpu.memref_slice %arg4[%mul3A_2] : memref<320000xi32, #tpu.memory_space<hbm>> -> memref<10000xi32, #tpu.memory_space<hbm>>
      tpu.wait_dma2 semaphore(%run_scoped3A : memref<!tpu.dma_semaphore, #tpu.memory_space<semaphore_mem>>) src(%dma_wait3A_9 : memref<10000xi32, #tpu.memory_space<hbm>>) dst(%arg9 : memref<10000xi32, #tpu.memory_space<vmem>>)
      tpu.yield
    }) : () -> ()
    %scan3A = arith.constant 0 : i32
    %scan3A_3 = arith.constant 0 : i32
    %scan3A_4 = arith.constant 625 : i32
    %scan3A_5 = arith.addi %scan3A_3, %scan3A_4 : i32
    %scan3A_6 = arith.constant 1 : i32
    scf.for %scan3A_8 = %scan3A_3 to %scan3A_5 step %scan3A_6  : i32 {
      %mul3A_9 = arith.constant 16 : i32
      %mul3A_10 = arith.muli %scan3A_8, %mul3A_9 : i32
      %get3A = arith.index_cast %mul3A_10 : i32 to index
      %get3A_11 = tpu.vector_load %arg8[%get3A] {strides = array<i32>} : memref<10000xi32, #tpu.memory_space<vmem>>, vector<16xi32>,
      %mul3A_12 = arith.constant 4 : i32
      %mul3A_13 = vector.broadcast %mul3A_12 : i32 to vector<16xi32>
      %mul3A_14 = arith.muli %get3A_11, %mul3A_13 : vector<16xi32>
      %mul3A_15 = arith.constant 16 : i32
      %mul3A_16 = arith.muli %scan3A_8, %mul3A_15 : i32
      %get3A_17 = arith.index_cast %mul3A_16 : i32 to index
      %get3A_18 = tpu.vector_load %arg9[%get3A_17] {strides = array<i32>} : memref<10000xi32, #tpu.memory_space<vmem>>, vector<16xi32>,
      %mul3A_19 = arith.constant 4 : i32
      %mul3A_20 = vector.broadcast %mul3A_19 : i32 to vector<16xi32>
      %mul3A_21 = arith.muli %get3A_18, %mul3A_20 : vector<16xi32>
      %gather3A = tpu.vector_load_idx %arg7[%mul3A_14] : memref<40000xf32, #tpu.memory_space<vmem>>[vector<16xi32>], vector<16xf32>,
      %add3A_22 = arith.constant 2 : i32
      %add3A_23 = vector.broadcast %add3A_22 : i32 to vector<16xi32>
      %add3A_24 = arith.addi %mul3A_21, %add3A_23 : vector<16xi32>
      %gather3A_25 = tpu.vector_load_idx %arg7[%add3A_24] : memref<40000xf32, #tpu.memory_space<vmem>>[vector<16xi32>], vector<16xf32>,
      %add3A_26 = arith.addf %gather3A, %gather3A_25 : vector<16xf32>
      %add3A_27 = arith.constant 1 : i32
      %add3A_28 = vector.broadcast %add3A_27 : i32 to vector<16xi32>
      %add3A_29 = arith.addi %mul3A_14, %add3A_28 : vector<16xi32>
      %gather3A_30 = tpu.vector_load_idx %arg7[%add3A_29] : memref<40000xf32, #tpu.memory_space<vmem>>[vector<16xi32>], vector<16xf32>,
      %add3A_31 = arith.constant 3 : i32
      %add3A_32 = vector.broadcast %add3A_31 : i32 to vector<16xi32>
      %add3A_33 = arith.addi %mul3A_21, %add3A_32 : vector<16xi32>
      %gather3A_34 = tpu.vector_load_idx %arg7[%add3A_33] : memref<40000xf32, #tpu.memory_space<vmem>>[vector<16xi32>], vector<16xf32>,
      %add3A_35 = arith.addf %gather3A_30, %gather3A_34 : vector<16xf32>
      %mul3A_36 = arith.constant 16 : i32
      %mul3A_37 = arith.muli %scan3A_8, %mul3A_36 : i32
      %swap3A = arith.index_cast %mul3A_37 : i32 to index
      %swap3A_38 = tpu.vector_load %arg10[%swap3A] {strides = array<i32>} : memref<10000xf32, #tpu.memory_space<vmem>>, vector<16xf32>,
      tpu.vector_store %arg10[%swap3A], %add3A_26 {strides = array<i32>} : memref<10000xf32, #tpu.memory_space<vmem>>, vector<16xf32>,
      %mul3A_39 = arith.constant 16 : i32
      %mul3A_40 = arith.muli %scan3A_8, %mul3A_39 : i32
      %swap3A_41 = arith.index_cast %mul3A_40 : i32 to index
      %swap3A_42 = tpu.vector_load %arg11[%swap3A_41] {strides = array<i32>} : memref<10000xf32, #tpu.memory_space<vmem>>, vector<16xf32>,
      tpu.vector_store %arg11[%swap3A_41], %add3A_35 {strides = array<i32>} : memref<10000xf32, #tpu.memory_space<vmem>>, vector<16xf32>,
    }
    %scan3A_7 = arith.constant 625 : i32
    "tpu.region"() ({
      %run_scoped3A = tpu.sem_alloc : memref<!tpu.dma_semaphore, #tpu.memory_space<semaphore_mem>>
      %dma_start3A = tpu.memref_slice %arg5[%mul3A_2] : memref<320000xf32, #tpu.memory_space<hbm>> -> memref<10000xf32, #tpu.memory_space<hbm>>
      %dma_start3A_8 = tpu.memref_slice %arg5[%mul3A_2] : memref<320000xf32, #tpu.memory_space<hbm>> -> memref<10000xf32, #tpu.memory_space<hbm>>
      tpu.enqueue_dma source(%arg10 : memref<10000xf32, #tpu.memory_space<vmem>>) target(%dma_start3A_8 : memref<10000xf32, #tpu.memory_space<hbm>>) target_semaphore(%run_scoped3A : memref<!tpu.dma_semaphore, #tpu.memory_space<semaphore_mem>>)
      %dma_wait3A = tpu.memref_slice %arg5[%mul3A_2] : memref<320000xf32, #tpu.memory_space<hbm>> -> memref<10000xf32, #tpu.memory_space<hbm>>
      %dma_wait3A_9 = tpu.memref_slice %arg5[%mul3A_2] : memref<320000xf32, #tpu.memory_space<hbm>> -> memref<10000xf32, #tpu.memory_space<hbm>>
      tpu.wait_dma2 semaphore(%run_scoped3A : memref<!tpu.dma_semaphore, #tpu.memory_space<semaphore_mem>>) src(%arg10 : memref<10000xf32, #tpu.memory_space<vmem>>) dst(%dma_wait3A_9 : memref<10000xf32, #tpu.memory_space<hbm>>)
      tpu.yield
    }) : () -> ()
    "tpu.region"() ({
      %run_scoped3A = tpu.sem_alloc : memref<!tpu.dma_semaphore, #tpu.memory_space<semaphore_mem>>
      %dma_start3A = tpu.memref_slice %arg6[%mul3A_2] : memref<320000xf32, #tpu.memory_space<hbm>> -> memref<10000xf32, #tpu.memory_space<hbm>>
      %dma_start3A_8 = tpu.memref_slice %arg6[%mul3A_2] : memref<320000xf32, #tpu.memory_space<hbm>> -> memref<10000xf32, #tpu.memory_space<hbm>>
      tpu.enqueue_dma source(%arg11 : memref<10000xf32, #tpu.memory_space<vmem>>) target(%dma_start3A_8 : memref<10000xf32, #tpu.memory_space<hbm>>) target_semaphore(%run_scoped3A : memref<!tpu.dma_semaphore, #tpu.memory_space<semaphore_mem>>)
      %dma_wait3A = tpu.memref_slice %arg6[%mul3A_2] : memref<320000xf32, #tpu.memory_space<hbm>> -> memref<10000xf32, #tpu.memory_space<hbm>>
      %dma_wait3A_9 = tpu.memref_slice %arg6[%mul3A_2] : memref<320000xf32, #tpu.memory_space<hbm>> -> memref<10000xf32, #tpu.memory_space<hbm>>
      tpu.wait_dma2 semaphore(%run_scoped3A : memref<!tpu.dma_semaphore, #tpu.memory_space<semaphore_mem>>) src(%arg11 : memref<10000xf32, #tpu.memory_space<vmem>>) dst(%dma_wait3A_9 : memref<10000xf32, #tpu.memory_space<hbm>>)
      tpu.yield
    }) : () -> ()
    return
  }
}

#map = affine_map<(d0, d1) -> (0, 0)>
#map1 = affine_map<(d0, d1) -> (0)>
module attributes {stable_mosaic.version = 14 : i64} {
  func.func @k(%arg0: i32, %arg1: i32, %arg2: memref<10000x16xf32, #tpu.memory_space<hbm>>, %arg3: memref<320000xi32, #tpu.memory_space<hbm>>, %arg4: memref<320000xi32, #tpu.memory_space<hbm>>, %arg5: memref<320000x16xf32, #tpu.memory_space<hbm>>, %arg6: memref<320000x16xf32, #tpu.memory_space<hbm>>, %arg7: memref<2000xi32, #tpu.memory_space<vmem>>, %arg8: memref<2000x16xf32, #tpu.memory_space<vmem>>, %arg9: memref<!tpu.dma_semaphore, #tpu.memory_space<semaphore_mem>>) attributes {dimension_semantics = [#tpu.dimension_semantics<core_parallel>, #tpu.dimension_semantics<subcore_parallel>], iteration_bounds = array<i64: 2, 16>, scalar_prefetch = 0 : i64, scratch_operands = 3 : i64, tpu.core_type = #tpu.core_type<sc_vector_subcore>, window_params = [{transform_indices = #map}, {transform_indices = #map1}, {transform_indices = #map1}, {transform_indices = #map}, {transform_indices = #map}]} {
    %mul3A = arith.constant 2 : i32
    %mul3A_0 = arith.muli %arg1, %mul3A : i32
    %add3A = arith.addi %mul3A_0, %arg0 : i32
    %mul3A_1 = arith.constant 10000 : i32
    %mul3A_2 = arith.muli %add3A, %mul3A_1 : i32
    %add3A_3 = arith.constant 0 : i32
    %add3A_4 = arith.addi %mul3A_2, %add3A_3 : i32
    "tpu.region"() ({
      %run_scoped3A = tpu.sem_alloc : memref<!tpu.dma_semaphore, #tpu.memory_space<semaphore_mem>>
      %dma_start3A_71 = tpu.memref_slice %arg3[%add3A_4] : memref<320000xi32, #tpu.memory_space<hbm>> -> memref<2000xi32, #tpu.memory_space<hbm>>
      %dma_start3A_72 = tpu.memref_slice %arg3[%add3A_4] : memref<320000xi32, #tpu.memory_space<hbm>> -> memref<2000xi32, #tpu.memory_space<hbm>>
      tpu.enqueue_dma source(%dma_start3A_72 : memref<2000xi32, #tpu.memory_space<hbm>>) target(%arg7 : memref<2000xi32, #tpu.memory_space<vmem>>) target_semaphore(%run_scoped3A : memref<!tpu.dma_semaphore, #tpu.memory_space<semaphore_mem>>)
      %dma_wait3A_73 = tpu.memref_slice %arg3[%add3A_4] : memref<320000xi32, #tpu.memory_space<hbm>> -> memref<2000xi32, #tpu.memory_space<hbm>>
      %dma_wait3A_74 = tpu.memref_slice %arg3[%add3A_4] : memref<320000xi32, #tpu.memory_space<hbm>> -> memref<2000xi32, #tpu.memory_space<hbm>>
      tpu.wait_dma2 semaphore(%run_scoped3A : memref<!tpu.dma_semaphore, #tpu.memory_space<semaphore_mem>>) src(%dma_wait3A_74 : memref<2000xi32, #tpu.memory_space<hbm>>) dst(%arg7 : memref<2000xi32, #tpu.memory_space<vmem>>)
      tpu.yield
    }) : () -> ()
    %dma_start3A = arith.constant 0 : i32
    %dma_start3A_5 = arith.constant 0 : i32
    %dma_start3A_6 = tpu.memref_slice %arg2[%dma_start3A, %dma_start3A_5] : memref<10000x16xf32, #tpu.memory_space<hbm>> -> memref<10000x16xf32, #tpu.memory_space<hbm>>
    tpu.enqueue_indirect_dma source(%dma_start3A_6 : memref<10000x16xf32, #tpu.memory_space<hbm>>) target(%arg8 : memref<2000x16xf32, #tpu.memory_space<vmem>>) offsets(%arg7 : memref<2000xi32, #tpu.memory_space<vmem>>) semaphore(%arg9 : memref<!tpu.dma_semaphore, #tpu.memory_space<semaphore_mem>>)
    %dma_wait3A = arith.constant 0 : i32
    %dma_wait3A_7 = arith.constant 0 : i32
    %dma_wait3A_8 = tpu.memref_slice %arg2[%dma_wait3A, %dma_wait3A_7] : memref<10000x16xf32, #tpu.memory_space<hbm>> -> memref<10000x16xf32, #tpu.memory_space<hbm>>
    tpu.wait_indirect_dma semaphore(%arg9 : memref<!tpu.dma_semaphore, #tpu.memory_space<semaphore_mem>>) src(%dma_wait3A_8 : memref<10000x16xf32, #tpu.memory_space<hbm>>) dst(%arg8 : memref<2000x16xf32, #tpu.memory_space<vmem>>)
    "tpu.region"() ({
      %run_scoped3A = tpu.sem_alloc : memref<!tpu.dma_semaphore, #tpu.memory_space<semaphore_mem>>
      %dma_start3A_71 = arith.constant 0 : i32
      %dma_start3A_72 = tpu.memref_slice %arg5[%add3A_4, %dma_start3A_71] : memref<320000x16xf32, #tpu.memory_space<hbm>> -> memref<2000x16xf32, #tpu.memory_space<hbm>>
      %dma_start3A_73 = arith.constant 0 : i32
      %dma_start3A_74 = tpu.memref_slice %arg5[%add3A_4, %dma_start3A_73] : memref<320000x16xf32, #tpu.memory_space<hbm>> -> memref<2000x16xf32, #tpu.memory_space<hbm>>
      tpu.enqueue_dma source(%arg8 : memref<2000x16xf32, #tpu.memory_space<vmem>>) target(%dma_start3A_74 : memref<2000x16xf32, #tpu.memory_space<hbm>>) target_semaphore(%run_scoped3A : memref<!tpu.dma_semaphore, #tpu.memory_space<semaphore_mem>>)
      %dma_wait3A_75 = arith.constant 0 : i32
      %dma_wait3A_76 = tpu.memref_slice %arg5[%add3A_4, %dma_wait3A_75] : memref<320000x16xf32, #tpu.memory_space<hbm>> -> memref<2000x16xf32, #tpu.memory_space<hbm>>
      %dma_wait3A_77 = arith.constant 0 : i32
      %dma_wait3A_78 = tpu.memref_slice %arg5[%add3A_4, %dma_wait3A_77] : memref<320000x16xf32, #tpu.memory_space<hbm>> -> memref<2000x16xf32, #tpu.memory_space<hbm>>
      tpu.wait_dma2 semaphore(%run_scoped3A : memref<!tpu.dma_semaphore, #tpu.memory_space<semaphore_mem>>) src(%arg8 : memref<2000x16xf32, #tpu.memory_space<vmem>>) dst(%dma_wait3A_78 : memref<2000x16xf32, #tpu.memory_space<hbm>>)
      tpu.yield
    }) : () -> ()
    "tpu.region"() ({
      %run_scoped3A = tpu.sem_alloc : memref<!tpu.dma_semaphore, #tpu.memory_space<semaphore_mem>>
      %dma_start3A_71 = tpu.memref_slice %arg4[%add3A_4] : memref<320000xi32, #tpu.memory_space<hbm>> -> memref<2000xi32, #tpu.memory_space<hbm>>
      %dma_start3A_72 = tpu.memref_slice %arg4[%add3A_4] : memref<320000xi32, #tpu.memory_space<hbm>> -> memref<2000xi32, #tpu.memory_space<hbm>>
      tpu.enqueue_dma source(%dma_start3A_72 : memref<2000xi32, #tpu.memory_space<hbm>>) target(%arg7 : memref<2000xi32, #tpu.memory_space<vmem>>) target_semaphore(%run_scoped3A : memref<!tpu.dma_semaphore, #tpu.memory_space<semaphore_mem>>)
      %dma_wait3A_73 = tpu.memref_slice %arg4[%add3A_4] : memref<320000xi32, #tpu.memory_space<hbm>> -> memref<2000xi32, #tpu.memory_space<hbm>>
      %dma_wait3A_74 = tpu.memref_slice %arg4[%add3A_4] : memref<320000xi32, #tpu.memory_space<hbm>> -> memref<2000xi32, #tpu.memory_space<hbm>>
      tpu.wait_dma2 semaphore(%run_scoped3A : memref<!tpu.dma_semaphore, #tpu.memory_space<semaphore_mem>>) src(%dma_wait3A_74 : memref<2000xi32, #tpu.memory_space<hbm>>) dst(%arg7 : memref<2000xi32, #tpu.memory_space<vmem>>)
      tpu.yield
    }) : () -> ()
    %dma_start3A_9 = arith.constant 0 : i32
    %dma_start3A_10 = arith.constant 0 : i32
    %dma_start3A_11 = tpu.memref_slice %arg2[%dma_start3A_9, %dma_start3A_10] : memref<10000x16xf32, #tpu.memory_space<hbm>> -> memref<10000x16xf32, #tpu.memory_space<hbm>>
    tpu.enqueue_indirect_dma source(%dma_start3A_11 : memref<10000x16xf32, #tpu.memory_space<hbm>>) target(%arg8 : memref<2000x16xf32, #tpu.memory_space<vmem>>) offsets(%arg7 : memref<2000xi32, #tpu.memory_space<vmem>>) semaphore(%arg9 : memref<!tpu.dma_semaphore, #tpu.memory_space<semaphore_mem>>)
    %dma_wait3A_12 = arith.constant 0 : i32
    %dma_wait3A_13 = arith.constant 0 : i32
    %dma_wait3A_14 = tpu.memref_slice %arg2[%dma_wait3A_12, %dma_wait3A_13] : memref<10000x16xf32, #tpu.memory_space<hbm>> -> memref<10000x16xf32, #tpu.memory_space<hbm>>
    tpu.wait_indirect_dma semaphore(%arg9 : memref<!tpu.dma_semaphore, #tpu.memory_space<semaphore_mem>>) src(%dma_wait3A_14 : memref<10000x16xf32, #tpu.memory_space<hbm>>) dst(%arg8 : memref<2000x16xf32, #tpu.memory_space<vmem>>)
    "tpu.region"() ({
      %run_scoped3A = tpu.sem_alloc : memref<!tpu.dma_semaphore, #tpu.memory_space<semaphore_mem>>
      %dma_start3A_71 = arith.constant 0 : i32
      %dma_start3A_72 = tpu.memref_slice %arg6[%add3A_4, %dma_start3A_71] : memref<320000x16xf32, #tpu.memory_space<hbm>> -> memref<2000x16xf32, #tpu.memory_space<hbm>>
      %dma_start3A_73 = arith.constant 0 : i32
      %dma_start3A_74 = tpu.memref_slice %arg6[%add3A_4, %dma_start3A_73] : memref<320000x16xf32, #tpu.memory_space<hbm>> -> memref<2000x16xf32, #tpu.memory_space<hbm>>
      tpu.enqueue_dma source(%arg8 : memref<2000x16xf32, #tpu.memory_space<vmem>>) target(%dma_start3A_74 : memref<2000x16xf32, #tpu.memory_space<hbm>>) target_semaphore(%run_scoped3A : memref<!tpu.dma_semaphore, #tpu.memory_space<semaphore_mem>>)
      %dma_wait3A_75 = arith.constant 0 : i32
      %dma_wait3A_76 = tpu.memref_slice %arg6[%add3A_4, %dma_wait3A_75] : memref<320000x16xf32, #tpu.memory_space<hbm>> -> memref<2000x16xf32, #tpu.memory_space<hbm>>
      %dma_wait3A_77 = arith.constant 0 : i32
      %dma_wait3A_78 = tpu.memref_slice %arg6[%add3A_4, %dma_wait3A_77] : memref<320000x16xf32, #tpu.memory_space<hbm>> -> memref<2000x16xf32, #tpu.memory_space<hbm>>
      tpu.wait_dma2 semaphore(%run_scoped3A : memref<!tpu.dma_semaphore, #tpu.memory_space<semaphore_mem>>) src(%arg8 : memref<2000x16xf32, #tpu.memory_space<vmem>>) dst(%dma_wait3A_78 : memref<2000x16xf32, #tpu.memory_space<hbm>>)
      tpu.yield
    }) : () -> ()
    %add3A_15 = arith.constant 2000 : i32
    %add3A_16 = arith.addi %mul3A_2, %add3A_15 : i32
    "tpu.region"() ({
      %run_scoped3A = tpu.sem_alloc : memref<!tpu.dma_semaphore, #tpu.memory_space<semaphore_mem>>
      %dma_start3A_71 = tpu.memref_slice %arg3[%add3A_16] : memref<320000xi32, #tpu.memory_space<hbm>> -> memref<2000xi32, #tpu.memory_space<hbm>>
      %dma_start3A_72 = tpu.memref_slice %arg3[%add3A_16] : memref<320000xi32, #tpu.memory_space<hbm>> -> memref<2000xi32, #tpu.memory_space<hbm>>
      tpu.enqueue_dma source(%dma_start3A_72 : memref<2000xi32, #tpu.memory_space<hbm>>) target(%arg7 : memref<2000xi32, #tpu.memory_space<vmem>>) target_semaphore(%run_scoped3A : memref<!tpu.dma_semaphore, #tpu.memory_space<semaphore_mem>>)
      %dma_wait3A_73 = tpu.memref_slice %arg3[%add3A_16] : memref<320000xi32, #tpu.memory_space<hbm>> -> memref<2000xi32, #tpu.memory_space<hbm>>
      %dma_wait3A_74 = tpu.memref_slice %arg3[%add3A_16] : memref<320000xi32, #tpu.memory_space<hbm>> -> memref<2000xi32, #tpu.memory_space<hbm>>
      tpu.wait_dma2 semaphore(%run_scoped3A : memref<!tpu.dma_semaphore, #tpu.memory_space<semaphore_mem>>) src(%dma_wait3A_74 : memref<2000xi32, #tpu.memory_space<hbm>>) dst(%arg7 : memref<2000xi32, #tpu.memory_space<vmem>>)
      tpu.yield
    }) : () -> ()
    %dma_start3A_17 = arith.constant 0 : i32
    %dma_start3A_18 = arith.constant 0 : i32
    %dma_start3A_19 = tpu.memref_slice %arg2[%dma_start3A_17, %dma_start3A_18] : memref<10000x16xf32, #tpu.memory_space<hbm>> -> memref<10000x16xf32, #tpu.memory_space<hbm>>
    tpu.enqueue_indirect_dma source(%dma_start3A_19 : memref<10000x16xf32, #tpu.memory_space<hbm>>) target(%arg8 : memref<2000x16xf32, #tpu.memory_space<vmem>>) offsets(%arg7 : memref<2000xi32, #tpu.memory_space<vmem>>) semaphore(%arg9 : memref<!tpu.dma_semaphore, #tpu.memory_space<semaphore_mem>>)
    %dma_wait3A_20 = arith.constant 0 : i32
    %dma_wait3A_21 = arith.constant 0 : i32
    %dma_wait3A_22 = tpu.memref_slice %arg2[%dma_wait3A_20, %dma_wait3A_21] : memref<10000x16xf32, #tpu.memory_space<hbm>> -> memref<10000x16xf32, #tpu.memory_space<hbm>>
    tpu.wait_indirect_dma semaphore(%arg9 : memref<!tpu.dma_semaphore, #tpu.memory_space<semaphore_mem>>) src(%dma_wait3A_22 : memref<10000x16xf32, #tpu.memory_space<hbm>>) dst(%arg8 : memref<2000x16xf32, #tpu.memory_space<vmem>>)
    "tpu.region"() ({
      %run_scoped3A = tpu.sem_alloc : memref<!tpu.dma_semaphore, #tpu.memory_space<semaphore_mem>>
      %dma_start3A_71 = arith.constant 0 : i32
      %dma_start3A_72 = tpu.memref_slice %arg5[%add3A_16, %dma_start3A_71] : memref<320000x16xf32, #tpu.memory_space<hbm>> -> memref<2000x16xf32, #tpu.memory_space<hbm>>
      %dma_start3A_73 = arith.constant 0 : i32
      %dma_start3A_74 = tpu.memref_slice %arg5[%add3A_16, %dma_start3A_73] : memref<320000x16xf32, #tpu.memory_space<hbm>> -> memref<2000x16xf32, #tpu.memory_space<hbm>>
      tpu.enqueue_dma source(%arg8 : memref<2000x16xf32, #tpu.memory_space<vmem>>) target(%dma_start3A_74 : memref<2000x16xf32, #tpu.memory_space<hbm>>) target_semaphore(%run_scoped3A : memref<!tpu.dma_semaphore, #tpu.memory_space<semaphore_mem>>)
      %dma_wait3A_75 = arith.constant 0 : i32
      %dma_wait3A_76 = tpu.memref_slice %arg5[%add3A_16, %dma_wait3A_75] : memref<320000x16xf32, #tpu.memory_space<hbm>> -> memref<2000x16xf32, #tpu.memory_space<hbm>>
      %dma_wait3A_77 = arith.constant 0 : i32
      %dma_wait3A_78 = tpu.memref_slice %arg5[%add3A_16, %dma_wait3A_77] : memref<320000x16xf32, #tpu.memory_space<hbm>> -> memref<2000x16xf32, #tpu.memory_space<hbm>>
      tpu.wait_dma2 semaphore(%run_scoped3A : memref<!tpu.dma_semaphore, #tpu.memory_space<semaphore_mem>>) src(%arg8 : memref<2000x16xf32, #tpu.memory_space<vmem>>) dst(%dma_wait3A_78 : memref<2000x16xf32, #tpu.memory_space<hbm>>)
      tpu.yield
    }) : () -> ()
    "tpu.region"() ({
      %run_scoped3A = tpu.sem_alloc : memref<!tpu.dma_semaphore, #tpu.memory_space<semaphore_mem>>
      %dma_start3A_71 = tpu.memref_slice %arg4[%add3A_16] : memref<320000xi32, #tpu.memory_space<hbm>> -> memref<2000xi32, #tpu.memory_space<hbm>>
      %dma_start3A_72 = tpu.memref_slice %arg4[%add3A_16] : memref<320000xi32, #tpu.memory_space<hbm>> -> memref<2000xi32, #tpu.memory_space<hbm>>
      tpu.enqueue_dma source(%dma_start3A_72 : memref<2000xi32, #tpu.memory_space<hbm>>) target(%arg7 : memref<2000xi32, #tpu.memory_space<vmem>>) target_semaphore(%run_scoped3A : memref<!tpu.dma_semaphore, #tpu.memory_space<semaphore_mem>>)
      %dma_wait3A_73 = tpu.memref_slice %arg4[%add3A_16] : memref<320000xi32, #tpu.memory_space<hbm>> -> memref<2000xi32, #tpu.memory_space<hbm>>
      %dma_wait3A_74 = tpu.memref_slice %arg4[%add3A_16] : memref<320000xi32, #tpu.memory_space<hbm>> -> memref<2000xi32, #tpu.memory_space<hbm>>
      tpu.wait_dma2 semaphore(%run_scoped3A : memref<!tpu.dma_semaphore, #tpu.memory_space<semaphore_mem>>) src(%dma_wait3A_74 : memref<2000xi32, #tpu.memory_space<hbm>>) dst(%arg7 : memref<2000xi32, #tpu.memory_space<vmem>>)
      tpu.yield
    }) : () -> ()
    %dma_start3A_23 = arith.constant 0 : i32
    %dma_start3A_24 = arith.constant 0 : i32
    %dma_start3A_25 = tpu.memref_slice %arg2[%dma_start3A_23, %dma_start3A_24] : memref<10000x16xf32, #tpu.memory_space<hbm>> -> memref<10000x16xf32, #tpu.memory_space<hbm>>
    tpu.enqueue_indirect_dma source(%dma_start3A_25 : memref<10000x16xf32, #tpu.memory_space<hbm>>) target(%arg8 : memref<2000x16xf32, #tpu.memory_space<vmem>>) offsets(%arg7 : memref<2000xi32, #tpu.memory_space<vmem>>) semaphore(%arg9 : memref<!tpu.dma_semaphore, #tpu.memory_space<semaphore_mem>>)
    %dma_wait3A_26 = arith.constant 0 : i32
    %dma_wait3A_27 = arith.constant 0 : i32
    %dma_wait3A_28 = tpu.memref_slice %arg2[%dma_wait3A_26, %dma_wait3A_27] : memref<10000x16xf32, #tpu.memory_space<hbm>> -> memref<10000x16xf32, #tpu.memory_space<hbm>>
    tpu.wait_indirect_dma semaphore(%arg9 : memref<!tpu.dma_semaphore, #tpu.memory_space<semaphore_mem>>) src(%dma_wait3A_28 : memref<10000x16xf32, #tpu.memory_space<hbm>>) dst(%arg8 : memref<2000x16xf32, #tpu.memory_space<vmem>>)
    "tpu.region"() ({
      %run_scoped3A = tpu.sem_alloc : memref<!tpu.dma_semaphore, #tpu.memory_space<semaphore_mem>>
      %dma_start3A_71 = arith.constant 0 : i32
      %dma_start3A_72 = tpu.memref_slice %arg6[%add3A_16, %dma_start3A_71] : memref<320000x16xf32, #tpu.memory_space<hbm>> -> memref<2000x16xf32, #tpu.memory_space<hbm>>
      %dma_start3A_73 = arith.constant 0 : i32
      %dma_start3A_74 = tpu.memref_slice %arg6[%add3A_16, %dma_start3A_73] : memref<320000x16xf32, #tpu.memory_space<hbm>> -> memref<2000x16xf32, #tpu.memory_space<hbm>>
      tpu.enqueue_dma source(%arg8 : memref<2000x16xf32, #tpu.memory_space<vmem>>) target(%dma_start3A_74 : memref<2000x16xf32, #tpu.memory_space<hbm>>) target_semaphore(%run_scoped3A : memref<!tpu.dma_semaphore, #tpu.memory_space<semaphore_mem>>)
      %dma_wait3A_75 = arith.constant 0 : i32
      %dma_wait3A_76 = tpu.memref_slice %arg6[%add3A_16, %dma_wait3A_75] : memref<320000x16xf32, #tpu.memory_space<hbm>> -> memref<2000x16xf32, #tpu.memory_space<hbm>>
      %dma_wait3A_77 = arith.constant 0 : i32
      %dma_wait3A_78 = tpu.memref_slice %arg6[%add3A_16, %dma_wait3A_77] : memref<320000x16xf32, #tpu.memory_space<hbm>> -> memref<2000x16xf32, #tpu.memory_space<hbm>>
      tpu.wait_dma2 semaphore(%run_scoped3A : memref<!tpu.dma_semaphore, #tpu.memory_space<semaphore_mem>>) src(%arg8 : memref<2000x16xf32, #tpu.memory_space<vmem>>) dst(%dma_wait3A_78 : memref<2000x16xf32, #tpu.memory_space<hbm>>)
      tpu.yield
    }) : () -> ()
    %add3A_29 = arith.constant 4000 : i32
    %add3A_30 = arith.addi %mul3A_2, %add3A_29 : i32
    "tpu.region"() ({
      %run_scoped3A = tpu.sem_alloc : memref<!tpu.dma_semaphore, #tpu.memory_space<semaphore_mem>>
      %dma_start3A_71 = tpu.memref_slice %arg3[%add3A_30] : memref<320000xi32, #tpu.memory_space<hbm>> -> memref<2000xi32, #tpu.memory_space<hbm>>
      %dma_start3A_72 = tpu.memref_slice %arg3[%add3A_30] : memref<320000xi32, #tpu.memory_space<hbm>> -> memref<2000xi32, #tpu.memory_space<hbm>>
      tpu.enqueue_dma source(%dma_start3A_72 : memref<2000xi32, #tpu.memory_space<hbm>>) target(%arg7 : memref<2000xi32, #tpu.memory_space<vmem>>) target_semaphore(%run_scoped3A : memref<!tpu.dma_semaphore, #tpu.memory_space<semaphore_mem>>)
      %dma_wait3A_73 = tpu.memref_slice %arg3[%add3A_30] : memref<320000xi32, #tpu.memory_space<hbm>> -> memref<2000xi32, #tpu.memory_space<hbm>>
      %dma_wait3A_74 = tpu.memref_slice %arg3[%add3A_30] : memref<320000xi32, #tpu.memory_space<hbm>> -> memref<2000xi32, #tpu.memory_space<hbm>>
      tpu.wait_dma2 semaphore(%run_scoped3A : memref<!tpu.dma_semaphore, #tpu.memory_space<semaphore_mem>>) src(%dma_wait3A_74 : memref<2000xi32, #tpu.memory_space<hbm>>) dst(%arg7 : memref<2000xi32, #tpu.memory_space<vmem>>)
      tpu.yield
    }) : () -> ()
    %dma_start3A_31 = arith.constant 0 : i32
    %dma_start3A_32 = arith.constant 0 : i32
    %dma_start3A_33 = tpu.memref_slice %arg2[%dma_start3A_31, %dma_start3A_32] : memref<10000x16xf32, #tpu.memory_space<hbm>> -> memref<10000x16xf32, #tpu.memory_space<hbm>>
    tpu.enqueue_indirect_dma source(%dma_start3A_33 : memref<10000x16xf32, #tpu.memory_space<hbm>>) target(%arg8 : memref<2000x16xf32, #tpu.memory_space<vmem>>) offsets(%arg7 : memref<2000xi32, #tpu.memory_space<vmem>>) semaphore(%arg9 : memref<!tpu.dma_semaphore, #tpu.memory_space<semaphore_mem>>)
    %dma_wait3A_34 = arith.constant 0 : i32
    %dma_wait3A_35 = arith.constant 0 : i32
    %dma_wait3A_36 = tpu.memref_slice %arg2[%dma_wait3A_34, %dma_wait3A_35] : memref<10000x16xf32, #tpu.memory_space<hbm>> -> memref<10000x16xf32, #tpu.memory_space<hbm>>
    tpu.wait_indirect_dma semaphore(%arg9 : memref<!tpu.dma_semaphore, #tpu.memory_space<semaphore_mem>>) src(%dma_wait3A_36 : memref<10000x16xf32, #tpu.memory_space<hbm>>) dst(%arg8 : memref<2000x16xf32, #tpu.memory_space<vmem>>)
    "tpu.region"() ({
      %run_scoped3A = tpu.sem_alloc : memref<!tpu.dma_semaphore, #tpu.memory_space<semaphore_mem>>
      %dma_start3A_71 = arith.constant 0 : i32
      %dma_start3A_72 = tpu.memref_slice %arg5[%add3A_30, %dma_start3A_71] : memref<320000x16xf32, #tpu.memory_space<hbm>> -> memref<2000x16xf32, #tpu.memory_space<hbm>>
      %dma_start3A_73 = arith.constant 0 : i32
      %dma_start3A_74 = tpu.memref_slice %arg5[%add3A_30, %dma_start3A_73] : memref<320000x16xf32, #tpu.memory_space<hbm>> -> memref<2000x16xf32, #tpu.memory_space<hbm>>
      tpu.enqueue_dma source(%arg8 : memref<2000x16xf32, #tpu.memory_space<vmem>>) target(%dma_start3A_74 : memref<2000x16xf32, #tpu.memory_space<hbm>>) target_semaphore(%run_scoped3A : memref<!tpu.dma_semaphore, #tpu.memory_space<semaphore_mem>>)
      %dma_wait3A_75 = arith.constant 0 : i32
      %dma_wait3A_76 = tpu.memref_slice %arg5[%add3A_30, %dma_wait3A_75] : memref<320000x16xf32, #tpu.memory_space<hbm>> -> memref<2000x16xf32, #tpu.memory_space<hbm>>
      %dma_wait3A_77 = arith.constant 0 : i32
      %dma_wait3A_78 = tpu.memref_slice %arg5[%add3A_30, %dma_wait3A_77] : memref<320000x16xf32, #tpu.memory_space<hbm>> -> memref<2000x16xf32, #tpu.memory_space<hbm>>
      tpu.wait_dma2 semaphore(%run_scoped3A : memref<!tpu.dma_semaphore, #tpu.memory_space<semaphore_mem>>) src(%arg8 : memref<2000x16xf32, #tpu.memory_space<vmem>>) dst(%dma_wait3A_78 : memref<2000x16xf32, #tpu.memory_space<hbm>>)
      tpu.yield
    }) : () -> ()
    "tpu.region"() ({
      %run_scoped3A = tpu.sem_alloc : memref<!tpu.dma_semaphore, #tpu.memory_space<semaphore_mem>>
      %dma_start3A_71 = tpu.memref_slice %arg4[%add3A_30] : memref<320000xi32, #tpu.memory_space<hbm>> -> memref<2000xi32, #tpu.memory_space<hbm>>
      %dma_start3A_72 = tpu.memref_slice %arg4[%add3A_30] : memref<320000xi32, #tpu.memory_space<hbm>> -> memref<2000xi32, #tpu.memory_space<hbm>>
      tpu.enqueue_dma source(%dma_start3A_72 : memref<2000xi32, #tpu.memory_space<hbm>>) target(%arg7 : memref<2000xi32, #tpu.memory_space<vmem>>) target_semaphore(%run_scoped3A : memref<!tpu.dma_semaphore, #tpu.memory_space<semaphore_mem>>)
      %dma_wait3A_73 = tpu.memref_slice %arg4[%add3A_30] : memref<320000xi32, #tpu.memory_space<hbm>> -> memref<2000xi32, #tpu.memory_space<hbm>>
      %dma_wait3A_74 = tpu.memref_slice %arg4[%add3A_30] : memref<320000xi32, #tpu.memory_space<hbm>> -> memref<2000xi32, #tpu.memory_space<hbm>>
      tpu.wait_dma2 semaphore(%run_scoped3A : memref<!tpu.dma_semaphore, #tpu.memory_space<semaphore_mem>>) src(%dma_wait3A_74 : memref<2000xi32, #tpu.memory_space<hbm>>) dst(%arg7 : memref<2000xi32, #tpu.memory_space<vmem>>)
      tpu.yield
    }) : () -> ()
    %dma_start3A_37 = arith.constant 0 : i32
    %dma_start3A_38 = arith.constant 0 : i32
    %dma_start3A_39 = tpu.memref_slice %arg2[%dma_start3A_37, %dma_start3A_38] : memref<10000x16xf32, #tpu.memory_space<hbm>> -> memref<10000x16xf32, #tpu.memory_space<hbm>>
    tpu.enqueue_indirect_dma source(%dma_start3A_39 : memref<10000x16xf32, #tpu.memory_space<hbm>>) target(%arg8 : memref<2000x16xf32, #tpu.memory_space<vmem>>) offsets(%arg7 : memref<2000xi32, #tpu.memory_space<vmem>>) semaphore(%arg9 : memref<!tpu.dma_semaphore, #tpu.memory_space<semaphore_mem>>)
    %dma_wait3A_40 = arith.constant 0 : i32
    %dma_wait3A_41 = arith.constant 0 : i32
    %dma_wait3A_42 = tpu.memref_slice %arg2[%dma_wait3A_40, %dma_wait3A_41] : memref<10000x16xf32, #tpu.memory_space<hbm>> -> memref<10000x16xf32, #tpu.memory_space<hbm>>
    tpu.wait_indirect_dma semaphore(%arg9 : memref<!tpu.dma_semaphore, #tpu.memory_space<semaphore_mem>>) src(%dma_wait3A_42 : memref<10000x16xf32, #tpu.memory_space<hbm>>) dst(%arg8 : memref<2000x16xf32, #tpu.memory_space<vmem>>)
    "tpu.region"() ({
      %run_scoped3A = tpu.sem_alloc : memref<!tpu.dma_semaphore, #tpu.memory_space<semaphore_mem>>
      %dma_start3A_71 = arith.constant 0 : i32
      %dma_start3A_72 = tpu.memref_slice %arg6[%add3A_30, %dma_start3A_71] : memref<320000x16xf32, #tpu.memory_space<hbm>> -> memref<2000x16xf32, #tpu.memory_space<hbm>>
      %dma_start3A_73 = arith.constant 0 : i32
      %dma_start3A_74 = tpu.memref_slice %arg6[%add3A_30, %dma_start3A_73] : memref<320000x16xf32, #tpu.memory_space<hbm>> -> memref<2000x16xf32, #tpu.memory_space<hbm>>
      tpu.enqueue_dma source(%arg8 : memref<2000x16xf32, #tpu.memory_space<vmem>>) target(%dma_start3A_74 : memref<2000x16xf32, #tpu.memory_space<hbm>>) target_semaphore(%run_scoped3A : memref<!tpu.dma_semaphore, #tpu.memory_space<semaphore_mem>>)
      %dma_wait3A_75 = arith.constant 0 : i32
      %dma_wait3A_76 = tpu.memref_slice %arg6[%add3A_30, %dma_wait3A_75] : memref<320000x16xf32, #tpu.memory_space<hbm>> -> memref<2000x16xf32, #tpu.memory_space<hbm>>
      %dma_wait3A_77 = arith.constant 0 : i32
      %dma_wait3A_78 = tpu.memref_slice %arg6[%add3A_30, %dma_wait3A_77] : memref<320000x16xf32, #tpu.memory_space<hbm>> -> memref<2000x16xf32, #tpu.memory_space<hbm>>
      tpu.wait_dma2 semaphore(%run_scoped3A : memref<!tpu.dma_semaphore, #tpu.memory_space<semaphore_mem>>) src(%arg8 : memref<2000x16xf32, #tpu.memory_space<vmem>>) dst(%dma_wait3A_78 : memref<2000x16xf32, #tpu.memory_space<hbm>>)
      tpu.yield
    }) : () -> ()
    %add3A_43 = arith.constant 6000 : i32
    %add3A_44 = arith.addi %mul3A_2, %add3A_43 : i32
    "tpu.region"() ({
      %run_scoped3A = tpu.sem_alloc : memref<!tpu.dma_semaphore, #tpu.memory_space<semaphore_mem>>
      %dma_start3A_71 = tpu.memref_slice %arg3[%add3A_44] : memref<320000xi32, #tpu.memory_space<hbm>> -> memref<2000xi32, #tpu.memory_space<hbm>>
      %dma_start3A_72 = tpu.memref_slice %arg3[%add3A_44] : memref<320000xi32, #tpu.memory_space<hbm>> -> memref<2000xi32, #tpu.memory_space<hbm>>
      tpu.enqueue_dma source(%dma_start3A_72 : memref<2000xi32, #tpu.memory_space<hbm>>) target(%arg7 : memref<2000xi32, #tpu.memory_space<vmem>>) target_semaphore(%run_scoped3A : memref<!tpu.dma_semaphore, #tpu.memory_space<semaphore_mem>>)
      %dma_wait3A_73 = tpu.memref_slice %arg3[%add3A_44] : memref<320000xi32, #tpu.memory_space<hbm>> -> memref<2000xi32, #tpu.memory_space<hbm>>
      %dma_wait3A_74 = tpu.memref_slice %arg3[%add3A_44] : memref<320000xi32, #tpu.memory_space<hbm>> -> memref<2000xi32, #tpu.memory_space<hbm>>
      tpu.wait_dma2 semaphore(%run_scoped3A : memref<!tpu.dma_semaphore, #tpu.memory_space<semaphore_mem>>) src(%dma_wait3A_74 : memref<2000xi32, #tpu.memory_space<hbm>>) dst(%arg7 : memref<2000xi32, #tpu.memory_space<vmem>>)
      tpu.yield
    }) : () -> ()
    %dma_start3A_45 = arith.constant 0 : i32
    %dma_start3A_46 = arith.constant 0 : i32
    %dma_start3A_47 = tpu.memref_slice %arg2[%dma_start3A_45, %dma_start3A_46] : memref<10000x16xf32, #tpu.memory_space<hbm>> -> memref<10000x16xf32, #tpu.memory_space<hbm>>
    tpu.enqueue_indirect_dma source(%dma_start3A_47 : memref<10000x16xf32, #tpu.memory_space<hbm>>) target(%arg8 : memref<2000x16xf32, #tpu.memory_space<vmem>>) offsets(%arg7 : memref<2000xi32, #tpu.memory_space<vmem>>) semaphore(%arg9 : memref<!tpu.dma_semaphore, #tpu.memory_space<semaphore_mem>>)
    %dma_wait3A_48 = arith.constant 0 : i32
    %dma_wait3A_49 = arith.constant 0 : i32
    %dma_wait3A_50 = tpu.memref_slice %arg2[%dma_wait3A_48, %dma_wait3A_49] : memref<10000x16xf32, #tpu.memory_space<hbm>> -> memref<10000x16xf32, #tpu.memory_space<hbm>>
    tpu.wait_indirect_dma semaphore(%arg9 : memref<!tpu.dma_semaphore, #tpu.memory_space<semaphore_mem>>) src(%dma_wait3A_50 : memref<10000x16xf32, #tpu.memory_space<hbm>>) dst(%arg8 : memref<2000x16xf32, #tpu.memory_space<vmem>>)
    "tpu.region"() ({
      %run_scoped3A = tpu.sem_alloc : memref<!tpu.dma_semaphore, #tpu.memory_space<semaphore_mem>>
      %dma_start3A_71 = arith.constant 0 : i32
      %dma_start3A_72 = tpu.memref_slice %arg5[%add3A_44, %dma_start3A_71] : memref<320000x16xf32, #tpu.memory_space<hbm>> -> memref<2000x16xf32, #tpu.memory_space<hbm>>
      %dma_start3A_73 = arith.constant 0 : i32
      %dma_start3A_74 = tpu.memref_slice %arg5[%add3A_44, %dma_start3A_73] : memref<320000x16xf32, #tpu.memory_space<hbm>> -> memref<2000x16xf32, #tpu.memory_space<hbm>>
      tpu.enqueue_dma source(%arg8 : memref<2000x16xf32, #tpu.memory_space<vmem>>) target(%dma_start3A_74 : memref<2000x16xf32, #tpu.memory_space<hbm>>) target_semaphore(%run_scoped3A : memref<!tpu.dma_semaphore, #tpu.memory_space<semaphore_mem>>)
      %dma_wait3A_75 = arith.constant 0 : i32
      %dma_wait3A_76 = tpu.memref_slice %arg5[%add3A_44, %dma_wait3A_75] : memref<320000x16xf32, #tpu.memory_space<hbm>> -> memref<2000x16xf32, #tpu.memory_space<hbm>>
      %dma_wait3A_77 = arith.constant 0 : i32
      %dma_wait3A_78 = tpu.memref_slice %arg5[%add3A_44, %dma_wait3A_77] : memref<320000x16xf32, #tpu.memory_space<hbm>> -> memref<2000x16xf32, #tpu.memory_space<hbm>>
      tpu.wait_dma2 semaphore(%run_scoped3A : memref<!tpu.dma_semaphore, #tpu.memory_space<semaphore_mem>>) src(%arg8 : memref<2000x16xf32, #tpu.memory_space<vmem>>) dst(%dma_wait3A_78 : memref<2000x16xf32, #tpu.memory_space<hbm>>)
      tpu.yield
    }) : () -> ()
    "tpu.region"() ({
      %run_scoped3A = tpu.sem_alloc : memref<!tpu.dma_semaphore, #tpu.memory_space<semaphore_mem>>
      %dma_start3A_71 = tpu.memref_slice %arg4[%add3A_44] : memref<320000xi32, #tpu.memory_space<hbm>> -> memref<2000xi32, #tpu.memory_space<hbm>>
      %dma_start3A_72 = tpu.memref_slice %arg4[%add3A_44] : memref<320000xi32, #tpu.memory_space<hbm>> -> memref<2000xi32, #tpu.memory_space<hbm>>
      tpu.enqueue_dma source(%dma_start3A_72 : memref<2000xi32, #tpu.memory_space<hbm>>) target(%arg7 : memref<2000xi32, #tpu.memory_space<vmem>>) target_semaphore(%run_scoped3A : memref<!tpu.dma_semaphore, #tpu.memory_space<semaphore_mem>>)
      %dma_wait3A_73 = tpu.memref_slice %arg4[%add3A_44] : memref<320000xi32, #tpu.memory_space<hbm>> -> memref<2000xi32, #tpu.memory_space<hbm>>
      %dma_wait3A_74 = tpu.memref_slice %arg4[%add3A_44] : memref<320000xi32, #tpu.memory_space<hbm>> -> memref<2000xi32, #tpu.memory_space<hbm>>
      tpu.wait_dma2 semaphore(%run_scoped3A : memref<!tpu.dma_semaphore, #tpu.memory_space<semaphore_mem>>) src(%dma_wait3A_74 : memref<2000xi32, #tpu.memory_space<hbm>>) dst(%arg7 : memref<2000xi32, #tpu.memory_space<vmem>>)
      tpu.yield
    }) : () -> ()
    %dma_start3A_51 = arith.constant 0 : i32
    %dma_start3A_52 = arith.constant 0 : i32
    %dma_start3A_53 = tpu.memref_slice %arg2[%dma_start3A_51, %dma_start3A_52] : memref<10000x16xf32, #tpu.memory_space<hbm>> -> memref<10000x16xf32, #tpu.memory_space<hbm>>
    tpu.enqueue_indirect_dma source(%dma_start3A_53 : memref<10000x16xf32, #tpu.memory_space<hbm>>) target(%arg8 : memref<2000x16xf32, #tpu.memory_space<vmem>>) offsets(%arg7 : memref<2000xi32, #tpu.memory_space<vmem>>) semaphore(%arg9 : memref<!tpu.dma_semaphore, #tpu.memory_space<semaphore_mem>>)
    %dma_wait3A_54 = arith.constant 0 : i32
    %dma_wait3A_55 = arith.constant 0 : i32
    %dma_wait3A_56 = tpu.memref_slice %arg2[%dma_wait3A_54, %dma_wait3A_55] : memref<10000x16xf32, #tpu.memory_space<hbm>> -> memref<10000x16xf32, #tpu.memory_space<hbm>>
    tpu.wait_indirect_dma semaphore(%arg9 : memref<!tpu.dma_semaphore, #tpu.memory_space<semaphore_mem>>) src(%dma_wait3A_56 : memref<10000x16xf32, #tpu.memory_space<hbm>>) dst(%arg8 : memref<2000x16xf32, #tpu.memory_space<vmem>>)
    "tpu.region"() ({
      %run_scoped3A = tpu.sem_alloc : memref<!tpu.dma_semaphore, #tpu.memory_space<semaphore_mem>>
      %dma_start3A_71 = arith.constant 0 : i32
      %dma_start3A_72 = tpu.memref_slice %arg6[%add3A_44, %dma_start3A_71] : memref<320000x16xf32, #tpu.memory_space<hbm>> -> memref<2000x16xf32, #tpu.memory_space<hbm>>
      %dma_start3A_73 = arith.constant 0 : i32
      %dma_start3A_74 = tpu.memref_slice %arg6[%add3A_44, %dma_start3A_73] : memref<320000x16xf32, #tpu.memory_space<hbm>> -> memref<2000x16xf32, #tpu.memory_space<hbm>>
      tpu.enqueue_dma source(%arg8 : memref<2000x16xf32, #tpu.memory_space<vmem>>) target(%dma_start3A_74 : memref<2000x16xf32, #tpu.memory_space<hbm>>) target_semaphore(%run_scoped3A : memref<!tpu.dma_semaphore, #tpu.memory_space<semaphore_mem>>)
      %dma_wait3A_75 = arith.constant 0 : i32
      %dma_wait3A_76 = tpu.memref_slice %arg6[%add3A_44, %dma_wait3A_75] : memref<320000x16xf32, #tpu.memory_space<hbm>> -> memref<2000x16xf32, #tpu.memory_space<hbm>>
      %dma_wait3A_77 = arith.constant 0 : i32
      %dma_wait3A_78 = tpu.memref_slice %arg6[%add3A_44, %dma_wait3A_77] : memref<320000x16xf32, #tpu.memory_space<hbm>> -> memref<2000x16xf32, #tpu.memory_space<hbm>>
      tpu.wait_dma2 semaphore(%run_scoped3A : memref<!tpu.dma_semaphore, #tpu.memory_space<semaphore_mem>>) src(%arg8 : memref<2000x16xf32, #tpu.memory_space<vmem>>) dst(%dma_wait3A_78 : memref<2000x16xf32, #tpu.memory_space<hbm>>)
      tpu.yield
    }) : () -> ()
    %add3A_57 = arith.constant 8000 : i32
    %add3A_58 = arith.addi %mul3A_2, %add3A_57 : i32
    "tpu.region"() ({
      %run_scoped3A = tpu.sem_alloc : memref<!tpu.dma_semaphore, #tpu.memory_space<semaphore_mem>>
      %dma_start3A_71 = tpu.memref_slice %arg3[%add3A_58] : memref<320000xi32, #tpu.memory_space<hbm>> -> memref<2000xi32, #tpu.memory_space<hbm>>
      %dma_start3A_72 = tpu.memref_slice %arg3[%add3A_58] : memref<320000xi32, #tpu.memory_space<hbm>> -> memref<2000xi32, #tpu.memory_space<hbm>>
      tpu.enqueue_dma source(%dma_start3A_72 : memref<2000xi32, #tpu.memory_space<hbm>>) target(%arg7 : memref<2000xi32, #tpu.memory_space<vmem>>) target_semaphore(%run_scoped3A : memref<!tpu.dma_semaphore, #tpu.memory_space<semaphore_mem>>)
      %dma_wait3A_73 = tpu.memref_slice %arg3[%add3A_58] : memref<320000xi32, #tpu.memory_space<hbm>> -> memref<2000xi32, #tpu.memory_space<hbm>>
      %dma_wait3A_74 = tpu.memref_slice %arg3[%add3A_58] : memref<320000xi32, #tpu.memory_space<hbm>> -> memref<2000xi32, #tpu.memory_space<hbm>>
      tpu.wait_dma2 semaphore(%run_scoped3A : memref<!tpu.dma_semaphore, #tpu.memory_space<semaphore_mem>>) src(%dma_wait3A_74 : memref<2000xi32, #tpu.memory_space<hbm>>) dst(%arg7 : memref<2000xi32, #tpu.memory_space<vmem>>)
      tpu.yield
    }) : () -> ()
    %dma_start3A_59 = arith.constant 0 : i32
    %dma_start3A_60 = arith.constant 0 : i32
    %dma_start3A_61 = tpu.memref_slice %arg2[%dma_start3A_59, %dma_start3A_60] : memref<10000x16xf32, #tpu.memory_space<hbm>> -> memref<10000x16xf32, #tpu.memory_space<hbm>>
    tpu.enqueue_indirect_dma source(%dma_start3A_61 : memref<10000x16xf32, #tpu.memory_space<hbm>>) target(%arg8 : memref<2000x16xf32, #tpu.memory_space<vmem>>) offsets(%arg7 : memref<2000xi32, #tpu.memory_space<vmem>>) semaphore(%arg9 : memref<!tpu.dma_semaphore, #tpu.memory_space<semaphore_mem>>)
    %dma_wait3A_62 = arith.constant 0 : i32
    %dma_wait3A_63 = arith.constant 0 : i32
    %dma_wait3A_64 = tpu.memref_slice %arg2[%dma_wait3A_62, %dma_wait3A_63] : memref<10000x16xf32, #tpu.memory_space<hbm>> -> memref<10000x16xf32, #tpu.memory_space<hbm>>
    tpu.wait_indirect_dma semaphore(%arg9 : memref<!tpu.dma_semaphore, #tpu.memory_space<semaphore_mem>>) src(%dma_wait3A_64 : memref<10000x16xf32, #tpu.memory_space<hbm>>) dst(%arg8 : memref<2000x16xf32, #tpu.memory_space<vmem>>)
    "tpu.region"() ({
      %run_scoped3A = tpu.sem_alloc : memref<!tpu.dma_semaphore, #tpu.memory_space<semaphore_mem>>
      %dma_start3A_71 = arith.constant 0 : i32
      %dma_start3A_72 = tpu.memref_slice %arg5[%add3A_58, %dma_start3A_71] : memref<320000x16xf32, #tpu.memory_space<hbm>> -> memref<2000x16xf32, #tpu.memory_space<hbm>>
      %dma_start3A_73 = arith.constant 0 : i32
      %dma_start3A_74 = tpu.memref_slice %arg5[%add3A_58, %dma_start3A_73] : memref<320000x16xf32, #tpu.memory_space<hbm>> -> memref<2000x16xf32, #tpu.memory_space<hbm>>
      tpu.enqueue_dma source(%arg8 : memref<2000x16xf32, #tpu.memory_space<vmem>>) target(%dma_start3A_74 : memref<2000x16xf32, #tpu.memory_space<hbm>>) target_semaphore(%run_scoped3A : memref<!tpu.dma_semaphore, #tpu.memory_space<semaphore_mem>>)
      %dma_wait3A_75 = arith.constant 0 : i32
      %dma_wait3A_76 = tpu.memref_slice %arg5[%add3A_58, %dma_wait3A_75] : memref<320000x16xf32, #tpu.memory_space<hbm>> -> memref<2000x16xf32, #tpu.memory_space<hbm>>
      %dma_wait3A_77 = arith.constant 0 : i32
      %dma_wait3A_78 = tpu.memref_slice %arg5[%add3A_58, %dma_wait3A_77] : memref<320000x16xf32, #tpu.memory_space<hbm>> -> memref<2000x16xf32, #tpu.memory_space<hbm>>
      tpu.wait_dma2 semaphore(%run_scoped3A : memref<!tpu.dma_semaphore, #tpu.memory_space<semaphore_mem>>) src(%arg8 : memref<2000x16xf32, #tpu.memory_space<vmem>>) dst(%dma_wait3A_78 : memref<2000x16xf32, #tpu.memory_space<hbm>>)
      tpu.yield
    }) : () -> ()
    "tpu.region"() ({
      %run_scoped3A = tpu.sem_alloc : memref<!tpu.dma_semaphore, #tpu.memory_space<semaphore_mem>>
      %dma_start3A_71 = tpu.memref_slice %arg4[%add3A_58] : memref<320000xi32, #tpu.memory_space<hbm>> -> memref<2000xi32, #tpu.memory_space<hbm>>
      %dma_start3A_72 = tpu.memref_slice %arg4[%add3A_58] : memref<320000xi32, #tpu.memory_space<hbm>> -> memref<2000xi32, #tpu.memory_space<hbm>>
      tpu.enqueue_dma source(%dma_start3A_72 : memref<2000xi32, #tpu.memory_space<hbm>>) target(%arg7 : memref<2000xi32, #tpu.memory_space<vmem>>) target_semaphore(%run_scoped3A : memref<!tpu.dma_semaphore, #tpu.memory_space<semaphore_mem>>)
      %dma_wait3A_73 = tpu.memref_slice %arg4[%add3A_58] : memref<320000xi32, #tpu.memory_space<hbm>> -> memref<2000xi32, #tpu.memory_space<hbm>>
      %dma_wait3A_74 = tpu.memref_slice %arg4[%add3A_58] : memref<320000xi32, #tpu.memory_space<hbm>> -> memref<2000xi32, #tpu.memory_space<hbm>>
      tpu.wait_dma2 semaphore(%run_scoped3A : memref<!tpu.dma_semaphore, #tpu.memory_space<semaphore_mem>>) src(%dma_wait3A_74 : memref<2000xi32, #tpu.memory_space<hbm>>) dst(%arg7 : memref<2000xi32, #tpu.memory_space<vmem>>)
      tpu.yield
    }) : () -> ()
    %dma_start3A_65 = arith.constant 0 : i32
    %dma_start3A_66 = arith.constant 0 : i32
    %dma_start3A_67 = tpu.memref_slice %arg2[%dma_start3A_65, %dma_start3A_66] : memref<10000x16xf32, #tpu.memory_space<hbm>> -> memref<10000x16xf32, #tpu.memory_space<hbm>>
    tpu.enqueue_indirect_dma source(%dma_start3A_67 : memref<10000x16xf32, #tpu.memory_space<hbm>>) target(%arg8 : memref<2000x16xf32, #tpu.memory_space<vmem>>) offsets(%arg7 : memref<2000xi32, #tpu.memory_space<vmem>>) semaphore(%arg9 : memref<!tpu.dma_semaphore, #tpu.memory_space<semaphore_mem>>)
    %dma_wait3A_68 = arith.constant 0 : i32
    %dma_wait3A_69 = arith.constant 0 : i32
    %dma_wait3A_70 = tpu.memref_slice %arg2[%dma_wait3A_68, %dma_wait3A_69] : memref<10000x16xf32, #tpu.memory_space<hbm>> -> memref<10000x16xf32, #tpu.memory_space<hbm>>
    tpu.wait_indirect_dma semaphore(%arg9 : memref<!tpu.dma_semaphore, #tpu.memory_space<semaphore_mem>>) src(%dma_wait3A_70 : memref<10000x16xf32, #tpu.memory_space<hbm>>) dst(%arg8 : memref<2000x16xf32, #tpu.memory_space<vmem>>)
    "tpu.region"() ({
      %run_scoped3A = tpu.sem_alloc : memref<!tpu.dma_semaphore, #tpu.memory_space<semaphore_mem>>
      %dma_start3A_71 = arith.constant 0 : i32
      %dma_start3A_72 = tpu.memref_slice %arg6[%add3A_58, %dma_start3A_71] : memref<320000x16xf32, #tpu.memory_space<hbm>> -> memref<2000x16xf32, #tpu.memory_space<hbm>>
      %dma_start3A_73 = arith.constant 0 : i32
      %dma_start3A_74 = tpu.memref_slice %arg6[%add3A_58, %dma_start3A_73] : memref<320000x16xf32, #tpu.memory_space<hbm>> -> memref<2000x16xf32, #tpu.memory_space<hbm>>
      tpu.enqueue_dma source(%arg8 : memref<2000x16xf32, #tpu.memory_space<vmem>>) target(%dma_start3A_74 : memref<2000x16xf32, #tpu.memory_space<hbm>>) target_semaphore(%run_scoped3A : memref<!tpu.dma_semaphore, #tpu.memory_space<semaphore_mem>>)
      %dma_wait3A_75 = arith.constant 0 : i32
      %dma_wait3A_76 = tpu.memref_slice %arg6[%add3A_58, %dma_wait3A_75] : memref<320000x16xf32, #tpu.memory_space<hbm>> -> memref<2000x16xf32, #tpu.memory_space<hbm>>
      %dma_wait3A_77 = arith.constant 0 : i32
      %dma_wait3A_78 = tpu.memref_slice %arg6[%add3A_58, %dma_wait3A_77] : memref<320000x16xf32, #tpu.memory_space<hbm>> -> memref<2000x16xf32, #tpu.memory_space<hbm>>
      tpu.wait_dma2 semaphore(%run_scoped3A : memref<!tpu.dma_semaphore, #tpu.memory_space<semaphore_mem>>) src(%arg8 : memref<2000x16xf32, #tpu.memory_space<vmem>>) dst(%dma_wait3A_78 : memref<2000x16xf32, #tpu.memory_space<hbm>>)
      tpu.yield
    }) : () -> ()
    return
  }
}

#map = affine_map<(d0, d1) -> (0, 0)>
#map1 = affine_map<(d0, d1) -> (0)>
#map2 = affine_map<(d0, d1) -> (0, 0, 0)>
module attributes {stable_mosaic.version = 14 : i64} {
  func.func @k(%arg0: i32, %arg1: i32, %arg2: memref<320000x16xf32, #tpu.memory_space<hbm>>, %arg3: memref<320000xi32, #tpu.memory_space<hbm>>, %arg4: memref<2x10000x16xf32, #tpu.memory_space<hbm>>, %arg5: memref<2x10000x16xf32, #tpu.memory_space<hbm>>, %arg6: memref<2000xi32, #tpu.memory_space<vmem>>, %arg7: memref<2000x16xf32, #tpu.memory_space<vmem>>, %arg8: memref<10000x16xf32, #tpu.memory_space<vmem_shared>>) attributes {dimension_semantics = [#tpu.dimension_semantics<core_parallel>, #tpu.dimension_semantics<subcore_parallel>], iteration_bounds = array<i64: 2, 16>, scalar_prefetch = 0 : i64, scratch_operands = 3 : i64, tpu.core_type = #tpu.core_type<sc_vector_subcore>, window_params = [{transform_indices = #map}, {transform_indices = #map1}, {transform_indices = #map2}, {transform_indices = #map2}]} {
    %mul3A = arith.constant 2 : i32
    %mul3A_0 = arith.muli %arg1, %mul3A : i32
    %add3A = arith.addi %mul3A_0, %arg0 : i32
    %eq3A = arith.constant 0 : i32
    %eq3A_1 = arith.cmpi eq, %arg1, %eq3A : i32
    %convert_element_type3A = arith.extui %eq3A_1 : i1 to i32
    %cond3A = arith.constant 0 : i32
    %cond3A_2 = arith.cmpi ne, %convert_element_type3A, %cond3A : i32
    scf.if %cond3A_2 {
      "tpu.region"() ({
        %run_scoped3A = tpu.sem_alloc : memref<!tpu.dma_semaphore, #tpu.memory_space<semaphore_mem>>
        %dma_start3A = arith.constant 0 : i32
        %dma_start3A_21 = arith.constant 0 : i32
        %dma_start3A_22 = tpu.memref_slice %arg4[%arg0, %dma_start3A, %dma_start3A_21] : memref<2x10000x16xf32, #tpu.memory_space<hbm>> -> memref<1x10000x16xf32, #tpu.memory_space<hbm>>
        %dma_start3A_23 = tpu.memref_squeeze %dma_start3A_22 : memref<1x10000x16xf32, #tpu.memory_space<hbm>> -> memref<10000x16xf32, #tpu.memory_space<hbm>>
        tpu.enqueue_dma source(%dma_start3A_23 : memref<10000x16xf32, #tpu.memory_space<hbm>>) target(%arg8 : memref<10000x16xf32, #tpu.memory_space<vmem_shared>>) target_semaphore(%run_scoped3A : memref<!tpu.dma_semaphore, #tpu.memory_space<semaphore_mem>>)
        %dma_wait3A = arith.constant 0 : i32
        %dma_wait3A_24 = arith.constant 0 : i32
        %dma_wait3A_25 = tpu.memref_slice %arg4[%arg0, %dma_wait3A, %dma_wait3A_24] : memref<2x10000x16xf32, #tpu.memory_space<hbm>> -> memref<1x10000x16xf32, #tpu.memory_space<hbm>>
        %dma_wait3A_26 = tpu.memref_squeeze %dma_wait3A_25 : memref<1x10000x16xf32, #tpu.memory_space<hbm>> -> memref<10000x16xf32, #tpu.memory_space<hbm>>
        tpu.wait_dma2 semaphore(%run_scoped3A : memref<!tpu.dma_semaphore, #tpu.memory_space<semaphore_mem>>) src(%dma_wait3A_26 : memref<10000x16xf32, #tpu.memory_space<hbm>>) dst(%arg8 : memref<10000x16xf32, #tpu.memory_space<vmem_shared>>)
        tpu.yield
      }) : () -> ()
    } else {
    }
    %barrier3A = arith.constant 0 : index
    tpu.barrier barrier_id(%barrier3A)
    %mul3A_3 = arith.constant 10000 : i32
    %mul3A_4 = arith.muli %add3A, %mul3A_3 : i32
    %add3A_5 = arith.constant 0 : i32
    %add3A_6 = arith.addi %mul3A_4, %add3A_5 : i32
    "tpu.region"() ({
      %run_scoped3A = tpu.sem_alloc : memref<!tpu.dma_semaphore, #tpu.memory_space<semaphore_mem>>
      %dma_start3A = tpu.memref_slice %arg3[%add3A_6] : memref<320000xi32, #tpu.memory_space<hbm>> -> memref<2000xi32, #tpu.memory_space<hbm>>
      %dma_start3A_21 = tpu.memref_slice %arg3[%add3A_6] : memref<320000xi32, #tpu.memory_space<hbm>> -> memref<2000xi32, #tpu.memory_space<hbm>>
      tpu.enqueue_dma source(%dma_start3A_21 : memref<2000xi32, #tpu.memory_space<hbm>>) target(%arg6 : memref<2000xi32, #tpu.memory_space<vmem>>) target_semaphore(%run_scoped3A : memref<!tpu.dma_semaphore, #tpu.memory_space<semaphore_mem>>)
      %dma_wait3A = tpu.memref_slice %arg3[%add3A_6] : memref<320000xi32, #tpu.memory_space<hbm>> -> memref<2000xi32, #tpu.memory_space<hbm>>
      %dma_wait3A_22 = tpu.memref_slice %arg3[%add3A_6] : memref<320000xi32, #tpu.memory_space<hbm>> -> memref<2000xi32, #tpu.memory_space<hbm>>
      tpu.wait_dma2 semaphore(%run_scoped3A : memref<!tpu.dma_semaphore, #tpu.memory_space<semaphore_mem>>) src(%dma_wait3A_22 : memref<2000xi32, #tpu.memory_space<hbm>>) dst(%arg6 : memref<2000xi32, #tpu.memory_space<vmem>>)
      tpu.yield
    }) : () -> ()
    "tpu.region"() ({
      %run_scoped3A = tpu.sem_alloc : memref<!tpu.dma_semaphore, #tpu.memory_space<semaphore_mem>>
      %dma_start3A = arith.constant 0 : i32
      %dma_start3A_21 = tpu.memref_slice %arg2[%add3A_6, %dma_start3A] : memref<320000x16xf32, #tpu.memory_space<hbm>> -> memref<2000x16xf32, #tpu.memory_space<hbm>>
      %dma_start3A_22 = arith.constant 0 : i32
      %dma_start3A_23 = tpu.memref_slice %arg2[%add3A_6, %dma_start3A_22] : memref<320000x16xf32, #tpu.memory_space<hbm>> -> memref<2000x16xf32, #tpu.memory_space<hbm>>
      tpu.enqueue_dma source(%dma_start3A_23 : memref<2000x16xf32, #tpu.memory_space<hbm>>) target(%arg7 : memref<2000x16xf32, #tpu.memory_space<vmem>>) target_semaphore(%run_scoped3A : memref<!tpu.dma_semaphore, #tpu.memory_space<semaphore_mem>>)
      %dma_wait3A = arith.constant 0 : i32
      %dma_wait3A_24 = tpu.memref_slice %arg2[%add3A_6, %dma_wait3A] : memref<320000x16xf32, #tpu.memory_space<hbm>> -> memref<2000x16xf32, #tpu.memory_space<hbm>>
      %dma_wait3A_25 = arith.constant 0 : i32
      %dma_wait3A_26 = tpu.memref_slice %arg2[%add3A_6, %dma_wait3A_25] : memref<320000x16xf32, #tpu.memory_space<hbm>> -> memref<2000x16xf32, #tpu.memory_space<hbm>>
      tpu.wait_dma2 semaphore(%run_scoped3A : memref<!tpu.dma_semaphore, #tpu.memory_space<semaphore_mem>>) src(%dma_wait3A_26 : memref<2000x16xf32, #tpu.memory_space<hbm>>) dst(%arg7 : memref<2000x16xf32, #tpu.memory_space<vmem>>)
      tpu.yield
    }) : () -> ()
    "tpu.region"() ({
      %run_scoped3A = tpu.sem_alloc : memref<!tpu.dma_semaphore, #tpu.memory_space<semaphore_mem>>
      %dma_start3A = arith.constant 0 : i32
      %dma_start3A_21 = arith.constant 0 : i32
      %dma_start3A_22 = tpu.memref_slice %arg8[%dma_start3A, %dma_start3A_21] : memref<10000x16xf32, #tpu.memory_space<vmem_shared>> -> memref<10000x16xf32, #tpu.memory_space<vmem_shared>>
      tpu.enqueue_indirect_dma source(%arg7 : memref<2000x16xf32, #tpu.memory_space<vmem>>) target(%dma_start3A_22 : memref<10000x16xf32, #tpu.memory_space<vmem_shared>>) offsets(%arg6 : memref<2000xi32, #tpu.memory_space<vmem>>) semaphore(%run_scoped3A : memref<!tpu.dma_semaphore, #tpu.memory_space<semaphore_mem>>) {add = true}
      %dma_wait3A = arith.constant 0 : i32
      %dma_wait3A_23 = arith.constant 0 : i32
      %dma_wait3A_24 = tpu.memref_slice %arg8[%dma_wait3A, %dma_wait3A_23] : memref<10000x16xf32, #tpu.memory_space<vmem_shared>> -> memref<10000x16xf32, #tpu.memory_space<vmem_shared>>
      tpu.wait_indirect_dma semaphore(%run_scoped3A : memref<!tpu.dma_semaphore, #tpu.memory_space<semaphore_mem>>) src(%arg7 : memref<2000x16xf32, #tpu.memory_space<vmem>>) dst(%dma_wait3A_24 : memref<10000x16xf32, #tpu.memory_space<vmem_shared>>)
      tpu.yield
    }) : () -> ()
    %add3A_7 = arith.constant 2000 : i32
    %add3A_8 = arith.addi %mul3A_4, %add3A_7 : i32
    "tpu.region"() ({
      %run_scoped3A = tpu.sem_alloc : memref<!tpu.dma_semaphore, #tpu.memory_space<semaphore_mem>>
      %dma_start3A = tpu.memref_slice %arg3[%add3A_8] : memref<320000xi32, #tpu.memory_space<hbm>> -> memref<2000xi32, #tpu.memory_space<hbm>>
      %dma_start3A_21 = tpu.memref_slice %arg3[%add3A_8] : memref<320000xi32, #tpu.memory_space<hbm>> -> memref<2000xi32, #tpu.memory_space<hbm>>
      tpu.enqueue_dma source(%dma_start3A_21 : memref<2000xi32, #tpu.memory_space<hbm>>) target(%arg6 : memref<2000xi32, #tpu.memory_space<vmem>>) target_semaphore(%run_scoped3A : memref<!tpu.dma_semaphore, #tpu.memory_space<semaphore_mem>>)
      %dma_wait3A = tpu.memref_slice %arg3[%add3A_8] : memref<320000xi32, #tpu.memory_space<hbm>> -> memref<2000xi32, #tpu.memory_space<hbm>>
      %dma_wait3A_22 = tpu.memref_slice %arg3[%add3A_8] : memref<320000xi32, #tpu.memory_space<hbm>> -> memref<2000xi32, #tpu.memory_space<hbm>>
      tpu.wait_dma2 semaphore(%run_scoped3A : memref<!tpu.dma_semaphore, #tpu.memory_space<semaphore_mem>>) src(%dma_wait3A_22 : memref<2000xi32, #tpu.memory_space<hbm>>) dst(%arg6 : memref<2000xi32, #tpu.memory_space<vmem>>)
      tpu.yield
    }) : () -> ()
    "tpu.region"() ({
      %run_scoped3A = tpu.sem_alloc : memref<!tpu.dma_semaphore, #tpu.memory_space<semaphore_mem>>
      %dma_start3A = arith.constant 0 : i32
      %dma_start3A_21 = tpu.memref_slice %arg2[%add3A_8, %dma_start3A] : memref<320000x16xf32, #tpu.memory_space<hbm>> -> memref<2000x16xf32, #tpu.memory_space<hbm>>
      %dma_start3A_22 = arith.constant 0 : i32
      %dma_start3A_23 = tpu.memref_slice %arg2[%add3A_8, %dma_start3A_22] : memref<320000x16xf32, #tpu.memory_space<hbm>> -> memref<2000x16xf32, #tpu.memory_space<hbm>>
      tpu.enqueue_dma source(%dma_start3A_23 : memref<2000x16xf32, #tpu.memory_space<hbm>>) target(%arg7 : memref<2000x16xf32, #tpu.memory_space<vmem>>) target_semaphore(%run_scoped3A : memref<!tpu.dma_semaphore, #tpu.memory_space<semaphore_mem>>)
      %dma_wait3A = arith.constant 0 : i32
      %dma_wait3A_24 = tpu.memref_slice %arg2[%add3A_8, %dma_wait3A] : memref<320000x16xf32, #tpu.memory_space<hbm>> -> memref<2000x16xf32, #tpu.memory_space<hbm>>
      %dma_wait3A_25 = arith.constant 0 : i32
      %dma_wait3A_26 = tpu.memref_slice %arg2[%add3A_8, %dma_wait3A_25] : memref<320000x16xf32, #tpu.memory_space<hbm>> -> memref<2000x16xf32, #tpu.memory_space<hbm>>
      tpu.wait_dma2 semaphore(%run_scoped3A : memref<!tpu.dma_semaphore, #tpu.memory_space<semaphore_mem>>) src(%dma_wait3A_26 : memref<2000x16xf32, #tpu.memory_space<hbm>>) dst(%arg7 : memref<2000x16xf32, #tpu.memory_space<vmem>>)
      tpu.yield
    }) : () -> ()
    "tpu.region"() ({
      %run_scoped3A = tpu.sem_alloc : memref<!tpu.dma_semaphore, #tpu.memory_space<semaphore_mem>>
      %dma_start3A = arith.constant 0 : i32
      %dma_start3A_21 = arith.constant 0 : i32
      %dma_start3A_22 = tpu.memref_slice %arg8[%dma_start3A, %dma_start3A_21] : memref<10000x16xf32, #tpu.memory_space<vmem_shared>> -> memref<10000x16xf32, #tpu.memory_space<vmem_shared>>
      tpu.enqueue_indirect_dma source(%arg7 : memref<2000x16xf32, #tpu.memory_space<vmem>>) target(%dma_start3A_22 : memref<10000x16xf32, #tpu.memory_space<vmem_shared>>) offsets(%arg6 : memref<2000xi32, #tpu.memory_space<vmem>>) semaphore(%run_scoped3A : memref<!tpu.dma_semaphore, #tpu.memory_space<semaphore_mem>>) {add = true}
      %dma_wait3A = arith.constant 0 : i32
      %dma_wait3A_23 = arith.constant 0 : i32
      %dma_wait3A_24 = tpu.memref_slice %arg8[%dma_wait3A, %dma_wait3A_23] : memref<10000x16xf32, #tpu.memory_space<vmem_shared>> -> memref<10000x16xf32, #tpu.memory_space<vmem_shared>>
      tpu.wait_indirect_dma semaphore(%run_scoped3A : memref<!tpu.dma_semaphore, #tpu.memory_space<semaphore_mem>>) src(%arg7 : memref<2000x16xf32, #tpu.memory_space<vmem>>) dst(%dma_wait3A_24 : memref<10000x16xf32, #tpu.memory_space<vmem_shared>>)
      tpu.yield
    }) : () -> ()
    %add3A_9 = arith.constant 4000 : i32
    %add3A_10 = arith.addi %mul3A_4, %add3A_9 : i32
    "tpu.region"() ({
      %run_scoped3A = tpu.sem_alloc : memref<!tpu.dma_semaphore, #tpu.memory_space<semaphore_mem>>
      %dma_start3A = tpu.memref_slice %arg3[%add3A_10] : memref<320000xi32, #tpu.memory_space<hbm>> -> memref<2000xi32, #tpu.memory_space<hbm>>
      %dma_start3A_21 = tpu.memref_slice %arg3[%add3A_10] : memref<320000xi32, #tpu.memory_space<hbm>> -> memref<2000xi32, #tpu.memory_space<hbm>>
      tpu.enqueue_dma source(%dma_start3A_21 : memref<2000xi32, #tpu.memory_space<hbm>>) target(%arg6 : memref<2000xi32, #tpu.memory_space<vmem>>) target_semaphore(%run_scoped3A : memref<!tpu.dma_semaphore, #tpu.memory_space<semaphore_mem>>)
      %dma_wait3A = tpu.memref_slice %arg3[%add3A_10] : memref<320000xi32, #tpu.memory_space<hbm>> -> memref<2000xi32, #tpu.memory_space<hbm>>
      %dma_wait3A_22 = tpu.memref_slice %arg3[%add3A_10] : memref<320000xi32, #tpu.memory_space<hbm>> -> memref<2000xi32, #tpu.memory_space<hbm>>
      tpu.wait_dma2 semaphore(%run_scoped3A : memref<!tpu.dma_semaphore, #tpu.memory_space<semaphore_mem>>) src(%dma_wait3A_22 : memref<2000xi32, #tpu.memory_space<hbm>>) dst(%arg6 : memref<2000xi32, #tpu.memory_space<vmem>>)
      tpu.yield
    }) : () -> ()
    "tpu.region"() ({
      %run_scoped3A = tpu.sem_alloc : memref<!tpu.dma_semaphore, #tpu.memory_space<semaphore_mem>>
      %dma_start3A = arith.constant 0 : i32
      %dma_start3A_21 = tpu.memref_slice %arg2[%add3A_10, %dma_start3A] : memref<320000x16xf32, #tpu.memory_space<hbm>> -> memref<2000x16xf32, #tpu.memory_space<hbm>>
      %dma_start3A_22 = arith.constant 0 : i32
      %dma_start3A_23 = tpu.memref_slice %arg2[%add3A_10, %dma_start3A_22] : memref<320000x16xf32, #tpu.memory_space<hbm>> -> memref<2000x16xf32, #tpu.memory_space<hbm>>
      tpu.enqueue_dma source(%dma_start3A_23 : memref<2000x16xf32, #tpu.memory_space<hbm>>) target(%arg7 : memref<2000x16xf32, #tpu.memory_space<vmem>>) target_semaphore(%run_scoped3A : memref<!tpu.dma_semaphore, #tpu.memory_space<semaphore_mem>>)
      %dma_wait3A = arith.constant 0 : i32
      %dma_wait3A_24 = tpu.memref_slice %arg2[%add3A_10, %dma_wait3A] : memref<320000x16xf32, #tpu.memory_space<hbm>> -> memref<2000x16xf32, #tpu.memory_space<hbm>>
      %dma_wait3A_25 = arith.constant 0 : i32
      %dma_wait3A_26 = tpu.memref_slice %arg2[%add3A_10, %dma_wait3A_25] : memref<320000x16xf32, #tpu.memory_space<hbm>> -> memref<2000x16xf32, #tpu.memory_space<hbm>>
      tpu.wait_dma2 semaphore(%run_scoped3A : memref<!tpu.dma_semaphore, #tpu.memory_space<semaphore_mem>>) src(%dma_wait3A_26 : memref<2000x16xf32, #tpu.memory_space<hbm>>) dst(%arg7 : memref<2000x16xf32, #tpu.memory_space<vmem>>)
      tpu.yield
    }) : () -> ()
    "tpu.region"() ({
      %run_scoped3A = tpu.sem_alloc : memref<!tpu.dma_semaphore, #tpu.memory_space<semaphore_mem>>
      %dma_start3A = arith.constant 0 : i32
      %dma_start3A_21 = arith.constant 0 : i32
      %dma_start3A_22 = tpu.memref_slice %arg8[%dma_start3A, %dma_start3A_21] : memref<10000x16xf32, #tpu.memory_space<vmem_shared>> -> memref<10000x16xf32, #tpu.memory_space<vmem_shared>>
      tpu.enqueue_indirect_dma source(%arg7 : memref<2000x16xf32, #tpu.memory_space<vmem>>) target(%dma_start3A_22 : memref<10000x16xf32, #tpu.memory_space<vmem_shared>>) offsets(%arg6 : memref<2000xi32, #tpu.memory_space<vmem>>) semaphore(%run_scoped3A : memref<!tpu.dma_semaphore, #tpu.memory_space<semaphore_mem>>) {add = true}
      %dma_wait3A = arith.constant 0 : i32
      %dma_wait3A_23 = arith.constant 0 : i32
      %dma_wait3A_24 = tpu.memref_slice %arg8[%dma_wait3A, %dma_wait3A_23] : memref<10000x16xf32, #tpu.memory_space<vmem_shared>> -> memref<10000x16xf32, #tpu.memory_space<vmem_shared>>
      tpu.wait_indirect_dma semaphore(%run_scoped3A : memref<!tpu.dma_semaphore, #tpu.memory_space<semaphore_mem>>) src(%arg7 : memref<2000x16xf32, #tpu.memory_space<vmem>>) dst(%dma_wait3A_24 : memref<10000x16xf32, #tpu.memory_space<vmem_shared>>)
      tpu.yield
    }) : () -> ()
    %add3A_11 = arith.constant 6000 : i32
    %add3A_12 = arith.addi %mul3A_4, %add3A_11 : i32
    "tpu.region"() ({
      %run_scoped3A = tpu.sem_alloc : memref<!tpu.dma_semaphore, #tpu.memory_space<semaphore_mem>>
      %dma_start3A = tpu.memref_slice %arg3[%add3A_12] : memref<320000xi32, #tpu.memory_space<hbm>> -> memref<2000xi32, #tpu.memory_space<hbm>>
      %dma_start3A_21 = tpu.memref_slice %arg3[%add3A_12] : memref<320000xi32, #tpu.memory_space<hbm>> -> memref<2000xi32, #tpu.memory_space<hbm>>
      tpu.enqueue_dma source(%dma_start3A_21 : memref<2000xi32, #tpu.memory_space<hbm>>) target(%arg6 : memref<2000xi32, #tpu.memory_space<vmem>>) target_semaphore(%run_scoped3A : memref<!tpu.dma_semaphore, #tpu.memory_space<semaphore_mem>>)
      %dma_wait3A = tpu.memref_slice %arg3[%add3A_12] : memref<320000xi32, #tpu.memory_space<hbm>> -> memref<2000xi32, #tpu.memory_space<hbm>>
      %dma_wait3A_22 = tpu.memref_slice %arg3[%add3A_12] : memref<320000xi32, #tpu.memory_space<hbm>> -> memref<2000xi32, #tpu.memory_space<hbm>>
      tpu.wait_dma2 semaphore(%run_scoped3A : memref<!tpu.dma_semaphore, #tpu.memory_space<semaphore_mem>>) src(%dma_wait3A_22 : memref<2000xi32, #tpu.memory_space<hbm>>) dst(%arg6 : memref<2000xi32, #tpu.memory_space<vmem>>)
      tpu.yield
    }) : () -> ()
    "tpu.region"() ({
      %run_scoped3A = tpu.sem_alloc : memref<!tpu.dma_semaphore, #tpu.memory_space<semaphore_mem>>
      %dma_start3A = arith.constant 0 : i32
      %dma_start3A_21 = tpu.memref_slice %arg2[%add3A_12, %dma_start3A] : memref<320000x16xf32, #tpu.memory_space<hbm>> -> memref<2000x16xf32, #tpu.memory_space<hbm>>
      %dma_start3A_22 = arith.constant 0 : i32
      %dma_start3A_23 = tpu.memref_slice %arg2[%add3A_12, %dma_start3A_22] : memref<320000x16xf32, #tpu.memory_space<hbm>> -> memref<2000x16xf32, #tpu.memory_space<hbm>>
      tpu.enqueue_dma source(%dma_start3A_23 : memref<2000x16xf32, #tpu.memory_space<hbm>>) target(%arg7 : memref<2000x16xf32, #tpu.memory_space<vmem>>) target_semaphore(%run_scoped3A : memref<!tpu.dma_semaphore, #tpu.memory_space<semaphore_mem>>)
      %dma_wait3A = arith.constant 0 : i32
      %dma_wait3A_24 = tpu.memref_slice %arg2[%add3A_12, %dma_wait3A] : memref<320000x16xf32, #tpu.memory_space<hbm>> -> memref<2000x16xf32, #tpu.memory_space<hbm>>
      %dma_wait3A_25 = arith.constant 0 : i32
      %dma_wait3A_26 = tpu.memref_slice %arg2[%add3A_12, %dma_wait3A_25] : memref<320000x16xf32, #tpu.memory_space<hbm>> -> memref<2000x16xf32, #tpu.memory_space<hbm>>
      tpu.wait_dma2 semaphore(%run_scoped3A : memref<!tpu.dma_semaphore, #tpu.memory_space<semaphore_mem>>) src(%dma_wait3A_26 : memref<2000x16xf32, #tpu.memory_space<hbm>>) dst(%arg7 : memref<2000x16xf32, #tpu.memory_space<vmem>>)
      tpu.yield
    }) : () -> ()
    "tpu.region"() ({
      %run_scoped3A = tpu.sem_alloc : memref<!tpu.dma_semaphore, #tpu.memory_space<semaphore_mem>>
      %dma_start3A = arith.constant 0 : i32
      %dma_start3A_21 = arith.constant 0 : i32
      %dma_start3A_22 = tpu.memref_slice %arg8[%dma_start3A, %dma_start3A_21] : memref<10000x16xf32, #tpu.memory_space<vmem_shared>> -> memref<10000x16xf32, #tpu.memory_space<vmem_shared>>
      tpu.enqueue_indirect_dma source(%arg7 : memref<2000x16xf32, #tpu.memory_space<vmem>>) target(%dma_start3A_22 : memref<10000x16xf32, #tpu.memory_space<vmem_shared>>) offsets(%arg6 : memref<2000xi32, #tpu.memory_space<vmem>>) semaphore(%run_scoped3A : memref<!tpu.dma_semaphore, #tpu.memory_space<semaphore_mem>>) {add = true}
      %dma_wait3A = arith.constant 0 : i32
      %dma_wait3A_23 = arith.constant 0 : i32
      %dma_wait3A_24 = tpu.memref_slice %arg8[%dma_wait3A, %dma_wait3A_23] : memref<10000x16xf32, #tpu.memory_space<vmem_shared>> -> memref<10000x16xf32, #tpu.memory_space<vmem_shared>>
      tpu.wait_indirect_dma semaphore(%run_scoped3A : memref<!tpu.dma_semaphore, #tpu.memory_space<semaphore_mem>>) src(%arg7 : memref<2000x16xf32, #tpu.memory_space<vmem>>) dst(%dma_wait3A_24 : memref<10000x16xf32, #tpu.memory_space<vmem_shared>>)
      tpu.yield
    }) : () -> ()
    %add3A_13 = arith.constant 8000 : i32
    %add3A_14 = arith.addi %mul3A_4, %add3A_13 : i32
    "tpu.region"() ({
      %run_scoped3A = tpu.sem_alloc : memref<!tpu.dma_semaphore, #tpu.memory_space<semaphore_mem>>
      %dma_start3A = tpu.memref_slice %arg3[%add3A_14] : memref<320000xi32, #tpu.memory_space<hbm>> -> memref<2000xi32, #tpu.memory_space<hbm>>
      %dma_start3A_21 = tpu.memref_slice %arg3[%add3A_14] : memref<320000xi32, #tpu.memory_space<hbm>> -> memref<2000xi32, #tpu.memory_space<hbm>>
      tpu.enqueue_dma source(%dma_start3A_21 : memref<2000xi32, #tpu.memory_space<hbm>>) target(%arg6 : memref<2000xi32, #tpu.memory_space<vmem>>) target_semaphore(%run_scoped3A : memref<!tpu.dma_semaphore, #tpu.memory_space<semaphore_mem>>)
      %dma_wait3A = tpu.memref_slice %arg3[%add3A_14] : memref<320000xi32, #tpu.memory_space<hbm>> -> memref<2000xi32, #tpu.memory_space<hbm>>
      %dma_wait3A_22 = tpu.memref_slice %arg3[%add3A_14] : memref<320000xi32, #tpu.memory_space<hbm>> -> memref<2000xi32, #tpu.memory_space<hbm>>
      tpu.wait_dma2 semaphore(%run_scoped3A : memref<!tpu.dma_semaphore, #tpu.memory_space<semaphore_mem>>) src(%dma_wait3A_22 : memref<2000xi32, #tpu.memory_space<hbm>>) dst(%arg6 : memref<2000xi32, #tpu.memory_space<vmem>>)
      tpu.yield
    }) : () -> ()
    "tpu.region"() ({
      %run_scoped3A = tpu.sem_alloc : memref<!tpu.dma_semaphore, #tpu.memory_space<semaphore_mem>>
      %dma_start3A = arith.constant 0 : i32
      %dma_start3A_21 = tpu.memref_slice %arg2[%add3A_14, %dma_start3A] : memref<320000x16xf32, #tpu.memory_space<hbm>> -> memref<2000x16xf32, #tpu.memory_space<hbm>>
      %dma_start3A_22 = arith.constant 0 : i32
      %dma_start3A_23 = tpu.memref_slice %arg2[%add3A_14, %dma_start3A_22] : memref<320000x16xf32, #tpu.memory_space<hbm>> -> memref<2000x16xf32, #tpu.memory_space<hbm>>
      tpu.enqueue_dma source(%dma_start3A_23 : memref<2000x16xf32, #tpu.memory_space<hbm>>) target(%arg7 : memref<2000x16xf32, #tpu.memory_space<vmem>>) target_semaphore(%run_scoped3A : memref<!tpu.dma_semaphore, #tpu.memory_space<semaphore_mem>>)
      %dma_wait3A = arith.constant 0 : i32
      %dma_wait3A_24 = tpu.memref_slice %arg2[%add3A_14, %dma_wait3A] : memref<320000x16xf32, #tpu.memory_space<hbm>> -> memref<2000x16xf32, #tpu.memory_space<hbm>>
      %dma_wait3A_25 = arith.constant 0 : i32
      %dma_wait3A_26 = tpu.memref_slice %arg2[%add3A_14, %dma_wait3A_25] : memref<320000x16xf32, #tpu.memory_space<hbm>> -> memref<2000x16xf32, #tpu.memory_space<hbm>>
      tpu.wait_dma2 semaphore(%run_scoped3A : memref<!tpu.dma_semaphore, #tpu.memory_space<semaphore_mem>>) src(%dma_wait3A_26 : memref<2000x16xf32, #tpu.memory_space<hbm>>) dst(%arg7 : memref<2000x16xf32, #tpu.memory_space<vmem>>)
      tpu.yield
    }) : () -> ()
    "tpu.region"() ({
      %run_scoped3A = tpu.sem_alloc : memref<!tpu.dma_semaphore, #tpu.memory_space<semaphore_mem>>
      %dma_start3A = arith.constant 0 : i32
      %dma_start3A_21 = arith.constant 0 : i32
      %dma_start3A_22 = tpu.memref_slice %arg8[%dma_start3A, %dma_start3A_21] : memref<10000x16xf32, #tpu.memory_space<vmem_shared>> -> memref<10000x16xf32, #tpu.memory_space<vmem_shared>>
      tpu.enqueue_indirect_dma source(%arg7 : memref<2000x16xf32, #tpu.memory_space<vmem>>) target(%dma_start3A_22 : memref<10000x16xf32, #tpu.memory_space<vmem_shared>>) offsets(%arg6 : memref<2000xi32, #tpu.memory_space<vmem>>) semaphore(%run_scoped3A : memref<!tpu.dma_semaphore, #tpu.memory_space<semaphore_mem>>) {add = true}
      %dma_wait3A = arith.constant 0 : i32
      %dma_wait3A_23 = arith.constant 0 : i32
      %dma_wait3A_24 = tpu.memref_slice %arg8[%dma_wait3A, %dma_wait3A_23] : memref<10000x16xf32, #tpu.memory_space<vmem_shared>> -> memref<10000x16xf32, #tpu.memory_space<vmem_shared>>
      tpu.wait_indirect_dma semaphore(%run_scoped3A : memref<!tpu.dma_semaphore, #tpu.memory_space<semaphore_mem>>) src(%arg7 : memref<2000x16xf32, #tpu.memory_space<vmem>>) dst(%dma_wait3A_24 : memref<10000x16xf32, #tpu.memory_space<vmem_shared>>)
      tpu.yield
    }) : () -> ()
    %barrier3A_15 = arith.constant 0 : index
    tpu.barrier barrier_id(%barrier3A_15)
    %eq3A_16 = arith.constant 0 : i32
    %eq3A_17 = arith.cmpi eq, %arg1, %eq3A_16 : i32
    %convert_element_type3A_18 = arith.extui %eq3A_17 : i1 to i32
    %cond3A_19 = arith.constant 0 : i32
    %cond3A_20 = arith.cmpi ne, %convert_element_type3A_18, %cond3A_19 : i32
    scf.if %cond3A_20 {
      "tpu.region"() ({
        %run_scoped3A = tpu.sem_alloc : memref<!tpu.dma_semaphore, #tpu.memory_space<semaphore_mem>>
        %dma_start3A = arith.constant 0 : i32
        %dma_start3A_21 = arith.constant 0 : i32
        %dma_start3A_22 = tpu.memref_slice %arg5[%arg0, %dma_start3A, %dma_start3A_21] : memref<2x10000x16xf32, #tpu.memory_space<hbm>> -> memref<1x10000x16xf32, #tpu.memory_space<hbm>>
        %dma_start3A_23 = tpu.memref_squeeze %dma_start3A_22 : memref<1x10000x16xf32, #tpu.memory_space<hbm>> -> memref<10000x16xf32, #tpu.memory_space<hbm>>
        tpu.enqueue_dma source(%arg8 : memref<10000x16xf32, #tpu.memory_space<vmem_shared>>) target(%dma_start3A_23 : memref<10000x16xf32, #tpu.memory_space<hbm>>) target_semaphore(%run_scoped3A : memref<!tpu.dma_semaphore, #tpu.memory_space<semaphore_mem>>)
        %dma_wait3A = arith.constant 0 : i32
        %dma_wait3A_24 = arith.constant 0 : i32
        %dma_wait3A_25 = tpu.memref_slice %arg5[%arg0, %dma_wait3A, %dma_wait3A_24] : memref<2x10000x16xf32, #tpu.memory_space<hbm>> -> memref<1x10000x16xf32, #tpu.memory_space<hbm>>
        %dma_wait3A_26 = tpu.memref_squeeze %dma_wait3A_25 : memref<1x10000x16xf32, #tpu.memory_space<hbm>> -> memref<10000x16xf32, #tpu.memory_space<hbm>>
        tpu.wait_dma2 semaphore(%run_scoped3A : memref<!tpu.dma_semaphore, #tpu.memory_space<semaphore_mem>>) src(%arg8 : memref<10000x16xf32, #tpu.memory_space<vmem_shared>>) dst(%dma_wait3A_26 : memref<10000x16xf32, #tpu.memory_space<hbm>>)
        tpu.yield
      }) : () -> ()
    } else {
    }
    return
  }
}

module attributes {stable_mosaic.version = 14 : i64} {
  func.func @_s1_body(%arg0: i32, %arg1: memref<1000x1xf32, #tpu.memory_space<vmem>>, %arg2: memref<1000x1xf32, #tpu.memory_space<vmem>>, %arg3: memref<1000x1xf32, #tpu.memory_space<vmem>>, %arg4: memref<1000x1xf32, #tpu.memory_space<vmem>>, %arg5: memref<1x256xf32, #tpu.memory_space<vmem>>, %arg6: memref<1x256xf32, #tpu.memory_space<vmem>>, %arg7: memref<256x1024xbf16, #tpu.memory_space<vmem>>, %arg8: memref<1x1024xf32, #tpu.memory_space<vmem>>, %arg9: memref<1x256xf32, #tpu.memory_space<vmem>>, %arg10: memref<1x256xf32, #tpu.memory_space<vmem>>, %arg11: memref<256x1024xbf16, #tpu.memory_space<vmem>>, %arg12: memref<1x1024xf32, #tpu.memory_space<vmem>>, %arg13: memref<1x256xf32, #tpu.memory_space<vmem>>, %arg14: memref<1x256xf32, #tpu.memory_space<vmem>>, %arg15: memref<256x1024xbf16, #tpu.memory_space<vmem>>, %arg16: memref<1x1024xf32, #tpu.memory_space<vmem>>, %arg17: memref<1x256xf32, #tpu.memory_space<vmem>>, %arg18: memref<1x256xf32, #tpu.memory_space<vmem>>, %arg19: memref<256x1024xbf16, #tpu.memory_space<vmem>>, %arg20: memref<1x1024xf32, #tpu.memory_space<vmem>>, %arg21: memref<1024x256xbf16, #tpu.memory_space<vmem>>, %arg22: memref<1x256xf32, #tpu.memory_space<vmem>>, %arg23: memref<256x8xbf16, #tpu.memory_space<vmem>>, %arg24: memref<1x1xf32, #tpu.memory_space<vmem>>, %arg25: memref<1024x256xbf16, #tpu.memory_space<vmem>>, %arg26: memref<1x256xf32, #tpu.memory_space<vmem>>, %arg27: memref<256x8xbf16, #tpu.memory_space<vmem>>, %arg28: memref<1x1xf32, #tpu.memory_space<vmem>>, %arg29: memref<1024x256xbf16, #tpu.memory_space<vmem>>, %arg30: memref<1x256xf32, #tpu.memory_space<vmem>>, %arg31: memref<256x8xbf16, #tpu.memory_space<vmem>>, %arg32: memref<1x1xf32, #tpu.memory_space<vmem>>, %arg33: memref<1024x256xbf16, #tpu.memory_space<vmem>>, %arg34: memref<1x256xf32, #tpu.memory_space<vmem>>, %arg35: memref<256x8xbf16, #tpu.memory_space<vmem>>, %arg36: memref<1x1xf32, #tpu.memory_space<vmem>>, %arg37: memref<4x256xbf16, #tpu.memory_space<vmem>>, %arg38: memref<1x256xf32, #tpu.memory_space<vmem>>, %arg39: memref<256x1024xbf16, #tpu.memory_space<vmem>>, %arg40: memref<1x1024xf32, #tpu.memory_space<vmem>>, %arg41: memref<1024x256xbf16, #tpu.memory_space<vmem>>, %arg42: memref<1x256xf32, #tpu.memory_space<vmem>>, %arg43: memref<256x256xbf16, #tpu.memory_space<vmem>>, %arg44: memref<1x256xf32, #tpu.memory_space<vmem>>, %arg45: memref<256x8xbf16, #tpu.memory_space<vmem>>, %arg46: memref<1x1xf32, #tpu.memory_space<vmem>>, %arg47: memref<1024x256xbf16, #tpu.memory_space<vmem>>, %arg48: memref<1x256xf32, #tpu.memory_space<vmem>>, %arg49: memref<256x256xbf16, #tpu.memory_space<vmem>>, %arg50: memref<1x256xf32, #tpu.memory_space<vmem>>, %arg51: memref<256x8xbf16, #tpu.memory_space<vmem>>, %arg52: memref<1x1xf32, #tpu.memory_space<vmem>>, %arg53: memref<1024x256xbf16, #tpu.memory_space<vmem>>, %arg54: memref<1x256xf32, #tpu.memory_space<vmem>>, %arg55: memref<256x256xbf16, #tpu.memory_space<vmem>>, %arg56: memref<1x256xf32, #tpu.memory_space<vmem>>, %arg57: memref<256x8xbf16, #tpu.memory_space<vmem>>, %arg58: memref<1x1xf32, #tpu.memory_space<vmem>>, %arg59: memref<1024x256xbf16, #tpu.memory_space<vmem>>, %arg60: memref<1x256xf32, #tpu.memory_space<vmem>>, %arg61: memref<256x256xbf16, #tpu.memory_space<vmem>>, %arg62: memref<1x256xf32, #tpu.memory_space<vmem>>, %arg63: memref<256x8xbf16, #tpu.memory_space<vmem>>, %arg64: memref<1x1xf32, #tpu.memory_space<vmem>>, %arg65: memref<1000x1xf32, #tpu.memory_space<vmem>>, %arg66: memref<1000x1xf32, #tpu.memory_space<vmem>>, %arg67: memref<1000x1xf32, #tpu.memory_space<vmem>>, %arg68: memref<1000x1xf32, #tpu.memory_space<vmem>>, %arg69: memref<1000x16xf32, #tpu.memory_space<vmem>>) attributes {dimension_semantics = [#tpu.dimension_semantics<arbitrary>], iteration_bounds = array<i64: 10>, scalar_prefetch = 0 : i64, scratch_operands = 0 : i64, tpu.core_type = #tpu.core_type<tc>, window_params = [{transform_indices = @transform_0, window_bounds = array<i64: 1000, 1>}, {transform_indices = @transform_1, window_bounds = array<i64: 1000, 1>}, {transform_indices = @transform_2, window_bounds = array<i64: 1000, 1>}, {transform_indices = @transform_3, window_bounds = array<i64: 1000, 1>}, {pipeline_mode = #tpu.pipeline_mode<synchronous>, transform_indices = @transform_4, window_bounds = array<i64: 1, 256>}, {pipeline_mode = #tpu.pipeline_mode<synchronous>, transform_indices = @transform_5, window_bounds = array<i64: 1, 256>}, {pipeline_mode = #tpu.pipeline_mode<synchronous>, transform_indices = @transform_6, window_bounds = array<i64: 256, 1024>}, {pipeline_mode = #tpu.pipeline_mode<synchronous>, transform_indices = @transform_7, window_bounds = array<i64: 1, 1024>}, {pipeline_mode = #tpu.pipeline_mode<synchronous>, transform_indices = @transform_8, window_bounds = array<i64: 1, 256>}, {pipeline_mode = #tpu.pipeline_mode<synchronous>, transform_indices = @transform_9, window_bounds = array<i64: 1, 256>}, {pipeline_mode = #tpu.pipeline_mode<synchronous>, transform_indices = @transform_10, window_bounds = array<i64: 256, 1024>}, {pipeline_mode = #tpu.pipeline_mode<synchronous>, transform_indices = @transform_11, window_bounds = array<i64: 1, 1024>}, {pipeline_mode = #tpu.pipeline_mode<synchronous>, transform_indices = @transform_12, window_bounds = array<i64: 1, 256>}, {pipeline_mode = #tpu.pipeline_mode<synchronous>, transform_indices = @transform_13, window_bounds = array<i64: 1, 256>}, {pipeline_mode = #tpu.pipeline_mode<synchronous>, transform_indices = @transform_14, window_bounds = array<i64: 256, 1024>}, {pipeline_mode = #tpu.pipeline_mode<synchronous>, transform_indices = @transform_15, window_bounds = array<i64: 1, 1024>}, {pipeline_mode = #tpu.pipeline_mode<synchronous>, transform_indices = @transform_16, window_bounds = array<i64: 1, 256>}, {pipeline_mode = #tpu.pipeline_mode<synchronous>, transform_indices = @transform_17, window_bounds = array<i64: 1, 256>}, {pipeline_mode = #tpu.pipeline_mode<synchronous>, transform_indices = @transform_18, window_bounds = array<i64: 256, 1024>}, {pipeline_mode = #tpu.pipeline_mode<synchronous>, transform_indices = @transform_19, window_bounds = array<i64: 1, 1024>}, {pipeline_mode = #tpu.pipeline_mode<synchronous>, transform_indices = @transform_20, window_bounds = array<i64: 1024, 256>}, {pipeline_mode = #tpu.pipeline_mode<synchronous>, transform_indices = @transform_21, window_bounds = array<i64: 1, 256>}, {pipeline_mode = #tpu.pipeline_mode<synchronous>, transform_indices = @transform_22, window_bounds = array<i64: 256, 8>}, {pipeline_mode = #tpu.pipeline_mode<synchronous>, transform_indices = @transform_23, window_bounds = array<i64: 1, 1>}, {pipeline_mode = #tpu.pipeline_mode<synchronous>, transform_indices = @transform_24, window_bounds = array<i64: 1024, 256>}, {pipeline_mode = #tpu.pipeline_mode<synchronous>, transform_indices = @transform_25, window_bounds = array<i64: 1, 256>}, {pipeline_mode = #tpu.pipeline_mode<synchronous>, transform_indices = @transform_26, window_bounds = array<i64: 256, 8>}, {pipeline_mode = #tpu.pipeline_mode<synchronous>, transform_indices = @transform_27, window_bounds = array<i64: 1, 1>}, {pipeline_mode = #tpu.pipeline_mode<synchronous>, transform_indices = @transform_28, window_bounds = array<i64: 1024, 256>}, {pipeline_mode = #tpu.pipeline_mode<synchronous>, transform_indices = @transform_29, window_bounds = array<i64: 1, 256>}, {pipeline_mode = #tpu.pipeline_mode<synchronous>, transform_indices = @transform_30, window_bounds = array<i64: 256, 8>}, {pipeline_mode = #tpu.pipeline_mode<synchronous>, transform_indices = @transform_31, window_bounds = array<i64: 1, 1>}, {pipeline_mode = #tpu.pipeline_mode<synchronous>, transform_indices = @transform_32, window_bounds = array<i64: 1024, 256>}, {pipeline_mode = #tpu.pipeline_mode<synchronous>, transform_indices = @transform_33, window_bounds = array<i64: 1, 256>}, {pipeline_mode = #tpu.pipeline_mode<synchronous>, transform_indices = @transform_34, window_bounds = array<i64: 256, 8>}, {pipeline_mode = #tpu.pipeline_mode<synchronous>, transform_indices = @transform_35, window_bounds = array<i64: 1, 1>}, {pipeline_mode = #tpu.pipeline_mode<synchronous>, transform_indices = @transform_36, window_bounds = array<i64: 4, 256>}, {pipeline_mode = #tpu.pipeline_mode<synchronous>, transform_indices = @transform_37, window_bounds = array<i64: 1, 256>}, {pipeline_mode = #tpu.pipeline_mode<synchronous>, transform_indices = @transform_38, window_bounds = array<i64: 256, 1024>}, {pipeline_mode = #tpu.pipeline_mode<synchronous>, transform_indices = @transform_39, window_bounds = array<i64: 1, 1024>}, {pipeline_mode = #tpu.pipeline_mode<synchronous>, transform_indices = @transform_40, window_bounds = array<i64: 1024, 256>}, {pipeline_mode = #tpu.pipeline_mode<synchronous>, transform_indices = @transform_41, window_bounds = array<i64: 1, 256>}, {pipeline_mode = #tpu.pipeline_mode<synchronous>, transform_indices = @transform_42, window_bounds = array<i64: 256, 256>}, {pipeline_mode = #tpu.pipeline_mode<synchronous>, transform_indices = @transform_43, window_bounds = array<i64: 1, 256>}, {pipeline_mode = #tpu.pipeline_mode<synchronous>, transform_indices = @transform_44, window_bounds = array<i64: 256, 8>}, {pipeline_mode = #tpu.pipeline_mode<synchronous>, transform_indices = @transform_45, window_bounds = array<i64: 1, 1>}, {pipeline_mode = #tpu.pipeline_mode<synchronous>, transform_indices = @transform_46, window_bounds = array<i64: 1024, 256>}, {pipeline_mode = #tpu.pipeline_mode<synchronous>, transform_indices = @transform_47, window_bounds = array<i64: 1, 256>}, {pipeline_mode = #tpu.pipeline_mode<synchronous>, transform_indices = @transform_48, window_bounds = array<i64: 256, 256>}, {pipeline_mode = #tpu.pipeline_mode<synchronous>, transform_indices = @transform_49, window_bounds = array<i64: 1, 256>}, {pipeline_mode = #tpu.pipeline_mode<synchronous>, transform_indices = @transform_50, window_bounds = array<i64: 256, 8>}, {pipeline_mode = #tpu.pipeline_mode<synchronous>, transform_indices = @transform_51, window_bounds = array<i64: 1, 1>}, {pipeline_mode = #tpu.pipeline_mode<synchronous>, transform_indices = @transform_52, window_bounds = array<i64: 1024, 256>}, {pipeline_mode = #tpu.pipeline_mode<synchronous>, transform_indices = @transform_53, window_bounds = array<i64: 1, 256>}, {pipeline_mode = #tpu.pipeline_mode<synchronous>, transform_indices = @transform_54, window_bounds = array<i64: 256, 256>}, {pipeline_mode = #tpu.pipeline_mode<synchronous>, transform_indices = @transform_55, window_bounds = array<i64: 1, 256>}, {pipeline_mode = #tpu.pipeline_mode<synchronous>, transform_indices = @transform_56, window_bounds = array<i64: 256, 8>}, {pipeline_mode = #tpu.pipeline_mode<synchronous>, transform_indices = @transform_57, window_bounds = array<i64: 1, 1>}, {pipeline_mode = #tpu.pipeline_mode<synchronous>, transform_indices = @transform_58, window_bounds = array<i64: 1024, 256>}, {pipeline_mode = #tpu.pipeline_mode<synchronous>, transform_indices = @transform_59, window_bounds = array<i64: 1, 256>}, {pipeline_mode = #tpu.pipeline_mode<synchronous>, transform_indices = @transform_60, window_bounds = array<i64: 256, 256>}, {pipeline_mode = #tpu.pipeline_mode<synchronous>, transform_indices = @transform_61, window_bounds = array<i64: 1, 256>}, {pipeline_mode = #tpu.pipeline_mode<synchronous>, transform_indices = @transform_62, window_bounds = array<i64: 256, 8>}, {pipeline_mode = #tpu.pipeline_mode<synchronous>, transform_indices = @transform_63, window_bounds = array<i64: 1, 1>}, {transform_indices = @transform_64, window_bounds = array<i64: 1000, 1>}, {transform_indices = @transform_65, window_bounds = array<i64: 1000, 1>}, {transform_indices = @transform_66, window_bounds = array<i64: 1000, 1>}, {transform_indices = @transform_67, window_bounds = array<i64: 1000, 1>}, {transform_indices = @transform_68, window_bounds = array<i64: 1000, 16>}]} {
    %get3A = arith.constant 0 : index
    %get3A_0 = arith.constant 0 : index
    %get3A_1 = vector.load %arg1[%get3A, %get3A_0] : memref<1000x1xf32, #tpu.memory_space<vmem>>, vector<1000x1xf32>
    %get3A_2 = arith.constant 0 : index
    %get3A_3 = arith.constant 0 : index
    %get3A_4 = vector.load %arg2[%get3A_2, %get3A_3] : memref<1000x1xf32, #tpu.memory_space<vmem>>, vector<1000x1xf32>
    %get3A_5 = arith.constant 0 : index
    %get3A_6 = arith.constant 0 : index
    %get3A_7 = vector.load %arg3[%get3A_5, %get3A_6] : memref<1000x1xf32, #tpu.memory_space<vmem>>, vector<1000x1xf32>
    %get3A_8 = arith.constant 0 : index
    %get3A_9 = arith.constant 0 : index
    %get3A_10 = vector.load %arg4[%get3A_8, %get3A_9] : memref<1000x1xf32, #tpu.memory_space<vmem>>, vector<1000x1xf32>
    %get3A_11 = arith.constant 0 : index
    %get3A_12 = arith.constant 0 : index
    %get3A_13 = vector.load %arg5[%get3A_11, %get3A_12] : memref<1x256xf32, #tpu.memory_space<vmem>>, vector<1x256xf32>
    %mul3A = vector.broadcast %get3A_1 : vector<1000x1xf32> to vector<1000x256xf32>
    %mul3A_14 = vector.broadcast %get3A_13 : vector<1x256xf32> to vector<1000x256xf32>
    %mul3A_15 = arith.mulf %mul3A, %mul3A_14 : vector<1000x256xf32>
    %get3A_16 = arith.constant 0 : index
    %get3A_17 = arith.constant 0 : index
    %get3A_18 = vector.load %arg6[%get3A_16, %get3A_17] : memref<1x256xf32, #tpu.memory_space<vmem>>, vector<1x256xf32>
    %add3A = vector.broadcast %get3A_18 : vector<1x256xf32> to vector<1000x256xf32>
    %add3A_19 = arith.addf %mul3A_15, %add3A : vector<1000x256xf32>
    %get3A_20 = arith.constant 0 : index
    %get3A_21 = arith.constant 0 : index
    %get3A_22 = vector.load %arg7[%get3A_20, %get3A_21] : memref<256x1024xbf16, #tpu.memory_space<vmem>>, vector<256x1024xbf16>
    %convert_element_type3A = arith.truncf %add3A_19 : vector<1000x256xf32> to vector<1000x256xbf16>
    %dot_general3A = arith.constant dense<0.000000e+00> : vector<1000x1024xf32>
    %dot_general3A_23 = tpu.matmul %convert_element_type3A, %get3A_22, %dot_general3A {dimension_numbers = #tpu.dot_dimension_numbers<[1], [0], [0], [1], [0, 0, 1, 1], [], []>, transpose_lhs_hint = false} : vector<1000x256xbf16>, vector<256x1024xbf16>, vector<1000x1024xf32> -> vector<1000x1024xf32>
    %get3A_24 = arith.constant 0 : index
    %get3A_25 = arith.constant 0 : index
    %get3A_26 = vector.load %arg8[%get3A_24, %get3A_25] : memref<1x1024xf32, #tpu.memory_space<vmem>>, vector<1x1024xf32>
    %add3A_27 = vector.broadcast %get3A_26 : vector<1x1024xf32> to vector<1000x1024xf32>
    %add3A_28 = arith.addf %dot_general3A_23, %add3A_27 : vector<1000x1024xf32>
    %get3A_29 = arith.constant 0 : index
    %get3A_30 = arith.constant 0 : index
    %get3A_31 = vector.load %arg9[%get3A_29, %get3A_30] : memref<1x256xf32, #tpu.memory_space<vmem>>, vector<1x256xf32>
    %mul3A_32 = vector.broadcast %get3A_4 : vector<1000x1xf32> to vector<1000x256xf32>
    %mul3A_33 = vector.broadcast %get3A_31 : vector<1x256xf32> to vector<1000x256xf32>
    %mul3A_34 = arith.mulf %mul3A_32, %mul3A_33 : vector<1000x256xf32>
    %get3A_35 = arith.constant 0 : index
    %get3A_36 = arith.constant 0 : index
    %get3A_37 = vector.load %arg10[%get3A_35, %get3A_36] : memref<1x256xf32, #tpu.memory_space<vmem>>, vector<1x256xf32>
    %add3A_38 = vector.broadcast %get3A_37 : vector<1x256xf32> to vector<1000x256xf32>
    %add3A_39 = arith.addf %mul3A_34, %add3A_38 : vector<1000x256xf32>
    %get3A_40 = arith.constant 0 : index
    %get3A_41 = arith.constant 0 : index
    %get3A_42 = vector.load %arg11[%get3A_40, %get3A_41] : memref<256x1024xbf16, #tpu.memory_space<vmem>>, vector<256x1024xbf16>
    %convert_element_type3A_43 = arith.truncf %add3A_39 : vector<1000x256xf32> to vector<1000x256xbf16>
    %dot_general3A_44 = arith.constant dense<0.000000e+00> : vector<1000x1024xf32>
    %dot_general3A_45 = tpu.matmul %convert_element_type3A_43, %get3A_42, %dot_general3A_44 {dimension_numbers = #tpu.dot_dimension_numbers<[1], [0], [0], [1], [0, 0, 1, 1], [], []>, transpose_lhs_hint = false} : vector<1000x256xbf16>, vector<256x1024xbf16>, vector<1000x1024xf32> -> vector<1000x1024xf32>
    %get3A_46 = arith.constant 0 : index
    %get3A_47 = arith.constant 0 : index
    %get3A_48 = vector.load %arg12[%get3A_46, %get3A_47] : memref<1x1024xf32, #tpu.memory_space<vmem>>, vector<1x1024xf32>
    %add3A_49 = vector.broadcast %get3A_48 : vector<1x1024xf32> to vector<1000x1024xf32>
    %add3A_50 = arith.addf %dot_general3A_45, %add3A_49 : vector<1000x1024xf32>
    %get3A_51 = arith.constant 0 : index
    %get3A_52 = arith.constant 0 : index
    %get3A_53 = vector.load %arg13[%get3A_51, %get3A_52] : memref<1x256xf32, #tpu.memory_space<vmem>>, vector<1x256xf32>
    %mul3A_54 = vector.broadcast %get3A_7 : vector<1000x1xf32> to vector<1000x256xf32>
    %mul3A_55 = vector.broadcast %get3A_53 : vector<1x256xf32> to vector<1000x256xf32>
    %mul3A_56 = arith.mulf %mul3A_54, %mul3A_55 : vector<1000x256xf32>
    %get3A_57 = arith.constant 0 : index
    %get3A_58 = arith.constant 0 : index
    %get3A_59 = vector.load %arg14[%get3A_57, %get3A_58] : memref<1x256xf32, #tpu.memory_space<vmem>>, vector<1x256xf32>
    %add3A_60 = vector.broadcast %get3A_59 : vector<1x256xf32> to vector<1000x256xf32>
    %add3A_61 = arith.addf %mul3A_56, %add3A_60 : vector<1000x256xf32>
    %get3A_62 = arith.constant 0 : index
    %get3A_63 = arith.constant 0 : index
    %get3A_64 = vector.load %arg15[%get3A_62, %get3A_63] : memref<256x1024xbf16, #tpu.memory_space<vmem>>, vector<256x1024xbf16>
    %convert_element_type3A_65 = arith.truncf %add3A_61 : vector<1000x256xf32> to vector<1000x256xbf16>
    %dot_general3A_66 = arith.constant dense<0.000000e+00> : vector<1000x1024xf32>
    %dot_general3A_67 = tpu.matmul %convert_element_type3A_65, %get3A_64, %dot_general3A_66 {dimension_numbers = #tpu.dot_dimension_numbers<[1], [0], [0], [1], [0, 0, 1, 1], [], []>, transpose_lhs_hint = false} : vector<1000x256xbf16>, vector<256x1024xbf16>, vector<1000x1024xf32> -> vector<1000x1024xf32>
    %get3A_68 = arith.constant 0 : index
    %get3A_69 = arith.constant 0 : index
    %get3A_70 = vector.load %arg16[%get3A_68, %get3A_69] : memref<1x1024xf32, #tpu.memory_space<vmem>>, vector<1x1024xf32>
    %add3A_71 = vector.broadcast %get3A_70 : vector<1x1024xf32> to vector<1000x1024xf32>
    %add3A_72 = arith.addf %dot_general3A_67, %add3A_71 : vector<1000x1024xf32>
    %get3A_73 = arith.constant 0 : index
    %get3A_74 = arith.constant 0 : index
    %get3A_75 = vector.load %arg17[%get3A_73, %get3A_74] : memref<1x256xf32, #tpu.memory_space<vmem>>, vector<1x256xf32>
    %mul3A_76 = vector.broadcast %get3A_10 : vector<1000x1xf32> to vector<1000x256xf32>
    %mul3A_77 = vector.broadcast %get3A_75 : vector<1x256xf32> to vector<1000x256xf32>
    %mul3A_78 = arith.mulf %mul3A_76, %mul3A_77 : vector<1000x256xf32>
    %get3A_79 = arith.constant 0 : index
    %get3A_80 = arith.constant 0 : index
    %get3A_81 = vector.load %arg18[%get3A_79, %get3A_80] : memref<1x256xf32, #tpu.memory_space<vmem>>, vector<1x256xf32>
    %add3A_82 = vector.broadcast %get3A_81 : vector<1x256xf32> to vector<1000x256xf32>
    %add3A_83 = arith.addf %mul3A_78, %add3A_82 : vector<1000x256xf32>
    %get3A_84 = arith.constant 0 : index
    %get3A_85 = arith.constant 0 : index
    %get3A_86 = vector.load %arg19[%get3A_84, %get3A_85] : memref<256x1024xbf16, #tpu.memory_space<vmem>>, vector<256x1024xbf16>
    %convert_element_type3A_87 = arith.truncf %add3A_83 : vector<1000x256xf32> to vector<1000x256xbf16>
    %dot_general3A_88 = arith.constant dense<0.000000e+00> : vector<1000x1024xf32>
    %dot_general3A_89 = tpu.matmul %convert_element_type3A_87, %get3A_86, %dot_general3A_88 {dimension_numbers = #tpu.dot_dimension_numbers<[1], [0], [0], [1], [0, 0, 1, 1], [], []>, transpose_lhs_hint = false} : vector<1000x256xbf16>, vector<256x1024xbf16>, vector<1000x1024xf32> -> vector<1000x1024xf32>
    %get3A_90 = arith.constant 0 : index
    %get3A_91 = arith.constant 0 : index
    %get3A_92 = vector.load %arg20[%get3A_90, %get3A_91] : memref<1x1024xf32, #tpu.memory_space<vmem>>, vector<1x1024xf32>
    %add3A_93 = vector.broadcast %get3A_92 : vector<1x1024xf32> to vector<1000x1024xf32>
    %add3A_94 = arith.addf %dot_general3A_89, %add3A_93 : vector<1000x1024xf32>
    %get3A_95 = arith.constant 0 : index
    %get3A_96 = arith.constant 0 : index
    %get3A_97 = vector.load %arg21[%get3A_95, %get3A_96] : memref<1024x256xbf16, #tpu.memory_space<vmem>>, vector<1024x256xbf16>
    %convert_element_type3A_98 = arith.truncf %add3A_28 : vector<1000x1024xf32> to vector<1000x1024xbf16>
    %dot_general3A_99 = arith.constant dense<0.000000e+00> : vector<1000x256xf32>
    %dot_general3A_100 = tpu.matmul %convert_element_type3A_98, %get3A_97, %dot_general3A_99 {dimension_numbers = #tpu.dot_dimension_numbers<[1], [0], [0], [1], [0, 0, 1, 1], [], []>, transpose_lhs_hint = false} : vector<1000x1024xbf16>, vector<1024x256xbf16>, vector<1000x256xf32> -> vector<1000x256xf32>
    %get3A_101 = arith.constant 0 : index
    %get3A_102 = arith.constant 0 : index
    %get3A_103 = vector.load %arg22[%get3A_101, %get3A_102] : memref<1x256xf32, #tpu.memory_space<vmem>>, vector<1x256xf32>
    %add3A_104 = vector.broadcast %get3A_103 : vector<1x256xf32> to vector<1000x256xf32>
    %add3A_105 = arith.addf %dot_general3A_100, %add3A_104 : vector<1000x256xf32>
    %get3A_106 = arith.constant 0 : index
    %get3A_107 = arith.constant 0 : index
    %get3A_108 = vector.load %arg23[%get3A_106, %get3A_107] : memref<256x8xbf16, #tpu.memory_space<vmem>>, vector<256x8xbf16>
    %convert_element_type3A_109 = arith.truncf %add3A_105 : vector<1000x256xf32> to vector<1000x256xbf16>
    %dot_general3A_110 = arith.constant dense<0.000000e+00> : vector<1000x8xf32>
    %dot_general3A_111 = tpu.matmul %convert_element_type3A_109, %get3A_108, %dot_general3A_110 {dimension_numbers = #tpu.dot_dimension_numbers<[1], [0], [0], [1], [0, 0, 1, 1], [], []>, transpose_lhs_hint = false} : vector<1000x256xbf16>, vector<256x8xbf16>, vector<1000x8xf32> -> vector<1000x8xf32>
    %slice3A = vector.extract_strided_slice %dot_general3A_111 {offsets = [0, 0], sizes = [1000, 1], strides = [1, 1]} : vector<1000x8xf32> to vector<1000x1xf32>
    %get3A_112 = arith.constant 0 : index
    %get3A_113 = arith.constant 0 : index
    %get3A_114 = vector.load %arg24[%get3A_112, %get3A_113] : memref<1x1xf32, #tpu.memory_space<vmem>>, vector<1x1xf32>
    %add3A_115 = vector.broadcast %get3A_114 : vector<1x1xf32> to vector<1000x1xf32>
    %add3A_116 = arith.addf %slice3A, %add3A_115 : vector<1000x1xf32>
    %get3A_117 = arith.constant 0 : index
    %get3A_118 = arith.constant 0 : index
    %get3A_119 = vector.load %arg25[%get3A_117, %get3A_118] : memref<1024x256xbf16, #tpu.memory_space<vmem>>, vector<1024x256xbf16>
    %convert_element_type3A_120 = arith.truncf %add3A_50 : vector<1000x1024xf32> to vector<1000x1024xbf16>
    %dot_general3A_121 = arith.constant dense<0.000000e+00> : vector<1000x256xf32>
    %dot_general3A_122 = tpu.matmul %convert_element_type3A_120, %get3A_119, %dot_general3A_121 {dimension_numbers = #tpu.dot_dimension_numbers<[1], [0], [0], [1], [0, 0, 1, 1], [], []>, transpose_lhs_hint = false} : vector<1000x1024xbf16>, vector<1024x256xbf16>, vector<1000x256xf32> -> vector<1000x256xf32>
    %get3A_123 = arith.constant 0 : index
    %get3A_124 = arith.constant 0 : index
    %get3A_125 = vector.load %arg26[%get3A_123, %get3A_124] : memref<1x256xf32, #tpu.memory_space<vmem>>, vector<1x256xf32>
    %add3A_126 = vector.broadcast %get3A_125 : vector<1x256xf32> to vector<1000x256xf32>
    %add3A_127 = arith.addf %dot_general3A_122, %add3A_126 : vector<1000x256xf32>
    %get3A_128 = arith.constant 0 : index
    %get3A_129 = arith.constant 0 : index
    %get3A_130 = vector.load %arg27[%get3A_128, %get3A_129] : memref<256x8xbf16, #tpu.memory_space<vmem>>, vector<256x8xbf16>
    %convert_element_type3A_131 = arith.truncf %add3A_127 : vector<1000x256xf32> to vector<1000x256xbf16>
    %dot_general3A_132 = arith.constant dense<0.000000e+00> : vector<1000x8xf32>
    %dot_general3A_133 = tpu.matmul %convert_element_type3A_131, %get3A_130, %dot_general3A_132 {dimension_numbers = #tpu.dot_dimension_numbers<[1], [0], [0], [1], [0, 0, 1, 1], [], []>, transpose_lhs_hint = false} : vector<1000x256xbf16>, vector<256x8xbf16>, vector<1000x8xf32> -> vector<1000x8xf32>
    %slice3A_134 = vector.extract_strided_slice %dot_general3A_133 {offsets = [0, 0], sizes = [1000, 1], strides = [1, 1]} : vector<1000x8xf32> to vector<1000x1xf32>
    %get3A_135 = arith.constant 0 : index
    %get3A_136 = arith.constant 0 : index
    %get3A_137 = vector.load %arg28[%get3A_135, %get3A_136] : memref<1x1xf32, #tpu.memory_space<vmem>>, vector<1x1xf32>
    %add3A_138 = vector.broadcast %get3A_137 : vector<1x1xf32> to vector<1000x1xf32>
    %add3A_139 = arith.addf %slice3A_134, %add3A_138 : vector<1000x1xf32>
    %get3A_140 = arith.constant 0 : index
    %get3A_141 = arith.constant 0 : index
    %get3A_142 = vector.load %arg29[%get3A_140, %get3A_141] : memref<1024x256xbf16, #tpu.memory_space<vmem>>, vector<1024x256xbf16>
    %convert_element_type3A_143 = arith.truncf %add3A_72 : vector<1000x1024xf32> to vector<1000x1024xbf16>
    %dot_general3A_144 = arith.constant dense<0.000000e+00> : vector<1000x256xf32>
    %dot_general3A_145 = tpu.matmul %convert_element_type3A_143, %get3A_142, %dot_general3A_144 {dimension_numbers = #tpu.dot_dimension_numbers<[1], [0], [0], [1], [0, 0, 1, 1], [], []>, transpose_lhs_hint = false} : vector<1000x1024xbf16>, vector<1024x256xbf16>, vector<1000x256xf32> -> vector<1000x256xf32>
    %get3A_146 = arith.constant 0 : index
    %get3A_147 = arith.constant 0 : index
    %get3A_148 = vector.load %arg30[%get3A_146, %get3A_147] : memref<1x256xf32, #tpu.memory_space<vmem>>, vector<1x256xf32>
    %add3A_149 = vector.broadcast %get3A_148 : vector<1x256xf32> to vector<1000x256xf32>
    %add3A_150 = arith.addf %dot_general3A_145, %add3A_149 : vector<1000x256xf32>
    %get3A_151 = arith.constant 0 : index
    %get3A_152 = arith.constant 0 : index
    %get3A_153 = vector.load %arg31[%get3A_151, %get3A_152] : memref<256x8xbf16, #tpu.memory_space<vmem>>, vector<256x8xbf16>
    %convert_element_type3A_154 = arith.truncf %add3A_150 : vector<1000x256xf32> to vector<1000x256xbf16>
    %dot_general3A_155 = arith.constant dense<0.000000e+00> : vector<1000x8xf32>
    %dot_general3A_156 = tpu.matmul %convert_element_type3A_154, %get3A_153, %dot_general3A_155 {dimension_numbers = #tpu.dot_dimension_numbers<[1], [0], [0], [1], [0, 0, 1, 1], [], []>, transpose_lhs_hint = false} : vector<1000x256xbf16>, vector<256x8xbf16>, vector<1000x8xf32> -> vector<1000x8xf32>
    %slice3A_157 = vector.extract_strided_slice %dot_general3A_156 {offsets = [0, 0], sizes = [1000, 1], strides = [1, 1]} : vector<1000x8xf32> to vector<1000x1xf32>
    %get3A_158 = arith.constant 0 : index
    %get3A_159 = arith.constant 0 : index
    %get3A_160 = vector.load %arg32[%get3A_158, %get3A_159] : memref<1x1xf32, #tpu.memory_space<vmem>>, vector<1x1xf32>
    %add3A_161 = vector.broadcast %get3A_160 : vector<1x1xf32> to vector<1000x1xf32>
    %add3A_162 = arith.addf %slice3A_157, %add3A_161 : vector<1000x1xf32>
    %get3A_163 = arith.constant 0 : index
    %get3A_164 = arith.constant 0 : index
    %get3A_165 = vector.load %arg33[%get3A_163, %get3A_164] : memref<1024x256xbf16, #tpu.memory_space<vmem>>, vector<1024x256xbf16>
    %convert_element_type3A_166 = arith.truncf %add3A_94 : vector<1000x1024xf32> to vector<1000x1024xbf16>
    %dot_general3A_167 = arith.constant dense<0.000000e+00> : vector<1000x256xf32>
    %dot_general3A_168 = tpu.matmul %convert_element_type3A_166, %get3A_165, %dot_general3A_167 {dimension_numbers = #tpu.dot_dimension_numbers<[1], [0], [0], [1], [0, 0, 1, 1], [], []>, transpose_lhs_hint = false} : vector<1000x1024xbf16>, vector<1024x256xbf16>, vector<1000x256xf32> -> vector<1000x256xf32>
    %get3A_169 = arith.constant 0 : index
    %get3A_170 = arith.constant 0 : index
    %get3A_171 = vector.load %arg34[%get3A_169, %get3A_170] : memref<1x256xf32, #tpu.memory_space<vmem>>, vector<1x256xf32>
    %add3A_172 = vector.broadcast %get3A_171 : vector<1x256xf32> to vector<1000x256xf32>
    %add3A_173 = arith.addf %dot_general3A_168, %add3A_172 : vector<1000x256xf32>
    %get3A_174 = arith.constant 0 : index
    %get3A_175 = arith.constant 0 : index
    %get3A_176 = vector.load %arg35[%get3A_174, %get3A_175] : memref<256x8xbf16, #tpu.memory_space<vmem>>, vector<256x8xbf16>
    %convert_element_type3A_177 = arith.truncf %add3A_173 : vector<1000x256xf32> to vector<1000x256xbf16>
    %dot_general3A_178 = arith.constant dense<0.000000e+00> : vector<1000x8xf32>
    %dot_general3A_179 = tpu.matmul %convert_element_type3A_177, %get3A_176, %dot_general3A_178 {dimension_numbers = #tpu.dot_dimension_numbers<[1], [0], [0], [1], [0, 0, 1, 1], [], []>, transpose_lhs_hint = false} : vector<1000x256xbf16>, vector<256x8xbf16>, vector<1000x8xf32> -> vector<1000x8xf32>
    %slice3A_180 = vector.extract_strided_slice %dot_general3A_179 {offsets = [0, 0], sizes = [1000, 1], strides = [1, 1]} : vector<1000x8xf32> to vector<1000x1xf32>
    %get3A_181 = arith.constant 0 : index
    %get3A_182 = arith.constant 0 : index
    %get3A_183 = vector.load %arg36[%get3A_181, %get3A_182] : memref<1x1xf32, #tpu.memory_space<vmem>>, vector<1x1xf32>
    %add3A_184 = vector.broadcast %get3A_183 : vector<1x1xf32> to vector<1000x1xf32>
    %add3A_185 = arith.addf %slice3A_180, %add3A_184 : vector<1000x1xf32>
    %swap3A = arith.constant 0 : index
    %swap3A_186 = arith.constant 0 : index
    %swap3A_187 = vector.load %arg65[%swap3A, %swap3A_186] : memref<1000x1xf32, #tpu.memory_space<vmem>>, vector<1000x1xf32>
    tpu.vector_store %arg65[%swap3A, %swap3A_186], %add3A_116 {strides = array<i32>} : memref<1000x1xf32, #tpu.memory_space<vmem>>, vector<1000x1xf32>,
    %swap3A_188 = arith.constant 0 : index
    %swap3A_189 = arith.constant 0 : index
    %swap3A_190 = vector.load %arg66[%swap3A_188, %swap3A_189] : memref<1000x1xf32, #tpu.memory_space<vmem>>, vector<1000x1xf32>
    tpu.vector_store %arg66[%swap3A_188, %swap3A_189], %add3A_139 {strides = array<i32>} : memref<1000x1xf32, #tpu.memory_space<vmem>>, vector<1000x1xf32>,
    %swap3A_191 = arith.constant 0 : index
    %swap3A_192 = arith.constant 0 : index
    %swap3A_193 = vector.load %arg67[%swap3A_191, %swap3A_192] : memref<1000x1xf32, #tpu.memory_space<vmem>>, vector<1000x1xf32>
    tpu.vector_store %arg67[%swap3A_191, %swap3A_192], %add3A_162 {strides = array<i32>} : memref<1000x1xf32, #tpu.memory_space<vmem>>, vector<1000x1xf32>,
    %swap3A_194 = arith.constant 0 : index
    %swap3A_195 = arith.constant 0 : index
    %swap3A_196 = vector.load %arg68[%swap3A_194, %swap3A_195] : memref<1000x1xf32, #tpu.memory_space<vmem>>, vector<1000x1xf32>
    tpu.vector_store %arg68[%swap3A_194, %swap3A_195], %add3A_185 {strides = array<i32>} : memref<1000x1xf32, #tpu.memory_space<vmem>>, vector<1000x1xf32>,
    %cos3A = math.cos %get3A_7 : vector<1000x1xf32>
    %mul3A_197 = arith.mulf %get3A_1, %cos3A : vector<1000x1xf32>
    %sin3A = math.sin %get3A_7 : vector<1000x1xf32>
    %mul3A_198 = arith.mulf %get3A_1, %sin3A : vector<1000x1xf32>
    %exp3A = math.exp %get3A_4 : vector<1000x1xf32>
    %div3A = arith.constant 1.000000e+00 : f32
    %div3A_199 = vector.broadcast %div3A : f32 to vector<1000x1xf32>
    %div3A_200 = arith.divf %div3A_199, %exp3A : vector<1000x1xf32>
    %sub3A = arith.subf %exp3A, %div3A_200 : vector<1000x1xf32>
    %mul3A_201 = arith.constant 5.000000e-01 : f32
    %mul3A_202 = vector.broadcast %mul3A_201 : f32 to vector<1000x1xf32>
    %mul3A_203 = arith.mulf %mul3A_202, %sub3A : vector<1000x1xf32>
    %mul3A_204 = arith.mulf %get3A_1, %mul3A_203 : vector<1000x1xf32>
    %cos3A_205 = math.cos %add3A_162 : vector<1000x1xf32>
    %mul3A_206 = arith.mulf %add3A_116, %cos3A_205 : vector<1000x1xf32>
    %sin3A_207 = math.sin %add3A_162 : vector<1000x1xf32>
    %mul3A_208 = arith.mulf %add3A_116, %sin3A_207 : vector<1000x1xf32>
    %exp3A_209 = math.exp %add3A_139 : vector<1000x1xf32>
    %div3A_210 = arith.constant 1.000000e+00 : f32
    %div3A_211 = vector.broadcast %div3A_210 : f32 to vector<1000x1xf32>
    %div3A_212 = arith.divf %div3A_211, %exp3A_209 : vector<1000x1xf32>
    %sub3A_213 = arith.subf %exp3A_209, %div3A_212 : vector<1000x1xf32>
    %mul3A_214 = arith.constant 5.000000e-01 : f32
    %mul3A_215 = vector.broadcast %mul3A_214 : f32 to vector<1000x1xf32>
    %mul3A_216 = arith.mulf %mul3A_215, %sub3A_213 : vector<1000x1xf32>
    %mul3A_217 = arith.mulf %add3A_116, %mul3A_216 : vector<1000x1xf32>
    %sub3A_218 = arith.subf %mul3A_206, %mul3A_197 : vector<1000x1xf32>
    %sub3A_219 = arith.subf %mul3A_208, %mul3A_198 : vector<1000x1xf32>
    %sub3A_220 = arith.subf %mul3A_217, %mul3A_204 : vector<1000x1xf32>
    %sub3A_221 = arith.subf %add3A_185, %get3A_10 : vector<1000x1xf32>
    %concatenate3A = tpu.concatenate %sub3A_218, %sub3A_219, %sub3A_220, %sub3A_221 in 1 : vector<1000x1xf32>, vector<1000x1xf32>, vector<1000x1xf32>, vector<1000x1xf32> -> vector<1000x4xf32>
    %get3A_222 = arith.constant 0 : index
    %get3A_223 = arith.constant 0 : index
    %get3A_224 = vector.load %arg37[%get3A_222, %get3A_223] : memref<4x256xbf16, #tpu.memory_space<vmem>>, vector<4x256xbf16>
    %convert_element_type3A_225 = arith.truncf %concatenate3A : vector<1000x4xf32> to vector<1000x4xbf16>
    %dot_general3A_226 = arith.constant dense<0.000000e+00> : vector<1000x256xf32>
    %dot_general3A_227 = tpu.matmul %convert_element_type3A_225, %get3A_224, %dot_general3A_226 {dimension_numbers = #tpu.dot_dimension_numbers<[1], [0], [0], [1], [0, 0, 1, 1], [], []>, transpose_lhs_hint = false} : vector<1000x4xbf16>, vector<4x256xbf16>, vector<1000x256xf32> -> vector<1000x256xf32>
    %get3A_228 = arith.constant 0 : index
    %get3A_229 = arith.constant 0 : index
    %get3A_230 = vector.load %arg38[%get3A_228, %get3A_229] : memref<1x256xf32, #tpu.memory_space<vmem>>, vector<1x256xf32>
    %add3A_231 = vector.broadcast %get3A_230 : vector<1x256xf32> to vector<1000x256xf32>
    %add3A_232 = arith.addf %dot_general3A_227, %add3A_231 : vector<1000x256xf32>
    %get3A_233 = arith.constant 0 : index
    %get3A_234 = arith.constant 0 : index
    %get3A_235 = vector.load %arg39[%get3A_233, %get3A_234] : memref<256x1024xbf16, #tpu.memory_space<vmem>>, vector<256x1024xbf16>
    %convert_element_type3A_236 = arith.truncf %add3A_232 : vector<1000x256xf32> to vector<1000x256xbf16>
    %dot_general3A_237 = arith.constant dense<0.000000e+00> : vector<1000x1024xf32>
    %dot_general3A_238 = tpu.matmul %convert_element_type3A_236, %get3A_235, %dot_general3A_237 {dimension_numbers = #tpu.dot_dimension_numbers<[1], [0], [0], [1], [0, 0, 1, 1], [], []>, transpose_lhs_hint = false} : vector<1000x256xbf16>, vector<256x1024xbf16>, vector<1000x1024xf32> -> vector<1000x1024xf32>
    %get3A_239 = arith.constant 0 : index
    %get3A_240 = arith.constant 0 : index
    %get3A_241 = vector.load %arg40[%get3A_239, %get3A_240] : memref<1x1024xf32, #tpu.memory_space<vmem>>, vector<1x1024xf32>
    %add3A_242 = vector.broadcast %get3A_241 : vector<1x1024xf32> to vector<1000x1024xf32>
    %add3A_243 = arith.addf %dot_general3A_238, %add3A_242 : vector<1000x1024xf32>
    %mul3A_244 = arith.mulf %add3A_243, %add3A_50 : vector<1000x1024xf32>
    %get3A_245 = arith.constant 0 : index
    %get3A_246 = arith.constant 0 : index
    %get3A_247 = vector.load %arg41[%get3A_245, %get3A_246] : memref<1024x256xbf16, #tpu.memory_space<vmem>>, vector<1024x256xbf16>
    %convert_element_type3A_248 = arith.truncf %mul3A_244 : vector<1000x1024xf32> to vector<1000x1024xbf16>
    %dot_general3A_249 = arith.constant dense<0.000000e+00> : vector<1000x256xf32>
    %dot_general3A_250 = tpu.matmul %convert_element_type3A_248, %get3A_247, %dot_general3A_249 {dimension_numbers = #tpu.dot_dimension_numbers<[1], [0], [0], [1], [0, 0, 1, 1], [], []>, transpose_lhs_hint = false} : vector<1000x1024xbf16>, vector<1024x256xbf16>, vector<1000x256xf32> -> vector<1000x256xf32>
    %get3A_251 = arith.constant 0 : index
    %get3A_252 = arith.constant 0 : index
    %get3A_253 = vector.load %arg42[%get3A_251, %get3A_252] : memref<1x256xf32, #tpu.memory_space<vmem>>, vector<1x256xf32>
    %add3A_254 = vector.broadcast %get3A_253 : vector<1x256xf32> to vector<1000x256xf32>
    %add3A_255 = arith.addf %dot_general3A_250, %add3A_254 : vector<1000x256xf32>
    %logistic3A = arith.negf %add3A_255 : vector<1000x256xf32>
    %logistic3A_256 = math.exp %logistic3A : vector<1000x256xf32>
    %logistic3A_257 = arith.constant 1.000000e+00 : f32
    %logistic3A_258 = vector.broadcast %logistic3A_257 : f32 to vector<1000x256xf32>
    %logistic3A_259 = arith.addf %logistic3A_258, %logistic3A_256 : vector<1000x256xf32>
    %logistic3A_260 = arith.divf %logistic3A_258, %logistic3A_259 : vector<1000x256xf32>
    %get3A_261 = arith.constant 0 : index
    %get3A_262 = arith.constant 0 : index
    %get3A_263 = vector.load %arg43[%get3A_261, %get3A_262] : memref<256x256xbf16, #tpu.memory_space<vmem>>, vector<256x256xbf16>
    %convert_element_type3A_264 = arith.truncf %logistic3A_260 : vector<1000x256xf32> to vector<1000x256xbf16>
    %dot_general3A_265 = arith.constant dense<0.000000e+00> : vector<1000x256xf32>
    %dot_general3A_266 = tpu.matmul %convert_element_type3A_264, %get3A_263, %dot_general3A_265 {dimension_numbers = #tpu.dot_dimension_numbers<[1], [0], [0], [1], [0, 0, 1, 1], [], []>, transpose_lhs_hint = false} : vector<1000x256xbf16>, vector<256x256xbf16>, vector<1000x256xf32> -> vector<1000x256xf32>
    %get3A_267 = arith.constant 0 : index
    %get3A_268 = arith.constant 0 : index
    %get3A_269 = vector.load %arg44[%get3A_267, %get3A_268] : memref<1x256xf32, #tpu.memory_space<vmem>>, vector<1x256xf32>
    %add3A_270 = vector.broadcast %get3A_269 : vector<1x256xf32> to vector<1000x256xf32>
    %add3A_271 = arith.addf %dot_general3A_266, %add3A_270 : vector<1000x256xf32>
    %logistic3A_272 = arith.negf %add3A_271 : vector<1000x256xf32>
    %logistic3A_273 = math.exp %logistic3A_272 : vector<1000x256xf32>
    %logistic3A_274 = arith.constant 1.000000e+00 : f32
    %logistic3A_275 = vector.broadcast %logistic3A_274 : f32 to vector<1000x256xf32>
    %logistic3A_276 = arith.addf %logistic3A_275, %logistic3A_273 : vector<1000x256xf32>
    %logistic3A_277 = arith.divf %logistic3A_275, %logistic3A_276 : vector<1000x256xf32>
    %get3A_278 = arith.constant 0 : index
    %get3A_279 = arith.constant 0 : index
    %get3A_280 = vector.load %arg45[%get3A_278, %get3A_279] : memref<256x8xbf16, #tpu.memory_space<vmem>>, vector<256x8xbf16>
    %convert_element_type3A_281 = arith.truncf %logistic3A_277 : vector<1000x256xf32> to vector<1000x256xbf16>
    %dot_general3A_282 = arith.constant dense<0.000000e+00> : vector<1000x8xf32>
    %dot_general3A_283 = tpu.matmul %convert_element_type3A_281, %get3A_280, %dot_general3A_282 {dimension_numbers = #tpu.dot_dimension_numbers<[1], [0], [0], [1], [0, 0, 1, 1], [], []>, transpose_lhs_hint = false} : vector<1000x256xbf16>, vector<256x8xbf16>, vector<1000x8xf32> -> vector<1000x8xf32>
    %slice3A_284 = vector.extract_strided_slice %dot_general3A_283 {offsets = [0, 0], sizes = [1000, 1], strides = [1, 1]} : vector<1000x8xf32> to vector<1000x1xf32>
    %get3A_285 = arith.constant 0 : index
    %get3A_286 = arith.constant 0 : index
    %get3A_287 = vector.load %arg46[%get3A_285, %get3A_286] : memref<1x1xf32, #tpu.memory_space<vmem>>, vector<1x1xf32>
    %add3A_288 = vector.broadcast %get3A_287 : vector<1x1xf32> to vector<1000x1xf32>
    %add3A_289 = arith.addf %slice3A_284, %add3A_288 : vector<1000x1xf32>
    %logistic3A_290 = arith.negf %add3A_289 : vector<1000x1xf32>
    %logistic3A_291 = math.exp %logistic3A_290 : vector<1000x1xf32>
    %logistic3A_292 = arith.constant 1.000000e+00 : f32
    %logistic3A_293 = vector.broadcast %logistic3A_292 : f32 to vector<1000x1xf32>
    %logistic3A_294 = arith.addf %logistic3A_293, %logistic3A_291 : vector<1000x1xf32>
    %logistic3A_295 = arith.divf %logistic3A_293, %logistic3A_294 : vector<1000x1xf32>
    %mul3A_296 = arith.mulf %add3A_243, %add3A_72 : vector<1000x1024xf32>
    %get3A_297 = arith.constant 0 : index
    %get3A_298 = arith.constant 0 : index
    %get3A_299 = vector.load %arg47[%get3A_297, %get3A_298] : memref<1024x256xbf16, #tpu.memory_space<vmem>>, vector<1024x256xbf16>
    %convert_element_type3A_300 = arith.truncf %mul3A_296 : vector<1000x1024xf32> to vector<1000x1024xbf16>
    %dot_general3A_301 = arith.constant dense<0.000000e+00> : vector<1000x256xf32>
    %dot_general3A_302 = tpu.matmul %convert_element_type3A_300, %get3A_299, %dot_general3A_301 {dimension_numbers = #tpu.dot_dimension_numbers<[1], [0], [0], [1], [0, 0, 1, 1], [], []>, transpose_lhs_hint = false} : vector<1000x1024xbf16>, vector<1024x256xbf16>, vector<1000x256xf32> -> vector<1000x256xf32>
    %get3A_303 = arith.constant 0 : index
    %get3A_304 = arith.constant 0 : index
    %get3A_305 = vector.load %arg48[%get3A_303, %get3A_304] : memref<1x256xf32, #tpu.memory_space<vmem>>, vector<1x256xf32>
    %add3A_306 = vector.broadcast %get3A_305 : vector<1x256xf32> to vector<1000x256xf32>
    %add3A_307 = arith.addf %dot_general3A_302, %add3A_306 : vector<1000x256xf32>
    %logistic3A_308 = arith.negf %add3A_307 : vector<1000x256xf32>
    %logistic3A_309 = math.exp %logistic3A_308 : vector<1000x256xf32>
    %logistic3A_310 = arith.constant 1.000000e+00 : f32
    %logistic3A_311 = vector.broadcast %logistic3A_310 : f32 to vector<1000x256xf32>
    %logistic3A_312 = arith.addf %logistic3A_311, %logistic3A_309 : vector<1000x256xf32>
    %logistic3A_313 = arith.divf %logistic3A_311, %logistic3A_312 : vector<1000x256xf32>
    %get3A_314 = arith.constant 0 : index
    %get3A_315 = arith.constant 0 : index
    %get3A_316 = vector.load %arg49[%get3A_314, %get3A_315] : memref<256x256xbf16, #tpu.memory_space<vmem>>, vector<256x256xbf16>
    %convert_element_type3A_317 = arith.truncf %logistic3A_313 : vector<1000x256xf32> to vector<1000x256xbf16>
    %dot_general3A_318 = arith.constant dense<0.000000e+00> : vector<1000x256xf32>
    %dot_general3A_319 = tpu.matmul %convert_element_type3A_317, %get3A_316, %dot_general3A_318 {dimension_numbers = #tpu.dot_dimension_numbers<[1], [0], [0], [1], [0, 0, 1, 1], [], []>, transpose_lhs_hint = false} : vector<1000x256xbf16>, vector<256x256xbf16>, vector<1000x256xf32> -> vector<1000x256xf32>
    %get3A_320 = arith.constant 0 : index
    %get3A_321 = arith.constant 0 : index
    %get3A_322 = vector.load %arg50[%get3A_320, %get3A_321] : memref<1x256xf32, #tpu.memory_space<vmem>>, vector<1x256xf32>
    %add3A_323 = vector.broadcast %get3A_322 : vector<1x256xf32> to vector<1000x256xf32>
    %add3A_324 = arith.addf %dot_general3A_319, %add3A_323 : vector<1000x256xf32>
    %logistic3A_325 = arith.negf %add3A_324 : vector<1000x256xf32>
    %logistic3A_326 = math.exp %logistic3A_325 : vector<1000x256xf32>
    %logistic3A_327 = arith.constant 1.000000e+00 : f32
    %logistic3A_328 = vector.broadcast %logistic3A_327 : f32 to vector<1000x256xf32>
    %logistic3A_329 = arith.addf %logistic3A_328, %logistic3A_326 : vector<1000x256xf32>
    %logistic3A_330 = arith.divf %logistic3A_328, %logistic3A_329 : vector<1000x256xf32>
    %get3A_331 = arith.constant 0 : index
    %get3A_332 = arith.constant 0 : index
    %get3A_333 = vector.load %arg51[%get3A_331, %get3A_332] : memref<256x8xbf16, #tpu.memory_space<vmem>>, vector<256x8xbf16>
    %convert_element_type3A_334 = arith.truncf %logistic3A_330 : vector<1000x256xf32> to vector<1000x256xbf16>
    %dot_general3A_335 = arith.constant dense<0.000000e+00> : vector<1000x8xf32>
    %dot_general3A_336 = tpu.matmul %convert_element_type3A_334, %get3A_333, %dot_general3A_335 {dimension_numbers = #tpu.dot_dimension_numbers<[1], [0], [0], [1], [0, 0, 1, 1], [], []>, transpose_lhs_hint = false} : vector<1000x256xbf16>, vector<256x8xbf16>, vector<1000x8xf32> -> vector<1000x8xf32>
    %slice3A_337 = vector.extract_strided_slice %dot_general3A_336 {offsets = [0, 0], sizes = [1000, 1], strides = [1, 1]} : vector<1000x8xf32> to vector<1000x1xf32>
    %get3A_338 = arith.constant 0 : index
    %get3A_339 = arith.constant 0 : index
    %get3A_340 = vector.load %arg52[%get3A_338, %get3A_339] : memref<1x1xf32, #tpu.memory_space<vmem>>, vector<1x1xf32>
    %add3A_341 = vector.broadcast %get3A_340 : vector<1x1xf32> to vector<1000x1xf32>
    %add3A_342 = arith.addf %slice3A_337, %add3A_341 : vector<1000x1xf32>
    %logistic3A_343 = arith.negf %add3A_342 : vector<1000x1xf32>
    %logistic3A_344 = math.exp %logistic3A_343 : vector<1000x1xf32>
    %logistic3A_345 = arith.constant 1.000000e+00 : f32
    %logistic3A_346 = vector.broadcast %logistic3A_345 : f32 to vector<1000x1xf32>
    %logistic3A_347 = arith.addf %logistic3A_346, %logistic3A_344 : vector<1000x1xf32>
    %logistic3A_348 = arith.divf %logistic3A_346, %logistic3A_347 : vector<1000x1xf32>
    %mul3A_349 = arith.mulf %add3A_243, %add3A_28 : vector<1000x1024xf32>
    %get3A_350 = arith.constant 0 : index
    %get3A_351 = arith.constant 0 : index
    %get3A_352 = vector.load %arg53[%get3A_350, %get3A_351] : memref<1024x256xbf16, #tpu.memory_space<vmem>>, vector<1024x256xbf16>
    %convert_element_type3A_353 = arith.truncf %mul3A_349 : vector<1000x1024xf32> to vector<1000x1024xbf16>
    %dot_general3A_354 = arith.constant dense<0.000000e+00> : vector<1000x256xf32>
    %dot_general3A_355 = tpu.matmul %convert_element_type3A_353, %get3A_352, %dot_general3A_354 {dimension_numbers = #tpu.dot_dimension_numbers<[1], [0], [0], [1], [0, 0, 1, 1], [], []>, transpose_lhs_hint = false} : vector<1000x1024xbf16>, vector<1024x256xbf16>, vector<1000x256xf32> -> vector<1000x256xf32>
    %get3A_356 = arith.constant 0 : index
    %get3A_357 = arith.constant 0 : index
    %get3A_358 = vector.load %arg54[%get3A_356, %get3A_357] : memref<1x256xf32, #tpu.memory_space<vmem>>, vector<1x256xf32>
    %add3A_359 = vector.broadcast %get3A_358 : vector<1x256xf32> to vector<1000x256xf32>
    %add3A_360 = arith.addf %dot_general3A_355, %add3A_359 : vector<1000x256xf32>
    %logistic3A_361 = arith.negf %add3A_360 : vector<1000x256xf32>
    %logistic3A_362 = math.exp %logistic3A_361 : vector<1000x256xf32>
    %logistic3A_363 = arith.constant 1.000000e+00 : f32
    %logistic3A_364 = vector.broadcast %logistic3A_363 : f32 to vector<1000x256xf32>
    %logistic3A_365 = arith.addf %logistic3A_364, %logistic3A_362 : vector<1000x256xf32>
    %logistic3A_366 = arith.divf %logistic3A_364, %logistic3A_365 : vector<1000x256xf32>
    %get3A_367 = arith.constant 0 : index
    %get3A_368 = arith.constant 0 : index
    %get3A_369 = vector.load %arg55[%get3A_367, %get3A_368] : memref<256x256xbf16, #tpu.memory_space<vmem>>, vector<256x256xbf16>
    %convert_element_type3A_370 = arith.truncf %logistic3A_366 : vector<1000x256xf32> to vector<1000x256xbf16>
    %dot_general3A_371 = arith.constant dense<0.000000e+00> : vector<1000x256xf32>
    %dot_general3A_372 = tpu.matmul %convert_element_type3A_370, %get3A_369, %dot_general3A_371 {dimension_numbers = #tpu.dot_dimension_numbers<[1], [0], [0], [1], [0, 0, 1, 1], [], []>, transpose_lhs_hint = false} : vector<1000x256xbf16>, vector<256x256xbf16>, vector<1000x256xf32> -> vector<1000x256xf32>
    %get3A_373 = arith.constant 0 : index
    %get3A_374 = arith.constant 0 : index
    %get3A_375 = vector.load %arg56[%get3A_373, %get3A_374] : memref<1x256xf32, #tpu.memory_space<vmem>>, vector<1x256xf32>
    %add3A_376 = vector.broadcast %get3A_375 : vector<1x256xf32> to vector<1000x256xf32>
    %add3A_377 = arith.addf %dot_general3A_372, %add3A_376 : vector<1000x256xf32>
    %logistic3A_378 = arith.negf %add3A_377 : vector<1000x256xf32>
    %logistic3A_379 = math.exp %logistic3A_378 : vector<1000x256xf32>
    %logistic3A_380 = arith.constant 1.000000e+00 : f32
    %logistic3A_381 = vector.broadcast %logistic3A_380 : f32 to vector<1000x256xf32>
    %logistic3A_382 = arith.addf %logistic3A_381, %logistic3A_379 : vector<1000x256xf32>
    %logistic3A_383 = arith.divf %logistic3A_381, %logistic3A_382 : vector<1000x256xf32>
    %get3A_384 = arith.constant 0 : index
    %get3A_385 = arith.constant 0 : index
    %get3A_386 = vector.load %arg57[%get3A_384, %get3A_385] : memref<256x8xbf16, #tpu.memory_space<vmem>>, vector<256x8xbf16>
    %convert_element_type3A_387 = arith.truncf %logistic3A_383 : vector<1000x256xf32> to vector<1000x256xbf16>
    %dot_general3A_388 = arith.constant dense<0.000000e+00> : vector<1000x8xf32>
    %dot_general3A_389 = tpu.matmul %convert_element_type3A_387, %get3A_386, %dot_general3A_388 {dimension_numbers = #tpu.dot_dimension_numbers<[1], [0], [0], [1], [0, 0, 1, 1], [], []>, transpose_lhs_hint = false} : vector<1000x256xbf16>, vector<256x8xbf16>, vector<1000x8xf32> -> vector<1000x8xf32>
    %slice3A_390 = vector.extract_strided_slice %dot_general3A_389 {offsets = [0, 0], sizes = [1000, 1], strides = [1, 1]} : vector<1000x8xf32> to vector<1000x1xf32>
    %get3A_391 = arith.constant 0 : index
    %get3A_392 = arith.constant 0 : index
    %get3A_393 = vector.load %arg58[%get3A_391, %get3A_392] : memref<1x1xf32, #tpu.memory_space<vmem>>, vector<1x1xf32>
    %add3A_394 = vector.broadcast %get3A_393 : vector<1x1xf32> to vector<1000x1xf32>
    %add3A_395 = arith.addf %slice3A_390, %add3A_394 : vector<1000x1xf32>
    %logistic3A_396 = arith.negf %add3A_395 : vector<1000x1xf32>
    %logistic3A_397 = math.exp %logistic3A_396 : vector<1000x1xf32>
    %logistic3A_398 = arith.constant 1.000000e+00 : f32
    %logistic3A_399 = vector.broadcast %logistic3A_398 : f32 to vector<1000x1xf32>
    %logistic3A_400 = arith.addf %logistic3A_399, %logistic3A_397 : vector<1000x1xf32>
    %logistic3A_401 = arith.divf %logistic3A_399, %logistic3A_400 : vector<1000x1xf32>
    %mul3A_402 = arith.mulf %add3A_243, %add3A_94 : vector<1000x1024xf32>
    %get3A_403 = arith.constant 0 : index
    %get3A_404 = arith.constant 0 : index
    %get3A_405 = vector.load %arg59[%get3A_403, %get3A_404] : memref<1024x256xbf16, #tpu.memory_space<vmem>>, vector<1024x256xbf16>
    %convert_element_type3A_406 = arith.truncf %mul3A_402 : vector<1000x1024xf32> to vector<1000x1024xbf16>
    %dot_general3A_407 = arith.constant dense<0.000000e+00> : vector<1000x256xf32>
    %dot_general3A_408 = tpu.matmul %convert_element_type3A_406, %get3A_405, %dot_general3A_407 {dimension_numbers = #tpu.dot_dimension_numbers<[1], [0], [0], [1], [0, 0, 1, 1], [], []>, transpose_lhs_hint = false} : vector<1000x1024xbf16>, vector<1024x256xbf16>, vector<1000x256xf32> -> vector<1000x256xf32>
    %get3A_409 = arith.constant 0 : index
    %get3A_410 = arith.constant 0 : index
    %get3A_411 = vector.load %arg60[%get3A_409, %get3A_410] : memref<1x256xf32, #tpu.memory_space<vmem>>, vector<1x256xf32>
    %add3A_412 = vector.broadcast %get3A_411 : vector<1x256xf32> to vector<1000x256xf32>
    %add3A_413 = arith.addf %dot_general3A_408, %add3A_412 : vector<1000x256xf32>
    %logistic3A_414 = arith.negf %add3A_413 : vector<1000x256xf32>
    %logistic3A_415 = math.exp %logistic3A_414 : vector<1000x256xf32>
    %logistic3A_416 = arith.constant 1.000000e+00 : f32
    %logistic3A_417 = vector.broadcast %logistic3A_416 : f32 to vector<1000x256xf32>
    %logistic3A_418 = arith.addf %logistic3A_417, %logistic3A_415 : vector<1000x256xf32>
    %logistic3A_419 = arith.divf %logistic3A_417, %logistic3A_418 : vector<1000x256xf32>
    %get3A_420 = arith.constant 0 : index
    %get3A_421 = arith.constant 0 : index
    %get3A_422 = vector.load %arg61[%get3A_420, %get3A_421] : memref<256x256xbf16, #tpu.memory_space<vmem>>, vector<256x256xbf16>
    %convert_element_type3A_423 = arith.truncf %logistic3A_419 : vector<1000x256xf32> to vector<1000x256xbf16>
    %dot_general3A_424 = arith.constant dense<0.000000e+00> : vector<1000x256xf32>
    %dot_general3A_425 = tpu.matmul %convert_element_type3A_423, %get3A_422, %dot_general3A_424 {dimension_numbers = #tpu.dot_dimension_numbers<[1], [0], [0], [1], [0, 0, 1, 1], [], []>, transpose_lhs_hint = false} : vector<1000x256xbf16>, vector<256x256xbf16>, vector<1000x256xf32> -> vector<1000x256xf32>
    %get3A_426 = arith.constant 0 : index
    %get3A_427 = arith.constant 0 : index
    %get3A_428 = vector.load %arg62[%get3A_426, %get3A_427] : memref<1x256xf32, #tpu.memory_space<vmem>>, vector<1x256xf32>
    %add3A_429 = vector.broadcast %get3A_428 : vector<1x256xf32> to vector<1000x256xf32>
    %add3A_430 = arith.addf %dot_general3A_425, %add3A_429 : vector<1000x256xf32>
    %logistic3A_431 = arith.negf %add3A_430 : vector<1000x256xf32>
    %logistic3A_432 = math.exp %logistic3A_431 : vector<1000x256xf32>
    %logistic3A_433 = arith.constant 1.000000e+00 : f32
    %logistic3A_434 = vector.broadcast %logistic3A_433 : f32 to vector<1000x256xf32>
    %logistic3A_435 = arith.addf %logistic3A_434, %logistic3A_432 : vector<1000x256xf32>
    %logistic3A_436 = arith.divf %logistic3A_434, %logistic3A_435 : vector<1000x256xf32>
    %get3A_437 = arith.constant 0 : index
    %get3A_438 = arith.constant 0 : index
    %get3A_439 = vector.load %arg63[%get3A_437, %get3A_438] : memref<256x8xbf16, #tpu.memory_space<vmem>>, vector<256x8xbf16>
    %convert_element_type3A_440 = arith.truncf %logistic3A_436 : vector<1000x256xf32> to vector<1000x256xbf16>
    %dot_general3A_441 = arith.constant dense<0.000000e+00> : vector<1000x8xf32>
    %dot_general3A_442 = tpu.matmul %convert_element_type3A_440, %get3A_439, %dot_general3A_441 {dimension_numbers = #tpu.dot_dimension_numbers<[1], [0], [0], [1], [0, 0, 1, 1], [], []>, transpose_lhs_hint = false} : vector<1000x256xbf16>, vector<256x8xbf16>, vector<1000x8xf32> -> vector<1000x8xf32>
    %slice3A_443 = vector.extract_strided_slice %dot_general3A_442 {offsets = [0, 0], sizes = [1000, 1], strides = [1, 1]} : vector<1000x8xf32> to vector<1000x1xf32>
    %get3A_444 = arith.constant 0 : index
    %get3A_445 = arith.constant 0 : index
    %get3A_446 = vector.load %arg64[%get3A_444, %get3A_445] : memref<1x1xf32, #tpu.memory_space<vmem>>, vector<1x1xf32>
    %add3A_447 = vector.broadcast %get3A_446 : vector<1x1xf32> to vector<1000x1xf32>
    %add3A_448 = arith.addf %slice3A_443, %add3A_447 : vector<1000x1xf32>
    %logistic3A_449 = arith.negf %add3A_448 : vector<1000x1xf32>
    %logistic3A_450 = math.exp %logistic3A_449 : vector<1000x1xf32>
    %logistic3A_451 = arith.constant 1.000000e+00 : f32
    %logistic3A_452 = vector.broadcast %logistic3A_451 : f32 to vector<1000x1xf32>
    %logistic3A_453 = arith.addf %logistic3A_452, %logistic3A_450 : vector<1000x1xf32>
    %logistic3A_454 = arith.divf %logistic3A_452, %logistic3A_453 : vector<1000x1xf32>
    %mul3A_455 = arith.mulf %mul3A_197, %mul3A_197 : vector<1000x1xf32>
    %mul3A_456 = arith.mulf %mul3A_198, %mul3A_198 : vector<1000x1xf32>
    %add3A_457 = arith.addf %mul3A_455, %mul3A_456 : vector<1000x1xf32>
    %add3A_458 = arith.constant 9.99999996E-13 : f32
    %add3A_459 = vector.broadcast %add3A_458 : f32 to vector<1000x1xf32>
    %add3A_460 = arith.addf %add3A_457, %add3A_459 : vector<1000x1xf32>
    %sqrt3A = math.sqrt %add3A_460 : vector<1000x1xf32>
    %div3A_461 = arith.divf %mul3A_204, %sqrt3A : vector<1000x1xf32>
    %sign3A = tpu.bitcast %div3A_461 : vector<1000x1xf32> -> vector<1000x1xi32>
    %sign3A_462 = arith.constant -2147483648 : i32
    %sign3A_463 = vector.broadcast %sign3A_462 : i32 to vector<1000x1xi32>
    %sign3A_464 = arith.andi %sign3A, %sign3A_463 : vector<1000x1xi32>
    %sign3A_465 = arith.constant 1065353216 : i32
    %sign3A_466 = vector.broadcast %sign3A_465 : i32 to vector<1000x1xi32>
    %sign3A_467 = arith.ori %sign3A_466, %sign3A_464 : vector<1000x1xi32>
    %sign3A_468 = tpu.bitcast %sign3A_467 : vector<1000x1xi32> -> vector<1000x1xf32>
    %sign3A_469 = math.absf %div3A_461 : vector<1000x1xf32>
    %sign3A_470 = arith.constant 0.000000e+00 : f32
    %sign3A_471 = vector.broadcast %sign3A_470 : f32 to vector<1000x1xf32>
    %sign3A_472 = arith.cmpf ogt, %sign3A_469, %sign3A_471 : vector<1000x1xf32>
    %sign3A_473 = arith.select %sign3A_472, %sign3A_468, %div3A_461 : vector<1000x1xi1>, vector<1000x1xf32>
    %abs3A = math.absf %div3A_461 : vector<1000x1xf32>
    %mul3A_474 = arith.mulf %div3A_461, %div3A_461 : vector<1000x1xf32>
    %add3A_475 = arith.constant 1.000000e+00 : f32
    %add3A_476 = vector.broadcast %add3A_475 : f32 to vector<1000x1xf32>
    %add3A_477 = arith.addf %mul3A_474, %add3A_476 : vector<1000x1xf32>
    %sqrt3A_478 = math.sqrt %add3A_477 : vector<1000x1xf32>
    %add3A_479 = arith.addf %abs3A, %sqrt3A_478 : vector<1000x1xf32>
    %log3A = math.log %add3A_479 : vector<1000x1xf32>
    %mul3A_480 = arith.mulf %sign3A_473, %log3A : vector<1000x1xf32>
    %atan23A = math.atan2 %mul3A_198, %mul3A_197 : vector<1000x1xf32>
    %mul3A_481 = arith.mulf %mul3A_480, %mul3A_480 : vector<1000x1xf32>
    %mul3A_482 = arith.mulf %atan23A, %atan23A : vector<1000x1xf32>
    %add3A_483 = arith.addf %mul3A_481, %mul3A_482 : vector<1000x1xf32>
    %add3A_484 = arith.constant 9.99999996E-13 : f32
    %add3A_485 = vector.broadcast %add3A_484 : f32 to vector<1000x1xf32>
    %add3A_486 = arith.addf %add3A_483, %add3A_485 : vector<1000x1xf32>
    %sqrt3A_487 = math.sqrt %add3A_486 : vector<1000x1xf32>
    %broadcast_in_dim3A = arith.constant 0.000000e+00 : f32
    %broadcast_in_dim3A_488 = vector.broadcast %broadcast_in_dim3A : f32 to vector<1000x1xf32>
    %broadcast_in_dim3A_489 = arith.constant 0.000000e+00 : f32
    %broadcast_in_dim3A_490 = vector.broadcast %broadcast_in_dim3A_489 : f32 to vector<1x6xf32>
    %mul3A_491 = vector.broadcast %broadcast_in_dim3A_488 : vector<1000x1xf32> to vector<1000x6xf32>
    %mul3A_492 = vector.broadcast %broadcast_in_dim3A_490 : vector<1x6xf32> to vector<1000x6xf32>
    %mul3A_493 = arith.mulf %mul3A_491, %mul3A_492 : vector<1000x6xf32>
    %concatenate3A_494 = tpu.concatenate %sqrt3A_487, %broadcast_in_dim3A_488, %mul3A_197, %mul3A_198, %mul3A_204, %get3A_10, %logistic3A_295, %logistic3A_348, %logistic3A_401, %logistic3A_454, %mul3A_493 in 1 : vector<1000x1xf32>, vector<1000x1xf32>, vector<1000x1xf32>, vector<1000x1xf32>, vector<1000x1xf32>, vector<1000x1xf32>, vector<1000x1xf32>, vector<1000x1xf32>, vector<1000x1xf32>, vector<1000x1xf32>, vector<1000x6xf32> -> vector<1000x16xf32>
    %swap3A_495 = arith.constant 0 : index
    %swap3A_496 = arith.constant 0 : index
    %swap3A_497 = vector.load %arg69[%swap3A_495, %swap3A_496] : memref<1000x16xf32, #tpu.memory_space<vmem>>, vector<1000x16xf32>
    tpu.vector_store %arg69[%swap3A_495, %swap3A_496], %concatenate3A_494 {strides = array<i32>} : memref<1000x16xf32, #tpu.memory_space<vmem>>, vector<1000x16xf32>,
    return
  }
  func.func @transform_0(%arg0: i32) -> (i32, i32) {
    %c0_i32 = arith.constant 0 : i32
    %c0_i32_0 = arith.constant 0 : i32
    return %arg0, %c0_i32 : i32, i32
  }
  func.func @transform_1(%arg0: i32) -> (i32, i32) {
    %c0_i32 = arith.constant 0 : i32
    %c0_i32_0 = arith.constant 0 : i32
    return %arg0, %c0_i32 : i32, i32
  }
  func.func @transform_2(%arg0: i32) -> (i32, i32) {
    %c0_i32 = arith.constant 0 : i32
    %c0_i32_0 = arith.constant 0 : i32
    return %arg0, %c0_i32 : i32, i32
  }
  func.func @transform_3(%arg0: i32) -> (i32, i32) {
    %c0_i32 = arith.constant 0 : i32
    %c0_i32_0 = arith.constant 0 : i32
    return %arg0, %c0_i32 : i32, i32
  }
  func.func @transform_4(%arg0: i32) -> (i32, i32) {
    %c0_i32 = arith.constant 0 : i32
    %c0_i32_0 = arith.constant 0 : i32
    %c0_i32_1 = arith.constant 0 : i32
    return %c0_i32, %c0_i32_0 : i32, i32
  }
  func.func @transform_5(%arg0: i32) -> (i32, i32) {
    %c0_i32 = arith.constant 0 : i32
    %c0_i32_0 = arith.constant 0 : i32
    %c0_i32_1 = arith.constant 0 : i32
    return %c0_i32, %c0_i32_0 : i32, i32
  }
  func.func @transform_6(%arg0: i32) -> (i32, i32) {
    %c0_i32 = arith.constant 0 : i32
    %c0_i32_0 = arith.constant 0 : i32
    %c0_i32_1 = arith.constant 0 : i32
    return %c0_i32, %c0_i32_0 : i32, i32
  }
  func.func @transform_7(%arg0: i32) -> (i32, i32) {
    %c0_i32 = arith.constant 0 : i32
    %c0_i32_0 = arith.constant 0 : i32
    %c0_i32_1 = arith.constant 0 : i32
    return %c0_i32, %c0_i32_0 : i32, i32
  }
  func.func @transform_8(%arg0: i32) -> (i32, i32) {
    %c0_i32 = arith.constant 0 : i32
    %c0_i32_0 = arith.constant 0 : i32
    %c0_i32_1 = arith.constant 0 : i32
    return %c0_i32, %c0_i32_0 : i32, i32
  }
  func.func @transform_9(%arg0: i32) -> (i32, i32) {
    %c0_i32 = arith.constant 0 : i32
    %c0_i32_0 = arith.constant 0 : i32
    %c0_i32_1 = arith.constant 0 : i32
    return %c0_i32, %c0_i32_0 : i32, i32
  }
  func.func @transform_10(%arg0: i32) -> (i32, i32) {
    %c0_i32 = arith.constant 0 : i32
    %c0_i32_0 = arith.constant 0 : i32
    %c0_i32_1 = arith.constant 0 : i32
    return %c0_i32, %c0_i32_0 : i32, i32
  }
  func.func @transform_11(%arg0: i32) -> (i32, i32) {
    %c0_i32 = arith.constant 0 : i32
    %c0_i32_0 = arith.constant 0 : i32
    %c0_i32_1 = arith.constant 0 : i32
    return %c0_i32, %c0_i32_0 : i32, i32
  }
  func.func @transform_12(%arg0: i32) -> (i32, i32) {
    %c0_i32 = arith.constant 0 : i32
    %c0_i32_0 = arith.constant 0 : i32
    %c0_i32_1 = arith.constant 0 : i32
    return %c0_i32, %c0_i32_0 : i32, i32
  }
  func.func @transform_13(%arg0: i32) -> (i32, i32) {
    %c0_i32 = arith.constant 0 : i32
    %c0_i32_0 = arith.constant 0 : i32
    %c0_i32_1 = arith.constant 0 : i32
    return %c0_i32, %c0_i32_0 : i32, i32
  }
  func.func @transform_14(%arg0: i32) -> (i32, i32) {
    %c0_i32 = arith.constant 0 : i32
    %c0_i32_0 = arith.constant 0 : i32
    %c0_i32_1 = arith.constant 0 : i32
    return %c0_i32, %c0_i32_0 : i32, i32
  }
  func.func @transform_15(%arg0: i32) -> (i32, i32) {
    %c0_i32 = arith.constant 0 : i32
    %c0_i32_0 = arith.constant 0 : i32
    %c0_i32_1 = arith.constant 0 : i32
    return %c0_i32, %c0_i32_0 : i32, i32
  }
  func.func @transform_16(%arg0: i32) -> (i32, i32) {
    %c0_i32 = arith.constant 0 : i32
    %c0_i32_0 = arith.constant 0 : i32
    %c0_i32_1 = arith.constant 0 : i32
    return %c0_i32, %c0_i32_0 : i32, i32
  }
  func.func @transform_17(%arg0: i32) -> (i32, i32) {
    %c0_i32 = arith.constant 0 : i32
    %c0_i32_0 = arith.constant 0 : i32
    %c0_i32_1 = arith.constant 0 : i32
    return %c0_i32, %c0_i32_0 : i32, i32
  }
  func.func @transform_18(%arg0: i32) -> (i32, i32) {
    %c0_i32 = arith.constant 0 : i32
    %c0_i32_0 = arith.constant 0 : i32
    %c0_i32_1 = arith.constant 0 : i32
    return %c0_i32, %c0_i32_0 : i32, i32
  }
  func.func @transform_19(%arg0: i32) -> (i32, i32) {
    %c0_i32 = arith.constant 0 : i32
    %c0_i32_0 = arith.constant 0 : i32
    %c0_i32_1 = arith.constant 0 : i32
    return %c0_i32, %c0_i32_0 : i32, i32
  }
  func.func @transform_20(%arg0: i32) -> (i32, i32) {
    %c0_i32 = arith.constant 0 : i32
    %c0_i32_0 = arith.constant 0 : i32
    %c0_i32_1 = arith.constant 0 : i32
    return %c0_i32, %c0_i32_0 : i32, i32
  }
  func.func @transform_21(%arg0: i32) -> (i32, i32) {
    %c0_i32 = arith.constant 0 : i32
    %c0_i32_0 = arith.constant 0 : i32
    %c0_i32_1 = arith.constant 0 : i32
    return %c0_i32, %c0_i32_0 : i32, i32
  }
  func.func @transform_22(%arg0: i32) -> (i32, i32) {
    %c0_i32 = arith.constant 0 : i32
    %c0_i32_0 = arith.constant 0 : i32
    %c0_i32_1 = arith.constant 0 : i32
    return %c0_i32, %c0_i32_0 : i32, i32
  }
  func.func @transform_23(%arg0: i32) -> (i32, i32) {
    %c0_i32 = arith.constant 0 : i32
    %c0_i32_0 = arith.constant 0 : i32
    %c0_i32_1 = arith.constant 0 : i32
    return %c0_i32, %c0_i32_0 : i32, i32
  }
  func.func @transform_24(%arg0: i32) -> (i32, i32) {
    %c0_i32 = arith.constant 0 : i32
    %c0_i32_0 = arith.constant 0 : i32
    %c0_i32_1 = arith.constant 0 : i32
    return %c0_i32, %c0_i32_0 : i32, i32
  }
  func.func @transform_25(%arg0: i32) -> (i32, i32) {
    %c0_i32 = arith.constant 0 : i32
    %c0_i32_0 = arith.constant 0 : i32
    %c0_i32_1 = arith.constant 0 : i32
    return %c0_i32, %c0_i32_0 : i32, i32
  }
  func.func @transform_26(%arg0: i32) -> (i32, i32) {
    %c0_i32 = arith.constant 0 : i32
    %c0_i32_0 = arith.constant 0 : i32
    %c0_i32_1 = arith.constant 0 : i32
    return %c0_i32, %c0_i32_0 : i32, i32
  }
  func.func @transform_27(%arg0: i32) -> (i32, i32) {
    %c0_i32 = arith.constant 0 : i32
    %c0_i32_0 = arith.constant 0 : i32
    %c0_i32_1 = arith.constant 0 : i32
    return %c0_i32, %c0_i32_0 : i32, i32
  }
  func.func @transform_28(%arg0: i32) -> (i32, i32) {
    %c0_i32 = arith.constant 0 : i32
    %c0_i32_0 = arith.constant 0 : i32
    %c0_i32_1 = arith.constant 0 : i32
    return %c0_i32, %c0_i32_0 : i32, i32
  }
  func.func @transform_29(%arg0: i32) -> (i32, i32) {
    %c0_i32 = arith.constant 0 : i32
    %c0_i32_0 = arith.constant 0 : i32
    %c0_i32_1 = arith.constant 0 : i32
    return %c0_i32, %c0_i32_0 : i32, i32
  }
  func.func @transform_30(%arg0: i32) -> (i32, i32) {
    %c0_i32 = arith.constant 0 : i32
    %c0_i32_0 = arith.constant 0 : i32
    %c0_i32_1 = arith.constant 0 : i32
    return %c0_i32, %c0_i32_0 : i32, i32
  }
  func.func @transform_31(%arg0: i32) -> (i32, i32) {
    %c0_i32 = arith.constant 0 : i32
    %c0_i32_0 = arith.constant 0 : i32
    %c0_i32_1 = arith.constant 0 : i32
    return %c0_i32, %c0_i32_0 : i32, i32
  }
  func.func @transform_32(%arg0: i32) -> (i32, i32) {
    %c0_i32 = arith.constant 0 : i32
    %c0_i32_0 = arith.constant 0 : i32
    %c0_i32_1 = arith.constant 0 : i32
    return %c0_i32, %c0_i32_0 : i32, i32
  }
  func.func @transform_33(%arg0: i32) -> (i32, i32) {
    %c0_i32 = arith.constant 0 : i32
    %c0_i32_0 = arith.constant 0 : i32
    %c0_i32_1 = arith.constant 0 : i32
    return %c0_i32, %c0_i32_0 : i32, i32
  }
  func.func @transform_34(%arg0: i32) -> (i32, i32) {
    %c0_i32 = arith.constant 0 : i32
    %c0_i32_0 = arith.constant 0 : i32
    %c0_i32_1 = arith.constant 0 : i32
    return %c0_i32, %c0_i32_0 : i32, i32
  }
  func.func @transform_35(%arg0: i32) -> (i32, i32) {
    %c0_i32 = arith.constant 0 : i32
    %c0_i32_0 = arith.constant 0 : i32
    %c0_i32_1 = arith.constant 0 : i32
    return %c0_i32, %c0_i32_0 : i32, i32
  }
  func.func @transform_36(%arg0: i32) -> (i32, i32) {
    %c0_i32 = arith.constant 0 : i32
    %c0_i32_0 = arith.constant 0 : i32
    %c0_i32_1 = arith.constant 0 : i32
    return %c0_i32, %c0_i32_0 : i32, i32
  }
  func.func @transform_37(%arg0: i32) -> (i32, i32) {
    %c0_i32 = arith.constant 0 : i32
    %c0_i32_0 = arith.constant 0 : i32
    %c0_i32_1 = arith.constant 0 : i32
    return %c0_i32, %c0_i32_0 : i32, i32
  }
  func.func @transform_38(%arg0: i32) -> (i32, i32) {
    %c0_i32 = arith.constant 0 : i32
    %c0_i32_0 = arith.constant 0 : i32
    %c0_i32_1 = arith.constant 0 : i32
    return %c0_i32, %c0_i32_0 : i32, i32
  }
  func.func @transform_39(%arg0: i32) -> (i32, i32) {
    %c0_i32 = arith.constant 0 : i32
    %c0_i32_0 = arith.constant 0 : i32
    %c0_i32_1 = arith.constant 0 : i32
    return %c0_i32, %c0_i32_0 : i32, i32
  }
  func.func @transform_40(%arg0: i32) -> (i32, i32) {
    %c0_i32 = arith.constant 0 : i32
    %c0_i32_0 = arith.constant 0 : i32
    %c0_i32_1 = arith.constant 0 : i32
    return %c0_i32, %c0_i32_0 : i32, i32
  }
  func.func @transform_41(%arg0: i32) -> (i32, i32) {
    %c0_i32 = arith.constant 0 : i32
    %c0_i32_0 = arith.constant 0 : i32
    %c0_i32_1 = arith.constant 0 : i32
    return %c0_i32, %c0_i32_0 : i32, i32
  }
  func.func @transform_42(%arg0: i32) -> (i32, i32) {
    %c0_i32 = arith.constant 0 : i32
    %c0_i32_0 = arith.constant 0 : i32
    %c0_i32_1 = arith.constant 0 : i32
    return %c0_i32, %c0_i32_0 : i32, i32
  }
  func.func @transform_43(%arg0: i32) -> (i32, i32) {
    %c0_i32 = arith.constant 0 : i32
    %c0_i32_0 = arith.constant 0 : i32
    %c0_i32_1 = arith.constant 0 : i32
    return %c0_i32, %c0_i32_0 : i32, i32
  }
  func.func @transform_44(%arg0: i32) -> (i32, i32) {
    %c0_i32 = arith.constant 0 : i32
    %c0_i32_0 = arith.constant 0 : i32
    %c0_i32_1 = arith.constant 0 : i32
    return %c0_i32, %c0_i32_0 : i32, i32
  }
  func.func @transform_45(%arg0: i32) -> (i32, i32) {
    %c0_i32 = arith.constant 0 : i32
    %c0_i32_0 = arith.constant 0 : i32
    %c0_i32_1 = arith.constant 0 : i32
    return %c0_i32, %c0_i32_0 : i32, i32
  }
  func.func @transform_46(%arg0: i32) -> (i32, i32) {
    %c0_i32 = arith.constant 0 : i32
    %c0_i32_0 = arith.constant 0 : i32
    %c0_i32_1 = arith.constant 0 : i32
    return %c0_i32, %c0_i32_0 : i32, i32
  }
  func.func @transform_47(%arg0: i32) -> (i32, i32) {
    %c0_i32 = arith.constant 0 : i32
    %c0_i32_0 = arith.constant 0 : i32
    %c0_i32_1 = arith.constant 0 : i32
    return %c0_i32, %c0_i32_0 : i32, i32
  }
  func.func @transform_48(%arg0: i32) -> (i32, i32) {
    %c0_i32 = arith.constant 0 : i32
    %c0_i32_0 = arith.constant 0 : i32
    %c0_i32_1 = arith.constant 0 : i32
    return %c0_i32, %c0_i32_0 : i32, i32
  }
  func.func @transform_49(%arg0: i32) -> (i32, i32) {
    %c0_i32 = arith.constant 0 : i32
    %c0_i32_0 = arith.constant 0 : i32
    %c0_i32_1 = arith.constant 0 : i32
    return %c0_i32, %c0_i32_0 : i32, i32
  }
  func.func @transform_50(%arg0: i32) -> (i32, i32) {
    %c0_i32 = arith.constant 0 : i32
    %c0_i32_0 = arith.constant 0 : i32
    %c0_i32_1 = arith.constant 0 : i32
    return %c0_i32, %c0_i32_0 : i32, i32
  }
  func.func @transform_51(%arg0: i32) -> (i32, i32) {
    %c0_i32 = arith.constant 0 : i32
    %c0_i32_0 = arith.constant 0 : i32
    %c0_i32_1 = arith.constant 0 : i32
    return %c0_i32, %c0_i32_0 : i32, i32
  }
  func.func @transform_52(%arg0: i32) -> (i32, i32) {
    %c0_i32 = arith.constant 0 : i32
    %c0_i32_0 = arith.constant 0 : i32
    %c0_i32_1 = arith.constant 0 : i32
    return %c0_i32, %c0_i32_0 : i32, i32
  }
  func.func @transform_53(%arg0: i32) -> (i32, i32) {
    %c0_i32 = arith.constant 0 : i32
    %c0_i32_0 = arith.constant 0 : i32
    %c0_i32_1 = arith.constant 0 : i32
    return %c0_i32, %c0_i32_0 : i32, i32
  }
  func.func @transform_54(%arg0: i32) -> (i32, i32) {
    %c0_i32 = arith.constant 0 : i32
    %c0_i32_0 = arith.constant 0 : i32
    %c0_i32_1 = arith.constant 0 : i32
    return %c0_i32, %c0_i32_0 : i32, i32
  }
  func.func @transform_55(%arg0: i32) -> (i32, i32) {
    %c0_i32 = arith.constant 0 : i32
    %c0_i32_0 = arith.constant 0 : i32
    %c0_i32_1 = arith.constant 0 : i32
    return %c0_i32, %c0_i32_0 : i32, i32
  }
  func.func @transform_56(%arg0: i32) -> (i32, i32) {
    %c0_i32 = arith.constant 0 : i32
    %c0_i32_0 = arith.constant 0 : i32
    %c0_i32_1 = arith.constant 0 : i32
    return %c0_i32, %c0_i32_0 : i32, i32
  }
  func.func @transform_57(%arg0: i32) -> (i32, i32) {
    %c0_i32 = arith.constant 0 : i32
    %c0_i32_0 = arith.constant 0 : i32
    %c0_i32_1 = arith.constant 0 : i32
    return %c0_i32, %c0_i32_0 : i32, i32
  }
  func.func @transform_58(%arg0: i32) -> (i32, i32) {
    %c0_i32 = arith.constant 0 : i32
    %c0_i32_0 = arith.constant 0 : i32
    %c0_i32_1 = arith.constant 0 : i32
    return %c0_i32, %c0_i32_0 : i32, i32
  }
  func.func @transform_59(%arg0: i32) -> (i32, i32) {
    %c0_i32 = arith.constant 0 : i32
    %c0_i32_0 = arith.constant 0 : i32
    %c0_i32_1 = arith.constant 0 : i32
    return %c0_i32, %c0_i32_0 : i32, i32
  }
  func.func @transform_60(%arg0: i32) -> (i32, i32) {
    %c0_i32 = arith.constant 0 : i32
    %c0_i32_0 = arith.constant 0 : i32
    %c0_i32_1 = arith.constant 0 : i32
    return %c0_i32, %c0_i32_0 : i32, i32
  }
  func.func @transform_61(%arg0: i32) -> (i32, i32) {
    %c0_i32 = arith.constant 0 : i32
    %c0_i32_0 = arith.constant 0 : i32
    %c0_i32_1 = arith.constant 0 : i32
    return %c0_i32, %c0_i32_0 : i32, i32
  }
  func.func @transform_62(%arg0: i32) -> (i32, i32) {
    %c0_i32 = arith.constant 0 : i32
    %c0_i32_0 = arith.constant 0 : i32
    %c0_i32_1 = arith.constant 0 : i32
    return %c0_i32, %c0_i32_0 : i32, i32
  }
  func.func @transform_63(%arg0: i32) -> (i32, i32) {
    %c0_i32 = arith.constant 0 : i32
    %c0_i32_0 = arith.constant 0 : i32
    %c0_i32_1 = arith.constant 0 : i32
    return %c0_i32, %c0_i32_0 : i32, i32
  }
  func.func @transform_64(%arg0: i32) -> (i32, i32) {
    %c0_i32 = arith.constant 0 : i32
    %c0_i32_0 = arith.constant 0 : i32
    return %arg0, %c0_i32 : i32, i32
  }
  func.func @transform_65(%arg0: i32) -> (i32, i32) {
    %c0_i32 = arith.constant 0 : i32
    %c0_i32_0 = arith.constant 0 : i32
    return %arg0, %c0_i32 : i32, i32
  }
  func.func @transform_66(%arg0: i32) -> (i32, i32) {
    %c0_i32 = arith.constant 0 : i32
    %c0_i32_0 = arith.constant 0 : i32
    return %arg0, %c0_i32 : i32, i32
  }
  func.func @transform_67(%arg0: i32) -> (i32, i32) {
    %c0_i32 = arith.constant 0 : i32
    %c0_i32_0 = arith.constant 0 : i32
    return %arg0, %c0_i32 : i32, i32
  }
  func.func @transform_68(%arg0: i32) -> (i32, i32) {
    %c0_i32 = arith.constant 0 : i32
    %c0_i32_0 = arith.constant 0 : i32
    return %arg0, %c0_i32 : i32, i32
  }
}

module attributes {stable_mosaic.version = 14 : i64} {
  func.func @_s3_body(%arg0: i32, %arg1: memref<1600x128xf32, #tpu.memory_space<vmem>>, %arg2: memref<1600x128xf32, #tpu.memory_space<vmem>>, %arg3: memref<1x128xf32, #tpu.memory_space<vmem>>, %arg4: memref<1x128xf32, #tpu.memory_space<vmem>>, %arg5: memref<1x128xf32, #tpu.memory_space<vmem>>, %arg6: memref<8x128xf32, #tpu.memory_space<vmem>>, %arg7: memref<16x256xbf16, #tpu.memory_space<vmem>>, %arg8: memref<1x256xf32, #tpu.memory_space<vmem>>, %arg9: memref<256x256xbf16, #tpu.memory_space<vmem>>, %arg10: memref<1x256xf32, #tpu.memory_space<vmem>>, %arg11: memref<256x8xbf16, #tpu.memory_space<vmem>>, %arg12: memref<1x8xf32, #tpu.memory_space<vmem>>, %arg13: memref<1600x128xf32, #tpu.memory_space<vmem>>) attributes {dimension_semantics = [#tpu.dimension_semantics<arbitrary>], iteration_bounds = array<i64: 25>, scalar_prefetch = 0 : i64, scratch_operands = 0 : i64, tpu.core_type = #tpu.core_type<tc>, window_params = [{transform_indices = @transform_0, window_bounds = array<i64: 1600, 128>}, {transform_indices = @transform_1, window_bounds = array<i64: 1600, 128>}, {pipeline_mode = #tpu.pipeline_mode<synchronous>, transform_indices = @transform_2, window_bounds = array<i64: 1, 128>}, {pipeline_mode = #tpu.pipeline_mode<synchronous>, transform_indices = @transform_3, window_bounds = array<i64: 1, 128>}, {pipeline_mode = #tpu.pipeline_mode<synchronous>, transform_indices = @transform_4, window_bounds = array<i64: 1, 128>}, {pipeline_mode = #tpu.pipeline_mode<synchronous>, transform_indices = @transform_5, window_bounds = array<i64: 8, 128>}, {pipeline_mode = #tpu.pipeline_mode<synchronous>, transform_indices = @transform_6, window_bounds = array<i64: 16, 256>}, {pipeline_mode = #tpu.pipeline_mode<synchronous>, transform_indices = @transform_7, window_bounds = array<i64: 1, 256>}, {pipeline_mode = #tpu.pipeline_mode<synchronous>, transform_indices = @transform_8, window_bounds = array<i64: 256, 256>}, {pipeline_mode = #tpu.pipeline_mode<synchronous>, transform_indices = @transform_9, window_bounds = array<i64: 1, 256>}, {pipeline_mode = #tpu.pipeline_mode<synchronous>, transform_indices = @transform_10, window_bounds = array<i64: 256, 8>}, {pipeline_mode = #tpu.pipeline_mode<synchronous>, transform_indices = @transform_11, window_bounds = array<i64: 1, 8>}, {transform_indices = @transform_12, window_bounds = array<i64: 1600, 128>}]} {
    %get3A = arith.constant 0 : index
    %get3A_0 = arith.constant 0 : index
    %get3A_1 = vector.load %arg1[%get3A, %get3A_0] : memref<1600x128xf32, #tpu.memory_space<vmem>>, vector<1600x128xf32>
    %get3A_2 = arith.constant 0 : index
    %get3A_3 = arith.constant 0 : index
    %get3A_4 = vector.load %arg2[%get3A_2, %get3A_3] : memref<1600x128xf32, #tpu.memory_space<vmem>>, vector<1600x128xf32>
    %add3A = arith.addf %get3A_1, %get3A_4 : vector<1600x128xf32>
    %mul3A = arith.mulf %add3A, %add3A : vector<1600x128xf32>
    %slice3A = vector.extract_strided_slice %mul3A {offsets = [0, 3], sizes = [1600, 125], strides = [1, 1]} : vector<1600x128xf32> to vector<1600x125xf32>
    %slice3A_5 = vector.extract_strided_slice %mul3A {offsets = [0, 0], sizes = [1600, 3], strides = [1, 1]} : vector<1600x128xf32> to vector<1600x3xf32>
    %concatenate3A = tpu.concatenate %slice3A, %slice3A_5 in 1 : vector<1600x125xf32>, vector<1600x3xf32> -> vector<1600x128xf32>
    %sub3A = arith.subf %concatenate3A, %mul3A : vector<1600x128xf32>
    %slice3A_6 = vector.extract_strided_slice %mul3A {offsets = [0, 1], sizes = [1600, 127], strides = [1, 1]} : vector<1600x128xf32> to vector<1600x127xf32>
    %slice3A_7 = vector.extract_strided_slice %mul3A {offsets = [0, 0], sizes = [1600, 1], strides = [1, 1]} : vector<1600x128xf32> to vector<1600x1xf32>
    %concatenate3A_8 = tpu.concatenate %slice3A_6, %slice3A_7 in 1 : vector<1600x127xf32>, vector<1600x1xf32> -> vector<1600x128xf32>
    %sub3A_9 = arith.subf %sub3A, %concatenate3A_8 : vector<1600x128xf32>
    %slice3A_10 = vector.extract_strided_slice %mul3A {offsets = [0, 2], sizes = [1600, 126], strides = [1, 1]} : vector<1600x128xf32> to vector<1600x126xf32>
    %slice3A_11 = vector.extract_strided_slice %mul3A {offsets = [0, 0], sizes = [1600, 2], strides = [1, 1]} : vector<1600x128xf32> to vector<1600x2xf32>
    %concatenate3A_12 = tpu.concatenate %slice3A_10, %slice3A_11 in 1 : vector<1600x126xf32>, vector<1600x2xf32> -> vector<1600x128xf32>
    %sub3A_13 = arith.subf %sub3A_9, %concatenate3A_12 : vector<1600x128xf32>
    %jit3A = arith.constant 9.99999996E-13 : f32
    %max3A = vector.broadcast %jit3A : f32 to vector<1600x128xf32>
    %max3A_14 = arith.maximumf %max3A, %sub3A_13 : vector<1600x128xf32>
    %sqrt3A = math.sqrt %max3A_14 : vector<1600x128xf32>
    %slice3A_15 = vector.extract_strided_slice %sqrt3A {offsets = [0, 1], sizes = [1600, 127], strides = [1, 1]} : vector<1600x128xf32> to vector<1600x127xf32>
    %slice3A_16 = vector.extract_strided_slice %sqrt3A {offsets = [0, 0], sizes = [1600, 1], strides = [1, 1]} : vector<1600x128xf32> to vector<1600x1xf32>
    %concatenate3A_17 = tpu.concatenate %slice3A_15, %slice3A_16 in 1 : vector<1600x127xf32>, vector<1600x1xf32> -> vector<1600x128xf32>
    %get3A_18 = arith.constant 0 : index
    %get3A_19 = arith.constant 0 : index
    %get3A_20 = vector.load %arg5[%get3A_18, %get3A_19] : memref<1x128xf32, #tpu.memory_space<vmem>>, vector<1x128xf32>
    %mul3A_21 = vector.broadcast %get3A_20 : vector<1x128xf32> to vector<1600x128xf32>
    %mul3A_22 = arith.mulf %concatenate3A_17, %mul3A_21 : vector<1600x128xf32>
    %get3A_23 = arith.constant 0 : index
    %get3A_24 = arith.constant 0 : index
    %get3A_25 = vector.load %arg3[%get3A_23, %get3A_24] : memref<1x128xf32, #tpu.memory_space<vmem>>, vector<1x128xf32>
    %mul3A_26 = vector.broadcast %get3A_25 : vector<1x128xf32> to vector<1600x128xf32>
    %mul3A_27 = arith.mulf %get3A_1, %mul3A_26 : vector<1600x128xf32>
    %sub3A_28 = arith.subf %get3A_1, %get3A_4 : vector<1600x128xf32>
    %get3A_29 = arith.constant 0 : index
    %get3A_30 = arith.constant 0 : index
    %get3A_31 = vector.load %arg4[%get3A_29, %get3A_30] : memref<1x128xf32, #tpu.memory_space<vmem>>, vector<1x128xf32>
    %mul3A_32 = vector.broadcast %get3A_31 : vector<1x128xf32> to vector<1600x128xf32>
    %mul3A_33 = arith.mulf %sub3A_28, %mul3A_32 : vector<1600x128xf32>
    %add3A_34 = arith.addf %mul3A_27, %mul3A_33 : vector<1600x128xf32>
    %add3A_35 = arith.addf %add3A_34, %mul3A_22 : vector<1600x128xf32>
    %get3A_36 = arith.constant 0 : index
    %get3A_37 = arith.constant 0 : index
    %get3A_38 = vector.load %arg6[%get3A_36, %get3A_37] : memref<8x128xf32, #tpu.memory_space<vmem>>, vector<8x128xf32>
    %broadcast_in_dim3A = arith.constant 0.000000e+00 : f32
    %broadcast_in_dim3A_39 = vector.broadcast %broadcast_in_dim3A : f32 to vector<1600x128xf32>
    %slice3A_40 = vector.extract_strided_slice %add3A_35 {offsets = [0, 0], sizes = [1600, 16], strides = [1, 1]} : vector<1600x128xf32> to vector<1600x16xf32>
    %get3A_41 = arith.constant 0 : index
    %get3A_42 = arith.constant 0 : index
    %get3A_43 = vector.load %arg7[%get3A_41, %get3A_42] : memref<16x256xbf16, #tpu.memory_space<vmem>>, vector<16x256xbf16>
    %convert_element_type3A = arith.truncf %slice3A_40 : vector<1600x16xf32> to vector<1600x16xbf16>
    %dot_general3A = arith.constant dense<0.000000e+00> : vector<1600x256xf32>
    %dot_general3A_44 = tpu.matmul %convert_element_type3A, %get3A_43, %dot_general3A {dimension_numbers = #tpu.dot_dimension_numbers<[1], [0], [0], [1], [0, 0, 1, 1], [], []>, transpose_lhs_hint = false} : vector<1600x16xbf16>, vector<16x256xbf16>, vector<1600x256xf32> -> vector<1600x256xf32>
    %get3A_45 = arith.constant 0 : index
    %get3A_46 = arith.constant 0 : index
    %get3A_47 = vector.load %arg8[%get3A_45, %get3A_46] : memref<1x256xf32, #tpu.memory_space<vmem>>, vector<1x256xf32>
    %add3A_48 = vector.broadcast %get3A_47 : vector<1x256xf32> to vector<1600x256xf32>
    %add3A_49 = arith.addf %dot_general3A_44, %add3A_48 : vector<1600x256xf32>
    %max3A_50 = arith.constant 0.000000e+00 : f32
    %max3A_51 = vector.broadcast %max3A_50 : f32 to vector<1600x256xf32>
    %max3A_52 = arith.maximumf %add3A_49, %max3A_51 : vector<1600x256xf32>
    %get3A_53 = arith.constant 0 : index
    %get3A_54 = arith.constant 0 : index
    %get3A_55 = vector.load %arg9[%get3A_53, %get3A_54] : memref<256x256xbf16, #tpu.memory_space<vmem>>, vector<256x256xbf16>
    %convert_element_type3A_56 = arith.truncf %max3A_52 : vector<1600x256xf32> to vector<1600x256xbf16>
    %dot_general3A_57 = arith.constant dense<0.000000e+00> : vector<1600x256xf32>
    %dot_general3A_58 = tpu.matmul %convert_element_type3A_56, %get3A_55, %dot_general3A_57 {dimension_numbers = #tpu.dot_dimension_numbers<[1], [0], [0], [1], [0, 0, 1, 1], [], []>, transpose_lhs_hint = false} : vector<1600x256xbf16>, vector<256x256xbf16>, vector<1600x256xf32> -> vector<1600x256xf32>
    %get3A_59 = arith.constant 0 : index
    %get3A_60 = arith.constant 0 : index
    %get3A_61 = vector.load %arg10[%get3A_59, %get3A_60] : memref<1x256xf32, #tpu.memory_space<vmem>>, vector<1x256xf32>
    %add3A_62 = vector.broadcast %get3A_61 : vector<1x256xf32> to vector<1600x256xf32>
    %add3A_63 = arith.addf %dot_general3A_58, %add3A_62 : vector<1600x256xf32>
    %max3A_64 = arith.constant 0.000000e+00 : f32
    %max3A_65 = vector.broadcast %max3A_64 : f32 to vector<1600x256xf32>
    %max3A_66 = arith.maximumf %add3A_63, %max3A_65 : vector<1600x256xf32>
    %get3A_67 = arith.constant 0 : index
    %get3A_68 = arith.constant 0 : index
    %get3A_69 = vector.load %arg11[%get3A_67, %get3A_68] : memref<256x8xbf16, #tpu.memory_space<vmem>>, vector<256x8xbf16>
    %convert_element_type3A_70 = arith.truncf %max3A_66 : vector<1600x256xf32> to vector<1600x256xbf16>
    %dot_general3A_71 = arith.constant dense<0.000000e+00> : vector<1600x8xf32>
    %dot_general3A_72 = tpu.matmul %convert_element_type3A_70, %get3A_69, %dot_general3A_71 {dimension_numbers = #tpu.dot_dimension_numbers<[1], [0], [0], [1], [0, 0, 1, 1], [], []>, transpose_lhs_hint = false} : vector<1600x256xbf16>, vector<256x8xbf16>, vector<1600x8xf32> -> vector<1600x8xf32>
    %get3A_73 = arith.constant 0 : index
    %get3A_74 = arith.constant 0 : index
    %get3A_75 = vector.load %arg12[%get3A_73, %get3A_74] : memref<1x8xf32, #tpu.memory_space<vmem>>, vector<1x8xf32>
    %add3A_76 = vector.broadcast %get3A_75 : vector<1x8xf32> to vector<1600x8xf32>
    %add3A_77 = arith.addf %dot_general3A_72, %add3A_76 : vector<1600x8xf32>
    %slice3A_78 = vector.extract_strided_slice %add3A_77 {offsets = [0, 1], sizes = [1600, 1], strides = [1, 1]} : vector<1600x8xf32> to vector<1600x1xf32>
    %slice3A_79 = vector.extract_strided_slice %add3A_77 {offsets = [0, 0], sizes = [1600, 1], strides = [1, 1]} : vector<1600x8xf32> to vector<1600x1xf32>
    %gt3A = arith.cmpf ogt, %slice3A_78, %slice3A_79 : vector<1600x1xf32>
    %convert_element_type3A_80 = arith.extui %gt3A : vector<1600x1xi1> to vector<1600x1xi32>
    %convert_element_type3A_81 = arith.sitofp %convert_element_type3A_80 : vector<1600x1xi32> to vector<1600x1xf32>
    %slice3A_82 = vector.extract_strided_slice %get3A_38 {offsets = [0, 0], sizes = [1, 128], strides = [1, 1]} : vector<8x128xf32> to vector<1x128xf32>
    %mul3A_83 = vector.broadcast %convert_element_type3A_81 : vector<1600x1xf32> to vector<1600x128xf32>
    %mul3A_84 = vector.broadcast %slice3A_82 : vector<1x128xf32> to vector<1600x128xf32>
    %mul3A_85 = arith.mulf %mul3A_83, %mul3A_84 : vector<1600x128xf32>
    %add3A_86 = arith.addf %broadcast_in_dim3A_39, %mul3A_85 : vector<1600x128xf32>
    %slice3A_87 = vector.extract_strided_slice %add3A_35 {offsets = [0, 16], sizes = [1600, 16], strides = [1, 1]} : vector<1600x128xf32> to vector<1600x16xf32>
    %get3A_88 = arith.constant 0 : index
    %get3A_89 = arith.constant 0 : index
    %get3A_90 = vector.load %arg7[%get3A_88, %get3A_89] : memref<16x256xbf16, #tpu.memory_space<vmem>>, vector<16x256xbf16>
    %convert_element_type3A_91 = arith.truncf %slice3A_87 : vector<1600x16xf32> to vector<1600x16xbf16>
    %dot_general3A_92 = arith.constant dense<0.000000e+00> : vector<1600x256xf32>
    %dot_general3A_93 = tpu.matmul %convert_element_type3A_91, %get3A_90, %dot_general3A_92 {dimension_numbers = #tpu.dot_dimension_numbers<[1], [0], [0], [1], [0, 0, 1, 1], [], []>, transpose_lhs_hint = false} : vector<1600x16xbf16>, vector<16x256xbf16>, vector<1600x256xf32> -> vector<1600x256xf32>
    %get3A_94 = arith.constant 0 : index
    %get3A_95 = arith.constant 0 : index
    %get3A_96 = vector.load %arg8[%get3A_94, %get3A_95] : memref<1x256xf32, #tpu.memory_space<vmem>>, vector<1x256xf32>
    %add3A_97 = vector.broadcast %get3A_96 : vector<1x256xf32> to vector<1600x256xf32>
    %add3A_98 = arith.addf %dot_general3A_93, %add3A_97 : vector<1600x256xf32>
    %max3A_99 = arith.constant 0.000000e+00 : f32
    %max3A_100 = vector.broadcast %max3A_99 : f32 to vector<1600x256xf32>
    %max3A_101 = arith.maximumf %add3A_98, %max3A_100 : vector<1600x256xf32>
    %get3A_102 = arith.constant 0 : index
    %get3A_103 = arith.constant 0 : index
    %get3A_104 = vector.load %arg9[%get3A_102, %get3A_103] : memref<256x256xbf16, #tpu.memory_space<vmem>>, vector<256x256xbf16>
    %convert_element_type3A_105 = arith.truncf %max3A_101 : vector<1600x256xf32> to vector<1600x256xbf16>
    %dot_general3A_106 = arith.constant dense<0.000000e+00> : vector<1600x256xf32>
    %dot_general3A_107 = tpu.matmul %convert_element_type3A_105, %get3A_104, %dot_general3A_106 {dimension_numbers = #tpu.dot_dimension_numbers<[1], [0], [0], [1], [0, 0, 1, 1], [], []>, transpose_lhs_hint = false} : vector<1600x256xbf16>, vector<256x256xbf16>, vector<1600x256xf32> -> vector<1600x256xf32>
    %get3A_108 = arith.constant 0 : index
    %get3A_109 = arith.constant 0 : index
    %get3A_110 = vector.load %arg10[%get3A_108, %get3A_109] : memref<1x256xf32, #tpu.memory_space<vmem>>, vector<1x256xf32>
    %add3A_111 = vector.broadcast %get3A_110 : vector<1x256xf32> to vector<1600x256xf32>
    %add3A_112 = arith.addf %dot_general3A_107, %add3A_111 : vector<1600x256xf32>
    %max3A_113 = arith.constant 0.000000e+00 : f32
    %max3A_114 = vector.broadcast %max3A_113 : f32 to vector<1600x256xf32>
    %max3A_115 = arith.maximumf %add3A_112, %max3A_114 : vector<1600x256xf32>
    %get3A_116 = arith.constant 0 : index
    %get3A_117 = arith.constant 0 : index
    %get3A_118 = vector.load %arg11[%get3A_116, %get3A_117] : memref<256x8xbf16, #tpu.memory_space<vmem>>, vector<256x8xbf16>
    %convert_element_type3A_119 = arith.truncf %max3A_115 : vector<1600x256xf32> to vector<1600x256xbf16>
    %dot_general3A_120 = arith.constant dense<0.000000e+00> : vector<1600x8xf32>
    %dot_general3A_121 = tpu.matmul %convert_element_type3A_119, %get3A_118, %dot_general3A_120 {dimension_numbers = #tpu.dot_dimension_numbers<[1], [0], [0], [1], [0, 0, 1, 1], [], []>, transpose_lhs_hint = false} : vector<1600x256xbf16>, vector<256x8xbf16>, vector<1600x8xf32> -> vector<1600x8xf32>
    %get3A_122 = arith.constant 0 : index
    %get3A_123 = arith.constant 0 : index
    %get3A_124 = vector.load %arg12[%get3A_122, %get3A_123] : memref<1x8xf32, #tpu.memory_space<vmem>>, vector<1x8xf32>
    %add3A_125 = vector.broadcast %get3A_124 : vector<1x8xf32> to vector<1600x8xf32>
    %add3A_126 = arith.addf %dot_general3A_121, %add3A_125 : vector<1600x8xf32>
    %slice3A_127 = vector.extract_strided_slice %add3A_126 {offsets = [0, 1], sizes = [1600, 1], strides = [1, 1]} : vector<1600x8xf32> to vector<1600x1xf32>
    %slice3A_128 = vector.extract_strided_slice %add3A_126 {offsets = [0, 0], sizes = [1600, 1], strides = [1, 1]} : vector<1600x8xf32> to vector<1600x1xf32>
    %gt3A_129 = arith.cmpf ogt, %slice3A_127, %slice3A_128 : vector<1600x1xf32>
    %convert_element_type3A_130 = arith.extui %gt3A_129 : vector<1600x1xi1> to vector<1600x1xi32>
    %convert_element_type3A_131 = arith.sitofp %convert_element_type3A_130 : vector<1600x1xi32> to vector<1600x1xf32>
    %slice3A_132 = vector.extract_strided_slice %get3A_38 {offsets = [1, 0], sizes = [1, 128], strides = [1, 1]} : vector<8x128xf32> to vector<1x128xf32>
    %mul3A_133 = vector.broadcast %convert_element_type3A_131 : vector<1600x1xf32> to vector<1600x128xf32>
    %mul3A_134 = vector.broadcast %slice3A_132 : vector<1x128xf32> to vector<1600x128xf32>
    %mul3A_135 = arith.mulf %mul3A_133, %mul3A_134 : vector<1600x128xf32>
    %add3A_136 = arith.addf %add3A_86, %mul3A_135 : vector<1600x128xf32>
    %slice3A_137 = vector.extract_strided_slice %add3A_35 {offsets = [0, 32], sizes = [1600, 16], strides = [1, 1]} : vector<1600x128xf32> to vector<1600x16xf32>
    %get3A_138 = arith.constant 0 : index
    %get3A_139 = arith.constant 0 : index
    %get3A_140 = vector.load %arg7[%get3A_138, %get3A_139] : memref<16x256xbf16, #tpu.memory_space<vmem>>, vector<16x256xbf16>
    %convert_element_type3A_141 = arith.truncf %slice3A_137 : vector<1600x16xf32> to vector<1600x16xbf16>
    %dot_general3A_142 = arith.constant dense<0.000000e+00> : vector<1600x256xf32>
    %dot_general3A_143 = tpu.matmul %convert_element_type3A_141, %get3A_140, %dot_general3A_142 {dimension_numbers = #tpu.dot_dimension_numbers<[1], [0], [0], [1], [0, 0, 1, 1], [], []>, transpose_lhs_hint = false} : vector<1600x16xbf16>, vector<16x256xbf16>, vector<1600x256xf32> -> vector<1600x256xf32>
    %get3A_144 = arith.constant 0 : index
    %get3A_145 = arith.constant 0 : index
    %get3A_146 = vector.load %arg8[%get3A_144, %get3A_145] : memref<1x256xf32, #tpu.memory_space<vmem>>, vector<1x256xf32>
    %add3A_147 = vector.broadcast %get3A_146 : vector<1x256xf32> to vector<1600x256xf32>
    %add3A_148 = arith.addf %dot_general3A_143, %add3A_147 : vector<1600x256xf32>
    %max3A_149 = arith.constant 0.000000e+00 : f32
    %max3A_150 = vector.broadcast %max3A_149 : f32 to vector<1600x256xf32>
    %max3A_151 = arith.maximumf %add3A_148, %max3A_150 : vector<1600x256xf32>
    %get3A_152 = arith.constant 0 : index
    %get3A_153 = arith.constant 0 : index
    %get3A_154 = vector.load %arg9[%get3A_152, %get3A_153] : memref<256x256xbf16, #tpu.memory_space<vmem>>, vector<256x256xbf16>
    %convert_element_type3A_155 = arith.truncf %max3A_151 : vector<1600x256xf32> to vector<1600x256xbf16>
    %dot_general3A_156 = arith.constant dense<0.000000e+00> : vector<1600x256xf32>
    %dot_general3A_157 = tpu.matmul %convert_element_type3A_155, %get3A_154, %dot_general3A_156 {dimension_numbers = #tpu.dot_dimension_numbers<[1], [0], [0], [1], [0, 0, 1, 1], [], []>, transpose_lhs_hint = false} : vector<1600x256xbf16>, vector<256x256xbf16>, vector<1600x256xf32> -> vector<1600x256xf32>
    %get3A_158 = arith.constant 0 : index
    %get3A_159 = arith.constant 0 : index
    %get3A_160 = vector.load %arg10[%get3A_158, %get3A_159] : memref<1x256xf32, #tpu.memory_space<vmem>>, vector<1x256xf32>
    %add3A_161 = vector.broadcast %get3A_160 : vector<1x256xf32> to vector<1600x256xf32>
    %add3A_162 = arith.addf %dot_general3A_157, %add3A_161 : vector<1600x256xf32>
    %max3A_163 = arith.constant 0.000000e+00 : f32
    %max3A_164 = vector.broadcast %max3A_163 : f32 to vector<1600x256xf32>
    %max3A_165 = arith.maximumf %add3A_162, %max3A_164 : vector<1600x256xf32>
    %get3A_166 = arith.constant 0 : index
    %get3A_167 = arith.constant 0 : index
    %get3A_168 = vector.load %arg11[%get3A_166, %get3A_167] : memref<256x8xbf16, #tpu.memory_space<vmem>>, vector<256x8xbf16>
    %convert_element_type3A_169 = arith.truncf %max3A_165 : vector<1600x256xf32> to vector<1600x256xbf16>
    %dot_general3A_170 = arith.constant dense<0.000000e+00> : vector<1600x8xf32>
    %dot_general3A_171 = tpu.matmul %convert_element_type3A_169, %get3A_168, %dot_general3A_170 {dimension_numbers = #tpu.dot_dimension_numbers<[1], [0], [0], [1], [0, 0, 1, 1], [], []>, transpose_lhs_hint = false} : vector<1600x256xbf16>, vector<256x8xbf16>, vector<1600x8xf32> -> vector<1600x8xf32>
    %get3A_172 = arith.constant 0 : index
    %get3A_173 = arith.constant 0 : index
    %get3A_174 = vector.load %arg12[%get3A_172, %get3A_173] : memref<1x8xf32, #tpu.memory_space<vmem>>, vector<1x8xf32>
    %add3A_175 = vector.broadcast %get3A_174 : vector<1x8xf32> to vector<1600x8xf32>
    %add3A_176 = arith.addf %dot_general3A_171, %add3A_175 : vector<1600x8xf32>
    %slice3A_177 = vector.extract_strided_slice %add3A_176 {offsets = [0, 1], sizes = [1600, 1], strides = [1, 1]} : vector<1600x8xf32> to vector<1600x1xf32>
    %slice3A_178 = vector.extract_strided_slice %add3A_176 {offsets = [0, 0], sizes = [1600, 1], strides = [1, 1]} : vector<1600x8xf32> to vector<1600x1xf32>
    %gt3A_179 = arith.cmpf ogt, %slice3A_177, %slice3A_178 : vector<1600x1xf32>
    %convert_element_type3A_180 = arith.extui %gt3A_179 : vector<1600x1xi1> to vector<1600x1xi32>
    %convert_element_type3A_181 = arith.sitofp %convert_element_type3A_180 : vector<1600x1xi32> to vector<1600x1xf32>
    %slice3A_182 = vector.extract_strided_slice %get3A_38 {offsets = [2, 0], sizes = [1, 128], strides = [1, 1]} : vector<8x128xf32> to vector<1x128xf32>
    %mul3A_183 = vector.broadcast %convert_element_type3A_181 : vector<1600x1xf32> to vector<1600x128xf32>
    %mul3A_184 = vector.broadcast %slice3A_182 : vector<1x128xf32> to vector<1600x128xf32>
    %mul3A_185 = arith.mulf %mul3A_183, %mul3A_184 : vector<1600x128xf32>
    %add3A_186 = arith.addf %add3A_136, %mul3A_185 : vector<1600x128xf32>
    %slice3A_187 = vector.extract_strided_slice %add3A_35 {offsets = [0, 48], sizes = [1600, 16], strides = [1, 1]} : vector<1600x128xf32> to vector<1600x16xf32>
    %get3A_188 = arith.constant 0 : index
    %get3A_189 = arith.constant 0 : index
    %get3A_190 = vector.load %arg7[%get3A_188, %get3A_189] : memref<16x256xbf16, #tpu.memory_space<vmem>>, vector<16x256xbf16>
    %convert_element_type3A_191 = arith.truncf %slice3A_187 : vector<1600x16xf32> to vector<1600x16xbf16>
    %dot_general3A_192 = arith.constant dense<0.000000e+00> : vector<1600x256xf32>
    %dot_general3A_193 = tpu.matmul %convert_element_type3A_191, %get3A_190, %dot_general3A_192 {dimension_numbers = #tpu.dot_dimension_numbers<[1], [0], [0], [1], [0, 0, 1, 1], [], []>, transpose_lhs_hint = false} : vector<1600x16xbf16>, vector<16x256xbf16>, vector<1600x256xf32> -> vector<1600x256xf32>
    %get3A_194 = arith.constant 0 : index
    %get3A_195 = arith.constant 0 : index
    %get3A_196 = vector.load %arg8[%get3A_194, %get3A_195] : memref<1x256xf32, #tpu.memory_space<vmem>>, vector<1x256xf32>
    %add3A_197 = vector.broadcast %get3A_196 : vector<1x256xf32> to vector<1600x256xf32>
    %add3A_198 = arith.addf %dot_general3A_193, %add3A_197 : vector<1600x256xf32>
    %max3A_199 = arith.constant 0.000000e+00 : f32
    %max3A_200 = vector.broadcast %max3A_199 : f32 to vector<1600x256xf32>
    %max3A_201 = arith.maximumf %add3A_198, %max3A_200 : vector<1600x256xf32>
    %get3A_202 = arith.constant 0 : index
    %get3A_203 = arith.constant 0 : index
    %get3A_204 = vector.load %arg9[%get3A_202, %get3A_203] : memref<256x256xbf16, #tpu.memory_space<vmem>>, vector<256x256xbf16>
    %convert_element_type3A_205 = arith.truncf %max3A_201 : vector<1600x256xf32> to vector<1600x256xbf16>
    %dot_general3A_206 = arith.constant dense<0.000000e+00> : vector<1600x256xf32>
    %dot_general3A_207 = tpu.matmul %convert_element_type3A_205, %get3A_204, %dot_general3A_206 {dimension_numbers = #tpu.dot_dimension_numbers<[1], [0], [0], [1], [0, 0, 1, 1], [], []>, transpose_lhs_hint = false} : vector<1600x256xbf16>, vector<256x256xbf16>, vector<1600x256xf32> -> vector<1600x256xf32>
    %get3A_208 = arith.constant 0 : index
    %get3A_209 = arith.constant 0 : index
    %get3A_210 = vector.load %arg10[%get3A_208, %get3A_209] : memref<1x256xf32, #tpu.memory_space<vmem>>, vector<1x256xf32>
    %add3A_211 = vector.broadcast %get3A_210 : vector<1x256xf32> to vector<1600x256xf32>
    %add3A_212 = arith.addf %dot_general3A_207, %add3A_211 : vector<1600x256xf32>
    %max3A_213 = arith.constant 0.000000e+00 : f32
    %max3A_214 = vector.broadcast %max3A_213 : f32 to vector<1600x256xf32>
    %max3A_215 = arith.maximumf %add3A_212, %max3A_214 : vector<1600x256xf32>
    %get3A_216 = arith.constant 0 : index
    %get3A_217 = arith.constant 0 : index
    %get3A_218 = vector.load %arg11[%get3A_216, %get3A_217] : memref<256x8xbf16, #tpu.memory_space<vmem>>, vector<256x8xbf16>
    %convert_element_type3A_219 = arith.truncf %max3A_215 : vector<1600x256xf32> to vector<1600x256xbf16>
    %dot_general3A_220 = arith.constant dense<0.000000e+00> : vector<1600x8xf32>
    %dot_general3A_221 = tpu.matmul %convert_element_type3A_219, %get3A_218, %dot_general3A_220 {dimension_numbers = #tpu.dot_dimension_numbers<[1], [0], [0], [1], [0, 0, 1, 1], [], []>, transpose_lhs_hint = false} : vector<1600x256xbf16>, vector<256x8xbf16>, vector<1600x8xf32> -> vector<1600x8xf32>
    %get3A_222 = arith.constant 0 : index
    %get3A_223 = arith.constant 0 : index
    %get3A_224 = vector.load %arg12[%get3A_222, %get3A_223] : memref<1x8xf32, #tpu.memory_space<vmem>>, vector<1x8xf32>
    %add3A_225 = vector.broadcast %get3A_224 : vector<1x8xf32> to vector<1600x8xf32>
    %add3A_226 = arith.addf %dot_general3A_221, %add3A_225 : vector<1600x8xf32>
    %slice3A_227 = vector.extract_strided_slice %add3A_226 {offsets = [0, 1], sizes = [1600, 1], strides = [1, 1]} : vector<1600x8xf32> to vector<1600x1xf32>
    %slice3A_228 = vector.extract_strided_slice %add3A_226 {offsets = [0, 0], sizes = [1600, 1], strides = [1, 1]} : vector<1600x8xf32> to vector<1600x1xf32>
    %gt3A_229 = arith.cmpf ogt, %slice3A_227, %slice3A_228 : vector<1600x1xf32>
    %convert_element_type3A_230 = arith.extui %gt3A_229 : vector<1600x1xi1> to vector<1600x1xi32>
    %convert_element_type3A_231 = arith.sitofp %convert_element_type3A_230 : vector<1600x1xi32> to vector<1600x1xf32>
    %slice3A_232 = vector.extract_strided_slice %get3A_38 {offsets = [3, 0], sizes = [1, 128], strides = [1, 1]} : vector<8x128xf32> to vector<1x128xf32>
    %mul3A_233 = vector.broadcast %convert_element_type3A_231 : vector<1600x1xf32> to vector<1600x128xf32>
    %mul3A_234 = vector.broadcast %slice3A_232 : vector<1x128xf32> to vector<1600x128xf32>
    %mul3A_235 = arith.mulf %mul3A_233, %mul3A_234 : vector<1600x128xf32>
    %add3A_236 = arith.addf %add3A_186, %mul3A_235 : vector<1600x128xf32>
    %slice3A_237 = vector.extract_strided_slice %add3A_35 {offsets = [0, 64], sizes = [1600, 16], strides = [1, 1]} : vector<1600x128xf32> to vector<1600x16xf32>
    %get3A_238 = arith.constant 0 : index
    %get3A_239 = arith.constant 0 : index
    %get3A_240 = vector.load %arg7[%get3A_238, %get3A_239] : memref<16x256xbf16, #tpu.memory_space<vmem>>, vector<16x256xbf16>
    %convert_element_type3A_241 = arith.truncf %slice3A_237 : vector<1600x16xf32> to vector<1600x16xbf16>
    %dot_general3A_242 = arith.constant dense<0.000000e+00> : vector<1600x256xf32>
    %dot_general3A_243 = tpu.matmul %convert_element_type3A_241, %get3A_240, %dot_general3A_242 {dimension_numbers = #tpu.dot_dimension_numbers<[1], [0], [0], [1], [0, 0, 1, 1], [], []>, transpose_lhs_hint = false} : vector<1600x16xbf16>, vector<16x256xbf16>, vector<1600x256xf32> -> vector<1600x256xf32>
    %get3A_244 = arith.constant 0 : index
    %get3A_245 = arith.constant 0 : index
    %get3A_246 = vector.load %arg8[%get3A_244, %get3A_245] : memref<1x256xf32, #tpu.memory_space<vmem>>, vector<1x256xf32>
    %add3A_247 = vector.broadcast %get3A_246 : vector<1x256xf32> to vector<1600x256xf32>
    %add3A_248 = arith.addf %dot_general3A_243, %add3A_247 : vector<1600x256xf32>
    %max3A_249 = arith.constant 0.000000e+00 : f32
    %max3A_250 = vector.broadcast %max3A_249 : f32 to vector<1600x256xf32>
    %max3A_251 = arith.maximumf %add3A_248, %max3A_250 : vector<1600x256xf32>
    %get3A_252 = arith.constant 0 : index
    %get3A_253 = arith.constant 0 : index
    %get3A_254 = vector.load %arg9[%get3A_252, %get3A_253] : memref<256x256xbf16, #tpu.memory_space<vmem>>, vector<256x256xbf16>
    %convert_element_type3A_255 = arith.truncf %max3A_251 : vector<1600x256xf32> to vector<1600x256xbf16>
    %dot_general3A_256 = arith.constant dense<0.000000e+00> : vector<1600x256xf32>
    %dot_general3A_257 = tpu.matmul %convert_element_type3A_255, %get3A_254, %dot_general3A_256 {dimension_numbers = #tpu.dot_dimension_numbers<[1], [0], [0], [1], [0, 0, 1, 1], [], []>, transpose_lhs_hint = false} : vector<1600x256xbf16>, vector<256x256xbf16>, vector<1600x256xf32> -> vector<1600x256xf32>
    %get3A_258 = arith.constant 0 : index
    %get3A_259 = arith.constant 0 : index
    %get3A_260 = vector.load %arg10[%get3A_258, %get3A_259] : memref<1x256xf32, #tpu.memory_space<vmem>>, vector<1x256xf32>
    %add3A_261 = vector.broadcast %get3A_260 : vector<1x256xf32> to vector<1600x256xf32>
    %add3A_262 = arith.addf %dot_general3A_257, %add3A_261 : vector<1600x256xf32>
    %max3A_263 = arith.constant 0.000000e+00 : f32
    %max3A_264 = vector.broadcast %max3A_263 : f32 to vector<1600x256xf32>
    %max3A_265 = arith.maximumf %add3A_262, %max3A_264 : vector<1600x256xf32>
    %get3A_266 = arith.constant 0 : index
    %get3A_267 = arith.constant 0 : index
    %get3A_268 = vector.load %arg11[%get3A_266, %get3A_267] : memref<256x8xbf16, #tpu.memory_space<vmem>>, vector<256x8xbf16>
    %convert_element_type3A_269 = arith.truncf %max3A_265 : vector<1600x256xf32> to vector<1600x256xbf16>
    %dot_general3A_270 = arith.constant dense<0.000000e+00> : vector<1600x8xf32>
    %dot_general3A_271 = tpu.matmul %convert_element_type3A_269, %get3A_268, %dot_general3A_270 {dimension_numbers = #tpu.dot_dimension_numbers<[1], [0], [0], [1], [0, 0, 1, 1], [], []>, transpose_lhs_hint = false} : vector<1600x256xbf16>, vector<256x8xbf16>, vector<1600x8xf32> -> vector<1600x8xf32>
    %get3A_272 = arith.constant 0 : index
    %get3A_273 = arith.constant 0 : index
    %get3A_274 = vector.load %arg12[%get3A_272, %get3A_273] : memref<1x8xf32, #tpu.memory_space<vmem>>, vector<1x8xf32>
    %add3A_275 = vector.broadcast %get3A_274 : vector<1x8xf32> to vector<1600x8xf32>
    %add3A_276 = arith.addf %dot_general3A_271, %add3A_275 : vector<1600x8xf32>
    %slice3A_277 = vector.extract_strided_slice %add3A_276 {offsets = [0, 1], sizes = [1600, 1], strides = [1, 1]} : vector<1600x8xf32> to vector<1600x1xf32>
    %slice3A_278 = vector.extract_strided_slice %add3A_276 {offsets = [0, 0], sizes = [1600, 1], strides = [1, 1]} : vector<1600x8xf32> to vector<1600x1xf32>
    %gt3A_279 = arith.cmpf ogt, %slice3A_277, %slice3A_278 : vector<1600x1xf32>
    %convert_element_type3A_280 = arith.extui %gt3A_279 : vector<1600x1xi1> to vector<1600x1xi32>
    %convert_element_type3A_281 = arith.sitofp %convert_element_type3A_280 : vector<1600x1xi32> to vector<1600x1xf32>
    %slice3A_282 = vector.extract_strided_slice %get3A_38 {offsets = [4, 0], sizes = [1, 128], strides = [1, 1]} : vector<8x128xf32> to vector<1x128xf32>
    %mul3A_283 = vector.broadcast %convert_element_type3A_281 : vector<1600x1xf32> to vector<1600x128xf32>
    %mul3A_284 = vector.broadcast %slice3A_282 : vector<1x128xf32> to vector<1600x128xf32>
    %mul3A_285 = arith.mulf %mul3A_283, %mul3A_284 : vector<1600x128xf32>
    %add3A_286 = arith.addf %add3A_236, %mul3A_285 : vector<1600x128xf32>
    %slice3A_287 = vector.extract_strided_slice %add3A_35 {offsets = [0, 80], sizes = [1600, 16], strides = [1, 1]} : vector<1600x128xf32> to vector<1600x16xf32>
    %get3A_288 = arith.constant 0 : index
    %get3A_289 = arith.constant 0 : index
    %get3A_290 = vector.load %arg7[%get3A_288, %get3A_289] : memref<16x256xbf16, #tpu.memory_space<vmem>>, vector<16x256xbf16>
    %convert_element_type3A_291 = arith.truncf %slice3A_287 : vector<1600x16xf32> to vector<1600x16xbf16>
    %dot_general3A_292 = arith.constant dense<0.000000e+00> : vector<1600x256xf32>
    %dot_general3A_293 = tpu.matmul %convert_element_type3A_291, %get3A_290, %dot_general3A_292 {dimension_numbers = #tpu.dot_dimension_numbers<[1], [0], [0], [1], [0, 0, 1, 1], [], []>, transpose_lhs_hint = false} : vector<1600x16xbf16>, vector<16x256xbf16>, vector<1600x256xf32> -> vector<1600x256xf32>
    %get3A_294 = arith.constant 0 : index
    %get3A_295 = arith.constant 0 : index
    %get3A_296 = vector.load %arg8[%get3A_294, %get3A_295] : memref<1x256xf32, #tpu.memory_space<vmem>>, vector<1x256xf32>
    %add3A_297 = vector.broadcast %get3A_296 : vector<1x256xf32> to vector<1600x256xf32>
    %add3A_298 = arith.addf %dot_general3A_293, %add3A_297 : vector<1600x256xf32>
    %max3A_299 = arith.constant 0.000000e+00 : f32
    %max3A_300 = vector.broadcast %max3A_299 : f32 to vector<1600x256xf32>
    %max3A_301 = arith.maximumf %add3A_298, %max3A_300 : vector<1600x256xf32>
    %get3A_302 = arith.constant 0 : index
    %get3A_303 = arith.constant 0 : index
    %get3A_304 = vector.load %arg9[%get3A_302, %get3A_303] : memref<256x256xbf16, #tpu.memory_space<vmem>>, vector<256x256xbf16>
    %convert_element_type3A_305 = arith.truncf %max3A_301 : vector<1600x256xf32> to vector<1600x256xbf16>
    %dot_general3A_306 = arith.constant dense<0.000000e+00> : vector<1600x256xf32>
    %dot_general3A_307 = tpu.matmul %convert_element_type3A_305, %get3A_304, %dot_general3A_306 {dimension_numbers = #tpu.dot_dimension_numbers<[1], [0], [0], [1], [0, 0, 1, 1], [], []>, transpose_lhs_hint = false} : vector<1600x256xbf16>, vector<256x256xbf16>, vector<1600x256xf32> -> vector<1600x256xf32>
    %get3A_308 = arith.constant 0 : index
    %get3A_309 = arith.constant 0 : index
    %get3A_310 = vector.load %arg10[%get3A_308, %get3A_309] : memref<1x256xf32, #tpu.memory_space<vmem>>, vector<1x256xf32>
    %add3A_311 = vector.broadcast %get3A_310 : vector<1x256xf32> to vector<1600x256xf32>
    %add3A_312 = arith.addf %dot_general3A_307, %add3A_311 : vector<1600x256xf32>
    %max3A_313 = arith.constant 0.000000e+00 : f32
    %max3A_314 = vector.broadcast %max3A_313 : f32 to vector<1600x256xf32>
    %max3A_315 = arith.maximumf %add3A_312, %max3A_314 : vector<1600x256xf32>
    %get3A_316 = arith.constant 0 : index
    %get3A_317 = arith.constant 0 : index
    %get3A_318 = vector.load %arg11[%get3A_316, %get3A_317] : memref<256x8xbf16, #tpu.memory_space<vmem>>, vector<256x8xbf16>
    %convert_element_type3A_319 = arith.truncf %max3A_315 : vector<1600x256xf32> to vector<1600x256xbf16>
    %dot_general3A_320 = arith.constant dense<0.000000e+00> : vector<1600x8xf32>
    %dot_general3A_321 = tpu.matmul %convert_element_type3A_319, %get3A_318, %dot_general3A_320 {dimension_numbers = #tpu.dot_dimension_numbers<[1], [0], [0], [1], [0, 0, 1, 1], [], []>, transpose_lhs_hint = false} : vector<1600x256xbf16>, vector<256x8xbf16>, vector<1600x8xf32> -> vector<1600x8xf32>
    %get3A_322 = arith.constant 0 : index
    %get3A_323 = arith.constant 0 : index
    %get3A_324 = vector.load %arg12[%get3A_322, %get3A_323] : memref<1x8xf32, #tpu.memory_space<vmem>>, vector<1x8xf32>
    %add3A_325 = vector.broadcast %get3A_324 : vector<1x8xf32> to vector<1600x8xf32>
    %add3A_326 = arith.addf %dot_general3A_321, %add3A_325 : vector<1600x8xf32>
    %slice3A_327 = vector.extract_strided_slice %add3A_326 {offsets = [0, 1], sizes = [1600, 1], strides = [1, 1]} : vector<1600x8xf32> to vector<1600x1xf32>
    %slice3A_328 = vector.extract_strided_slice %add3A_326 {offsets = [0, 0], sizes = [1600, 1], strides = [1, 1]} : vector<1600x8xf32> to vector<1600x1xf32>
    %gt3A_329 = arith.cmpf ogt, %slice3A_327, %slice3A_328 : vector<1600x1xf32>
    %convert_element_type3A_330 = arith.extui %gt3A_329 : vector<1600x1xi1> to vector<1600x1xi32>
    %convert_element_type3A_331 = arith.sitofp %convert_element_type3A_330 : vector<1600x1xi32> to vector<1600x1xf32>
    %slice3A_332 = vector.extract_strided_slice %get3A_38 {offsets = [5, 0], sizes = [1, 128], strides = [1, 1]} : vector<8x128xf32> to vector<1x128xf32>
    %mul3A_333 = vector.broadcast %convert_element_type3A_331 : vector<1600x1xf32> to vector<1600x128xf32>
    %mul3A_334 = vector.broadcast %slice3A_332 : vector<1x128xf32> to vector<1600x128xf32>
    %mul3A_335 = arith.mulf %mul3A_333, %mul3A_334 : vector<1600x128xf32>
    %add3A_336 = arith.addf %add3A_286, %mul3A_335 : vector<1600x128xf32>
    %slice3A_337 = vector.extract_strided_slice %add3A_35 {offsets = [0, 96], sizes = [1600, 16], strides = [1, 1]} : vector<1600x128xf32> to vector<1600x16xf32>
    %get3A_338 = arith.constant 0 : index
    %get3A_339 = arith.constant 0 : index
    %get3A_340 = vector.load %arg7[%get3A_338, %get3A_339] : memref<16x256xbf16, #tpu.memory_space<vmem>>, vector<16x256xbf16>
    %convert_element_type3A_341 = arith.truncf %slice3A_337 : vector<1600x16xf32> to vector<1600x16xbf16>
    %dot_general3A_342 = arith.constant dense<0.000000e+00> : vector<1600x256xf32>
    %dot_general3A_343 = tpu.matmul %convert_element_type3A_341, %get3A_340, %dot_general3A_342 {dimension_numbers = #tpu.dot_dimension_numbers<[1], [0], [0], [1], [0, 0, 1, 1], [], []>, transpose_lhs_hint = false} : vector<1600x16xbf16>, vector<16x256xbf16>, vector<1600x256xf32> -> vector<1600x256xf32>
    %get3A_344 = arith.constant 0 : index
    %get3A_345 = arith.constant 0 : index
    %get3A_346 = vector.load %arg8[%get3A_344, %get3A_345] : memref<1x256xf32, #tpu.memory_space<vmem>>, vector<1x256xf32>
    %add3A_347 = vector.broadcast %get3A_346 : vector<1x256xf32> to vector<1600x256xf32>
    %add3A_348 = arith.addf %dot_general3A_343, %add3A_347 : vector<1600x256xf32>
    %max3A_349 = arith.constant 0.000000e+00 : f32
    %max3A_350 = vector.broadcast %max3A_349 : f32 to vector<1600x256xf32>
    %max3A_351 = arith.maximumf %add3A_348, %max3A_350 : vector<1600x256xf32>
    %get3A_352 = arith.constant 0 : index
    %get3A_353 = arith.constant 0 : index
    %get3A_354 = vector.load %arg9[%get3A_352, %get3A_353] : memref<256x256xbf16, #tpu.memory_space<vmem>>, vector<256x256xbf16>
    %convert_element_type3A_355 = arith.truncf %max3A_351 : vector<1600x256xf32> to vector<1600x256xbf16>
    %dot_general3A_356 = arith.constant dense<0.000000e+00> : vector<1600x256xf32>
    %dot_general3A_357 = tpu.matmul %convert_element_type3A_355, %get3A_354, %dot_general3A_356 {dimension_numbers = #tpu.dot_dimension_numbers<[1], [0], [0], [1], [0, 0, 1, 1], [], []>, transpose_lhs_hint = false} : vector<1600x256xbf16>, vector<256x256xbf16>, vector<1600x256xf32> -> vector<1600x256xf32>
    %get3A_358 = arith.constant 0 : index
    %get3A_359 = arith.constant 0 : index
    %get3A_360 = vector.load %arg10[%get3A_358, %get3A_359] : memref<1x256xf32, #tpu.memory_space<vmem>>, vector<1x256xf32>
    %add3A_361 = vector.broadcast %get3A_360 : vector<1x256xf32> to vector<1600x256xf32>
    %add3A_362 = arith.addf %dot_general3A_357, %add3A_361 : vector<1600x256xf32>
    %max3A_363 = arith.constant 0.000000e+00 : f32
    %max3A_364 = vector.broadcast %max3A_363 : f32 to vector<1600x256xf32>
    %max3A_365 = arith.maximumf %add3A_362, %max3A_364 : vector<1600x256xf32>
    %get3A_366 = arith.constant 0 : index
    %get3A_367 = arith.constant 0 : index
    %get3A_368 = vector.load %arg11[%get3A_366, %get3A_367] : memref<256x8xbf16, #tpu.memory_space<vmem>>, vector<256x8xbf16>
    %convert_element_type3A_369 = arith.truncf %max3A_365 : vector<1600x256xf32> to vector<1600x256xbf16>
    %dot_general3A_370 = arith.constant dense<0.000000e+00> : vector<1600x8xf32>
    %dot_general3A_371 = tpu.matmul %convert_element_type3A_369, %get3A_368, %dot_general3A_370 {dimension_numbers = #tpu.dot_dimension_numbers<[1], [0], [0], [1], [0, 0, 1, 1], [], []>, transpose_lhs_hint = false} : vector<1600x256xbf16>, vector<256x8xbf16>, vector<1600x8xf32> -> vector<1600x8xf32>
    %get3A_372 = arith.constant 0 : index
    %get3A_373 = arith.constant 0 : index
    %get3A_374 = vector.load %arg12[%get3A_372, %get3A_373] : memref<1x8xf32, #tpu.memory_space<vmem>>, vector<1x8xf32>
    %add3A_375 = vector.broadcast %get3A_374 : vector<1x8xf32> to vector<1600x8xf32>
    %add3A_376 = arith.addf %dot_general3A_371, %add3A_375 : vector<1600x8xf32>
    %slice3A_377 = vector.extract_strided_slice %add3A_376 {offsets = [0, 1], sizes = [1600, 1], strides = [1, 1]} : vector<1600x8xf32> to vector<1600x1xf32>
    %slice3A_378 = vector.extract_strided_slice %add3A_376 {offsets = [0, 0], sizes = [1600, 1], strides = [1, 1]} : vector<1600x8xf32> to vector<1600x1xf32>
    %gt3A_379 = arith.cmpf ogt, %slice3A_377, %slice3A_378 : vector<1600x1xf32>
    %convert_element_type3A_380 = arith.extui %gt3A_379 : vector<1600x1xi1> to vector<1600x1xi32>
    %convert_element_type3A_381 = arith.sitofp %convert_element_type3A_380 : vector<1600x1xi32> to vector<1600x1xf32>
    %slice3A_382 = vector.extract_strided_slice %get3A_38 {offsets = [6, 0], sizes = [1, 128], strides = [1, 1]} : vector<8x128xf32> to vector<1x128xf32>
    %mul3A_383 = vector.broadcast %convert_element_type3A_381 : vector<1600x1xf32> to vector<1600x128xf32>
    %mul3A_384 = vector.broadcast %slice3A_382 : vector<1x128xf32> to vector<1600x128xf32>
    %mul3A_385 = arith.mulf %mul3A_383, %mul3A_384 : vector<1600x128xf32>
    %add3A_386 = arith.addf %add3A_336, %mul3A_385 : vector<1600x128xf32>
    %slice3A_387 = vector.extract_strided_slice %add3A_35 {offsets = [0, 112], sizes = [1600, 16], strides = [1, 1]} : vector<1600x128xf32> to vector<1600x16xf32>
    %get3A_388 = arith.constant 0 : index
    %get3A_389 = arith.constant 0 : index
    %get3A_390 = vector.load %arg7[%get3A_388, %get3A_389] : memref<16x256xbf16, #tpu.memory_space<vmem>>, vector<16x256xbf16>
    %convert_element_type3A_391 = arith.truncf %slice3A_387 : vector<1600x16xf32> to vector<1600x16xbf16>
    %dot_general3A_392 = arith.constant dense<0.000000e+00> : vector<1600x256xf32>
    %dot_general3A_393 = tpu.matmul %convert_element_type3A_391, %get3A_390, %dot_general3A_392 {dimension_numbers = #tpu.dot_dimension_numbers<[1], [0], [0], [1], [0, 0, 1, 1], [], []>, transpose_lhs_hint = false} : vector<1600x16xbf16>, vector<16x256xbf16>, vector<1600x256xf32> -> vector<1600x256xf32>
    %get3A_394 = arith.constant 0 : index
    %get3A_395 = arith.constant 0 : index
    %get3A_396 = vector.load %arg8[%get3A_394, %get3A_395] : memref<1x256xf32, #tpu.memory_space<vmem>>, vector<1x256xf32>
    %add3A_397 = vector.broadcast %get3A_396 : vector<1x256xf32> to vector<1600x256xf32>
    %add3A_398 = arith.addf %dot_general3A_393, %add3A_397 : vector<1600x256xf32>
    %max3A_399 = arith.constant 0.000000e+00 : f32
    %max3A_400 = vector.broadcast %max3A_399 : f32 to vector<1600x256xf32>
    %max3A_401 = arith.maximumf %add3A_398, %max3A_400 : vector<1600x256xf32>
    %get3A_402 = arith.constant 0 : index
    %get3A_403 = arith.constant 0 : index
    %get3A_404 = vector.load %arg9[%get3A_402, %get3A_403] : memref<256x256xbf16, #tpu.memory_space<vmem>>, vector<256x256xbf16>
    %convert_element_type3A_405 = arith.truncf %max3A_401 : vector<1600x256xf32> to vector<1600x256xbf16>
    %dot_general3A_406 = arith.constant dense<0.000000e+00> : vector<1600x256xf32>
    %dot_general3A_407 = tpu.matmul %convert_element_type3A_405, %get3A_404, %dot_general3A_406 {dimension_numbers = #tpu.dot_dimension_numbers<[1], [0], [0], [1], [0, 0, 1, 1], [], []>, transpose_lhs_hint = false} : vector<1600x256xbf16>, vector<256x256xbf16>, vector<1600x256xf32> -> vector<1600x256xf32>
    %get3A_408 = arith.constant 0 : index
    %get3A_409 = arith.constant 0 : index
    %get3A_410 = vector.load %arg10[%get3A_408, %get3A_409] : memref<1x256xf32, #tpu.memory_space<vmem>>, vector<1x256xf32>
    %add3A_411 = vector.broadcast %get3A_410 : vector<1x256xf32> to vector<1600x256xf32>
    %add3A_412 = arith.addf %dot_general3A_407, %add3A_411 : vector<1600x256xf32>
    %max3A_413 = arith.constant 0.000000e+00 : f32
    %max3A_414 = vector.broadcast %max3A_413 : f32 to vector<1600x256xf32>
    %max3A_415 = arith.maximumf %add3A_412, %max3A_414 : vector<1600x256xf32>
    %get3A_416 = arith.constant 0 : index
    %get3A_417 = arith.constant 0 : index
    %get3A_418 = vector.load %arg11[%get3A_416, %get3A_417] : memref<256x8xbf16, #tpu.memory_space<vmem>>, vector<256x8xbf16>
    %convert_element_type3A_419 = arith.truncf %max3A_415 : vector<1600x256xf32> to vector<1600x256xbf16>
    %dot_general3A_420 = arith.constant dense<0.000000e+00> : vector<1600x8xf32>
    %dot_general3A_421 = tpu.matmul %convert_element_type3A_419, %get3A_418, %dot_general3A_420 {dimension_numbers = #tpu.dot_dimension_numbers<[1], [0], [0], [1], [0, 0, 1, 1], [], []>, transpose_lhs_hint = false} : vector<1600x256xbf16>, vector<256x8xbf16>, vector<1600x8xf32> -> vector<1600x8xf32>
    %get3A_422 = arith.constant 0 : index
    %get3A_423 = arith.constant 0 : index
    %get3A_424 = vector.load %arg12[%get3A_422, %get3A_423] : memref<1x8xf32, #tpu.memory_space<vmem>>, vector<1x8xf32>
    %add3A_425 = vector.broadcast %get3A_424 : vector<1x8xf32> to vector<1600x8xf32>
    %add3A_426 = arith.addf %dot_general3A_421, %add3A_425 : vector<1600x8xf32>
    %slice3A_427 = vector.extract_strided_slice %add3A_426 {offsets = [0, 1], sizes = [1600, 1], strides = [1, 1]} : vector<1600x8xf32> to vector<1600x1xf32>
    %slice3A_428 = vector.extract_strided_slice %add3A_426 {offsets = [0, 0], sizes = [1600, 1], strides = [1, 1]} : vector<1600x8xf32> to vector<1600x1xf32>
    %gt3A_429 = arith.cmpf ogt, %slice3A_427, %slice3A_428 : vector<1600x1xf32>
    %convert_element_type3A_430 = arith.extui %gt3A_429 : vector<1600x1xi1> to vector<1600x1xi32>
    %convert_element_type3A_431 = arith.sitofp %convert_element_type3A_430 : vector<1600x1xi32> to vector<1600x1xf32>
    %slice3A_432 = vector.extract_strided_slice %get3A_38 {offsets = [7, 0], sizes = [1, 128], strides = [1, 1]} : vector<8x128xf32> to vector<1x128xf32>
    %mul3A_433 = vector.broadcast %convert_element_type3A_431 : vector<1600x1xf32> to vector<1600x128xf32>
    %mul3A_434 = vector.broadcast %slice3A_432 : vector<1x128xf32> to vector<1600x128xf32>
    %mul3A_435 = arith.mulf %mul3A_433, %mul3A_434 : vector<1600x128xf32>
    %add3A_436 = arith.addf %add3A_386, %mul3A_435 : vector<1600x128xf32>
    %mul3A_437 = arith.mulf %get3A_4, %add3A_436 : vector<1600x128xf32>
    %swap3A = arith.constant 0 : index
    %swap3A_438 = arith.constant 0 : index
    %swap3A_439 = vector.load %arg13[%swap3A, %swap3A_438] : memref<1600x128xf32, #tpu.memory_space<vmem>>, vector<1600x128xf32>
    tpu.vector_store %arg13[%swap3A, %swap3A_438], %mul3A_437 {strides = array<i32>} : memref<1600x128xf32, #tpu.memory_space<vmem>>, vector<1600x128xf32>,
    return
  }
  func.func @transform_0(%arg0: i32) -> (i32, i32) {
    %c0_i32 = arith.constant 0 : i32
    %c0_i32_0 = arith.constant 0 : i32
    return %arg0, %c0_i32 : i32, i32
  }
  func.func @transform_1(%arg0: i32) -> (i32, i32) {
    %c0_i32 = arith.constant 0 : i32
    %c0_i32_0 = arith.constant 0 : i32
    return %arg0, %c0_i32 : i32, i32
  }
  func.func @transform_2(%arg0: i32) -> (i32, i32) {
    %c0_i32 = arith.constant 0 : i32
    %c0_i32_0 = arith.constant 0 : i32
    %c0_i32_1 = arith.constant 0 : i32
    return %c0_i32, %c0_i32_0 : i32, i32
  }
  func.func @transform_3(%arg0: i32) -> (i32, i32) {
    %c0_i32 = arith.constant 0 : i32
    %c0_i32_0 = arith.constant 0 : i32
    %c0_i32_1 = arith.constant 0 : i32
    return %c0_i32, %c0_i32_0 : i32, i32
  }
  func.func @transform_4(%arg0: i32) -> (i32, i32) {
    %c0_i32 = arith.constant 0 : i32
    %c0_i32_0 = arith.constant 0 : i32
    %c0_i32_1 = arith.constant 0 : i32
    return %c0_i32, %c0_i32_0 : i32, i32
  }
  func.func @transform_5(%arg0: i32) -> (i32, i32) {
    %c0_i32 = arith.constant 0 : i32
    %c0_i32_0 = arith.constant 0 : i32
    %c0_i32_1 = arith.constant 0 : i32
    return %c0_i32, %c0_i32_0 : i32, i32
  }
  func.func @transform_6(%arg0: i32) -> (i32, i32) {
    %c0_i32 = arith.constant 0 : i32
    %c0_i32_0 = arith.constant 0 : i32
    %c0_i32_1 = arith.constant 0 : i32
    return %c0_i32, %c0_i32_0 : i32, i32
  }
  func.func @transform_7(%arg0: i32) -> (i32, i32) {
    %c0_i32 = arith.constant 0 : i32
    %c0_i32_0 = arith.constant 0 : i32
    %c0_i32_1 = arith.constant 0 : i32
    return %c0_i32, %c0_i32_0 : i32, i32
  }
  func.func @transform_8(%arg0: i32) -> (i32, i32) {
    %c0_i32 = arith.constant 0 : i32
    %c0_i32_0 = arith.constant 0 : i32
    %c0_i32_1 = arith.constant 0 : i32
    return %c0_i32, %c0_i32_0 : i32, i32
  }
  func.func @transform_9(%arg0: i32) -> (i32, i32) {
    %c0_i32 = arith.constant 0 : i32
    %c0_i32_0 = arith.constant 0 : i32
    %c0_i32_1 = arith.constant 0 : i32
    return %c0_i32, %c0_i32_0 : i32, i32
  }
  func.func @transform_10(%arg0: i32) -> (i32, i32) {
    %c0_i32 = arith.constant 0 : i32
    %c0_i32_0 = arith.constant 0 : i32
    %c0_i32_1 = arith.constant 0 : i32
    return %c0_i32, %c0_i32_0 : i32, i32
  }
  func.func @transform_11(%arg0: i32) -> (i32, i32) {
    %c0_i32 = arith.constant 0 : i32
    %c0_i32_0 = arith.constant 0 : i32
    %c0_i32_1 = arith.constant 0 : i32
    return %c0_i32, %c0_i32_0 : i32, i32
  }
  func.func @transform_12(%arg0: i32) -> (i32, i32) {
    %c0_i32 = arith.constant 0 : i32
    %c0_i32_0 = arith.constant 0 : i32
    return %arg0, %c0_i32 : i32, i32
  }
}

module attributes {stable_mosaic.version = 14 : i64} {
  func.func @_s5_body(%arg0: i32, %arg1: memref<1000x16xf32, #tpu.memory_space<vmem>>, %arg2: memref<1000x16xf32, #tpu.memory_space<vmem>>, %arg3: memref<1000x16xf32, #tpu.memory_space<vmem>>, %arg4: memref<1x256xf32, #tpu.memory_space<vmem>>, %arg5: memref<1x256xf32, #tpu.memory_space<vmem>>, %arg6: memref<256x256xbf16, #tpu.memory_space<vmem>>, %arg7: memref<1x256xf32, #tpu.memory_space<vmem>>, %arg8: memref<256x8xbf16, #tpu.memory_space<vmem>>, %arg9: memref<1x8xf32, #tpu.memory_space<vmem>>, %arg10: memref<16x256xbf16, #tpu.memory_space<vmem>>, %arg11: memref<1x256xf32, #tpu.memory_space<vmem>>, %arg12: memref<256x256xbf16, #tpu.memory_space<vmem>>, %arg13: memref<1x256xf32, #tpu.memory_space<vmem>>, %arg14: memref<256x8xbf16, #tpu.memory_space<vmem>>, %arg15: memref<1x8xf32, #tpu.memory_space<vmem>>, %arg16: memref<8x8xbf16, #tpu.memory_space<vmem>>, %arg17: memref<8x4xf32, #tpu.memory_space<vmem>>, %arg18: memref<1x4xf32, #tpu.memory_space<vmem>>, %arg19: memref<1000x4xf32, #tpu.memory_space<vmem>>) attributes {dimension_semantics = [#tpu.dimension_semantics<arbitrary>], iteration_bounds = array<i64: 10>, scalar_prefetch = 0 : i64, scratch_operands = 0 : i64, tpu.core_type = #tpu.core_type<tc>, window_params = [{transform_indices = @transform_0, window_bounds = array<i64: 1000, 16>}, {transform_indices = @transform_1, window_bounds = array<i64: 1000, 16>}, {transform_indices = @transform_2, window_bounds = array<i64: 1000, 16>}, {pipeline_mode = #tpu.pipeline_mode<synchronous>, transform_indices = @transform_3, window_bounds = array<i64: 1, 256>}, {pipeline_mode = #tpu.pipeline_mode<synchronous>, transform_indices = @transform_4, window_bounds = array<i64: 1, 256>}, {pipeline_mode = #tpu.pipeline_mode<synchronous>, transform_indices = @transform_5, window_bounds = array<i64: 256, 256>}, {pipeline_mode = #tpu.pipeline_mode<synchronous>, transform_indices = @transform_6, window_bounds = array<i64: 1, 256>}, {pipeline_mode = #tpu.pipeline_mode<synchronous>, transform_indices = @transform_7, window_bounds = array<i64: 256, 8>}, {pipeline_mode = #tpu.pipeline_mode<synchronous>, transform_indices = @transform_8, window_bounds = array<i64: 1, 8>}, {pipeline_mode = #tpu.pipeline_mode<synchronous>, transform_indices = @transform_9, window_bounds = array<i64: 16, 256>}, {pipeline_mode = #tpu.pipeline_mode<synchronous>, transform_indices = @transform_10, window_bounds = array<i64: 1, 256>}, {pipeline_mode = #tpu.pipeline_mode<synchronous>, transform_indices = @transform_11, window_bounds = array<i64: 256, 256>}, {pipeline_mode = #tpu.pipeline_mode<synchronous>, transform_indices = @transform_12, window_bounds = array<i64: 1, 256>}, {pipeline_mode = #tpu.pipeline_mode<synchronous>, transform_indices = @transform_13, window_bounds = array<i64: 256, 8>}, {pipeline_mode = #tpu.pipeline_mode<synchronous>, transform_indices = @transform_14, window_bounds = array<i64: 1, 8>}, {pipeline_mode = #tpu.pipeline_mode<synchronous>, transform_indices = @transform_15, window_bounds = array<i64: 8, 8>}, {pipeline_mode = #tpu.pipeline_mode<synchronous>, transform_indices = @transform_16, window_bounds = array<i64: 8, 4>}, {pipeline_mode = #tpu.pipeline_mode<synchronous>, transform_indices = @transform_17, window_bounds = array<i64: 1, 4>}, {transform_indices = @transform_18, window_bounds = array<i64: 1000, 4>}]} {
    %get3A = arith.constant 0 : index
    %get3A_0 = arith.constant 0 : index
    %get3A_1 = vector.load %arg1[%get3A, %get3A_0] : memref<1000x16xf32, #tpu.memory_space<vmem>>, vector<1000x16xf32>
    %slice3A = vector.extract_strided_slice %get3A_1 {offsets = [0, 2], sizes = [1000, 4], strides = [1, 1]} : vector<1000x16xf32> to vector<1000x4xf32>
    %get3A_2 = arith.constant 0 : index
    %get3A_3 = arith.constant 0 : index
    %get3A_4 = vector.load %arg2[%get3A_2, %get3A_3] : memref<1000x16xf32, #tpu.memory_space<vmem>>, vector<1000x16xf32>
    %slice3A_5 = vector.extract_strided_slice %get3A_4 {offsets = [0, 2], sizes = [1000, 4], strides = [1, 1]} : vector<1000x16xf32> to vector<1000x4xf32>
    %add3A = arith.addf %slice3A, %slice3A_5 : vector<1000x4xf32>
    %get3A_6 = arith.constant 0 : index
    %get3A_7 = arith.constant 0 : index
    %get3A_8 = vector.load %arg3[%get3A_6, %get3A_7] : memref<1000x16xf32, #tpu.memory_space<vmem>>, vector<1000x16xf32>
    %slice3A_9 = vector.extract_strided_slice %get3A_8 {offsets = [0, 2], sizes = [1000, 4], strides = [1, 1]} : vector<1000x16xf32> to vector<1000x4xf32>
    %add3A_10 = arith.addf %add3A, %slice3A_9 : vector<1000x4xf32>
    %slice3A_11 = vector.extract_strided_slice %get3A_1 {offsets = [0, 6], sizes = [1000, 4], strides = [1, 1]} : vector<1000x16xf32> to vector<1000x4xf32>
    %slice3A_12 = vector.extract_strided_slice %add3A_10 {offsets = [0, 0], sizes = [1000, 1], strides = [1, 1]} : vector<1000x4xf32> to vector<1000x1xf32>
    %slice3A_13 = vector.extract_strided_slice %add3A_10 {offsets = [0, 1], sizes = [1000, 1], strides = [1, 1]} : vector<1000x4xf32> to vector<1000x1xf32>
    %slice3A_14 = vector.extract_strided_slice %add3A_10 {offsets = [0, 2], sizes = [1000, 1], strides = [1, 1]} : vector<1000x4xf32> to vector<1000x1xf32>
    %slice3A_15 = vector.extract_strided_slice %add3A_10 {offsets = [0, 3], sizes = [1000, 1], strides = [1, 1]} : vector<1000x4xf32> to vector<1000x1xf32>
    %mul3A = arith.mulf %slice3A_15, %slice3A_15 : vector<1000x1xf32>
    %mul3A_16 = arith.mulf %slice3A_12, %slice3A_12 : vector<1000x1xf32>
    %sub3A = arith.subf %mul3A, %mul3A_16 : vector<1000x1xf32>
    %mul3A_17 = arith.mulf %slice3A_13, %slice3A_13 : vector<1000x1xf32>
    %sub3A_18 = arith.subf %sub3A, %mul3A_17 : vector<1000x1xf32>
    %mul3A_19 = arith.mulf %slice3A_14, %slice3A_14 : vector<1000x1xf32>
    %sub3A_20 = arith.subf %sub3A_18, %mul3A_19 : vector<1000x1xf32>
    %jit3A = arith.constant 9.99999996E-13 : f32
    %max3A = vector.broadcast %jit3A : f32 to vector<1000x1xf32>
    %max3A_21 = arith.maximumf %max3A, %sub3A_20 : vector<1000x1xf32>
    %sqrt3A = math.sqrt %max3A_21 : vector<1000x1xf32>
    %get3A_22 = arith.constant 0 : index
    %get3A_23 = arith.constant 0 : index
    %get3A_24 = vector.load %arg4[%get3A_22, %get3A_23] : memref<1x256xf32, #tpu.memory_space<vmem>>, vector<1x256xf32>
    %mul3A_25 = vector.broadcast %sqrt3A : vector<1000x1xf32> to vector<1000x256xf32>
    %mul3A_26 = vector.broadcast %get3A_24 : vector<1x256xf32> to vector<1000x256xf32>
    %mul3A_27 = arith.mulf %mul3A_25, %mul3A_26 : vector<1000x256xf32>
    %get3A_28 = arith.constant 0 : index
    %get3A_29 = arith.constant 0 : index
    %get3A_30 = vector.load %arg5[%get3A_28, %get3A_29] : memref<1x256xf32, #tpu.memory_space<vmem>>, vector<1x256xf32>
    %add3A_31 = vector.broadcast %get3A_30 : vector<1x256xf32> to vector<1000x256xf32>
    %add3A_32 = arith.addf %mul3A_27, %add3A_31 : vector<1000x256xf32>
    %max3A_33 = arith.constant 0.000000e+00 : f32
    %max3A_34 = vector.broadcast %max3A_33 : f32 to vector<1000x256xf32>
    %max3A_35 = arith.maximumf %add3A_32, %max3A_34 : vector<1000x256xf32>
    %get3A_36 = arith.constant 0 : index
    %get3A_37 = arith.constant 0 : index
    %get3A_38 = vector.load %arg6[%get3A_36, %get3A_37] : memref<256x256xbf16, #tpu.memory_space<vmem>>, vector<256x256xbf16>
    %convert_element_type3A = arith.truncf %max3A_35 : vector<1000x256xf32> to vector<1000x256xbf16>
    %dot_general3A = arith.constant dense<0.000000e+00> : vector<1000x256xf32>
    %dot_general3A_39 = tpu.matmul %convert_element_type3A, %get3A_38, %dot_general3A {dimension_numbers = #tpu.dot_dimension_numbers<[1], [0], [0], [1], [0, 0, 1, 1], [], []>, transpose_lhs_hint = false} : vector<1000x256xbf16>, vector<256x256xbf16>, vector<1000x256xf32> -> vector<1000x256xf32>
    %get3A_40 = arith.constant 0 : index
    %get3A_41 = arith.constant 0 : index
    %get3A_42 = vector.load %arg7[%get3A_40, %get3A_41] : memref<1x256xf32, #tpu.memory_space<vmem>>, vector<1x256xf32>
    %add3A_43 = vector.broadcast %get3A_42 : vector<1x256xf32> to vector<1000x256xf32>
    %add3A_44 = arith.addf %dot_general3A_39, %add3A_43 : vector<1000x256xf32>
    %max3A_45 = arith.constant 0.000000e+00 : f32
    %max3A_46 = vector.broadcast %max3A_45 : f32 to vector<1000x256xf32>
    %max3A_47 = arith.maximumf %add3A_44, %max3A_46 : vector<1000x256xf32>
    %get3A_48 = arith.constant 0 : index
    %get3A_49 = arith.constant 0 : index
    %get3A_50 = vector.load %arg8[%get3A_48, %get3A_49] : memref<256x8xbf16, #tpu.memory_space<vmem>>, vector<256x8xbf16>
    %convert_element_type3A_51 = arith.truncf %max3A_47 : vector<1000x256xf32> to vector<1000x256xbf16>
    %dot_general3A_52 = arith.constant dense<0.000000e+00> : vector<1000x8xf32>
    %dot_general3A_53 = tpu.matmul %convert_element_type3A_51, %get3A_50, %dot_general3A_52 {dimension_numbers = #tpu.dot_dimension_numbers<[1], [0], [0], [1], [0, 0, 1, 1], [], []>, transpose_lhs_hint = false} : vector<1000x256xbf16>, vector<256x8xbf16>, vector<1000x8xf32> -> vector<1000x8xf32>
    %get3A_54 = arith.constant 0 : index
    %get3A_55 = arith.constant 0 : index
    %get3A_56 = vector.load %arg9[%get3A_54, %get3A_55] : memref<1x8xf32, #tpu.memory_space<vmem>>, vector<1x8xf32>
    %add3A_57 = vector.broadcast %get3A_56 : vector<1x8xf32> to vector<1000x8xf32>
    %add3A_58 = arith.addf %dot_general3A_53, %add3A_57 : vector<1000x8xf32>
    %concatenate3A = tpu.concatenate %add3A_58, %add3A_10, %slice3A_11 in 1 : vector<1000x8xf32>, vector<1000x4xf32>, vector<1000x4xf32> -> vector<1000x16xf32>
    %get3A_59 = arith.constant 0 : index
    %get3A_60 = arith.constant 0 : index
    %get3A_61 = vector.load %arg10[%get3A_59, %get3A_60] : memref<16x256xbf16, #tpu.memory_space<vmem>>, vector<16x256xbf16>
    %convert_element_type3A_62 = arith.truncf %concatenate3A : vector<1000x16xf32> to vector<1000x16xbf16>
    %dot_general3A_63 = arith.constant dense<0.000000e+00> : vector<1000x256xf32>
    %dot_general3A_64 = tpu.matmul %convert_element_type3A_62, %get3A_61, %dot_general3A_63 {dimension_numbers = #tpu.dot_dimension_numbers<[1], [0], [0], [1], [0, 0, 1, 1], [], []>, transpose_lhs_hint = false} : vector<1000x16xbf16>, vector<16x256xbf16>, vector<1000x256xf32> -> vector<1000x256xf32>
    %get3A_65 = arith.constant 0 : index
    %get3A_66 = arith.constant 0 : index
    %get3A_67 = vector.load %arg11[%get3A_65, %get3A_66] : memref<1x256xf32, #tpu.memory_space<vmem>>, vector<1x256xf32>
    %add3A_68 = vector.broadcast %get3A_67 : vector<1x256xf32> to vector<1000x256xf32>
    %add3A_69 = arith.addf %dot_general3A_64, %add3A_68 : vector<1000x256xf32>
    %max3A_70 = arith.constant 0.000000e+00 : f32
    %max3A_71 = vector.broadcast %max3A_70 : f32 to vector<1000x256xf32>
    %max3A_72 = arith.maximumf %add3A_69, %max3A_71 : vector<1000x256xf32>
    %get3A_73 = arith.constant 0 : index
    %get3A_74 = arith.constant 0 : index
    %get3A_75 = vector.load %arg12[%get3A_73, %get3A_74] : memref<256x256xbf16, #tpu.memory_space<vmem>>, vector<256x256xbf16>
    %convert_element_type3A_76 = arith.truncf %max3A_72 : vector<1000x256xf32> to vector<1000x256xbf16>
    %dot_general3A_77 = arith.constant dense<0.000000e+00> : vector<1000x256xf32>
    %dot_general3A_78 = tpu.matmul %convert_element_type3A_76, %get3A_75, %dot_general3A_77 {dimension_numbers = #tpu.dot_dimension_numbers<[1], [0], [0], [1], [0, 0, 1, 1], [], []>, transpose_lhs_hint = false} : vector<1000x256xbf16>, vector<256x256xbf16>, vector<1000x256xf32> -> vector<1000x256xf32>
    %get3A_79 = arith.constant 0 : index
    %get3A_80 = arith.constant 0 : index
    %get3A_81 = vector.load %arg13[%get3A_79, %get3A_80] : memref<1x256xf32, #tpu.memory_space<vmem>>, vector<1x256xf32>
    %add3A_82 = vector.broadcast %get3A_81 : vector<1x256xf32> to vector<1000x256xf32>
    %add3A_83 = arith.addf %dot_general3A_78, %add3A_82 : vector<1000x256xf32>
    %max3A_84 = arith.constant 0.000000e+00 : f32
    %max3A_85 = vector.broadcast %max3A_84 : f32 to vector<1000x256xf32>
    %max3A_86 = arith.maximumf %add3A_83, %max3A_85 : vector<1000x256xf32>
    %get3A_87 = arith.constant 0 : index
    %get3A_88 = arith.constant 0 : index
    %get3A_89 = vector.load %arg14[%get3A_87, %get3A_88] : memref<256x8xbf16, #tpu.memory_space<vmem>>, vector<256x8xbf16>
    %convert_element_type3A_90 = arith.truncf %max3A_86 : vector<1000x256xf32> to vector<1000x256xbf16>
    %dot_general3A_91 = arith.constant dense<0.000000e+00> : vector<1000x8xf32>
    %dot_general3A_92 = tpu.matmul %convert_element_type3A_90, %get3A_89, %dot_general3A_91 {dimension_numbers = #tpu.dot_dimension_numbers<[1], [0], [0], [1], [0, 0, 1, 1], [], []>, transpose_lhs_hint = false} : vector<1000x256xbf16>, vector<256x8xbf16>, vector<1000x8xf32> -> vector<1000x8xf32>
    %get3A_93 = arith.constant 0 : index
    %get3A_94 = arith.constant 0 : index
    %get3A_95 = vector.load %arg15[%get3A_93, %get3A_94] : memref<1x8xf32, #tpu.memory_space<vmem>>, vector<1x8xf32>
    %add3A_96 = vector.broadcast %get3A_95 : vector<1x8xf32> to vector<1000x8xf32>
    %add3A_97 = arith.addf %dot_general3A_92, %add3A_96 : vector<1000x8xf32>
    %get3A_98 = arith.constant 0 : index
    %get3A_99 = arith.constant 0 : index
    %get3A_100 = vector.load %arg16[%get3A_98, %get3A_99] : memref<8x8xbf16, #tpu.memory_space<vmem>>, vector<8x8xbf16>
    %convert_element_type3A_101 = arith.truncf %add3A_97 : vector<1000x8xf32> to vector<1000x8xbf16>
    %dot_general3A_102 = arith.constant dense<0.000000e+00> : vector<1000x8xf32>
    %dot_general3A_103 = tpu.matmul %convert_element_type3A_101, %get3A_100, %dot_general3A_102 {dimension_numbers = #tpu.dot_dimension_numbers<[1], [0], [0], [1], [0, 0, 1, 1], [], []>, transpose_lhs_hint = false} : vector<1000x8xbf16>, vector<8x8xbf16>, vector<1000x8xf32> -> vector<1000x8xf32>
    %get3A_104 = arith.constant 0 : index
    %get3A_105 = arith.constant 0 : index
    %get3A_106 = vector.load %arg17[%get3A_104, %get3A_105] : memref<8x4xf32, #tpu.memory_space<vmem>>, vector<8x4xf32>
    %dot_general3A_107 = arith.constant dense<0.000000e+00> : vector<1000x4xf32>
    %dot_general3A_108 = tpu.matmul %dot_general3A_103, %get3A_106, %dot_general3A_107 {dimension_numbers = #tpu.dot_dimension_numbers<[1], [0], [0], [1], [0, 0, 1, 1], [], []>, transpose_lhs_hint = false} : vector<1000x8xf32>, vector<8x4xf32>, vector<1000x4xf32> -> vector<1000x4xf32>
    %get3A_109 = arith.constant 0 : index
    %get3A_110 = arith.constant 0 : index
    %get3A_111 = vector.load %arg18[%get3A_109, %get3A_110] : memref<1x4xf32, #tpu.memory_space<vmem>>, vector<1x4xf32>
    %add3A_112 = vector.broadcast %get3A_111 : vector<1x4xf32> to vector<1000x4xf32>
    %add3A_113 = arith.addf %dot_general3A_108, %add3A_112 : vector<1000x4xf32>
    %swap3A = arith.constant 0 : index
    %swap3A_114 = arith.constant 0 : index
    %swap3A_115 = vector.load %arg19[%swap3A, %swap3A_114] : memref<1000x4xf32, #tpu.memory_space<vmem>>, vector<1000x4xf32>
    tpu.vector_store %arg19[%swap3A, %swap3A_114], %add3A_113 {strides = array<i32>} : memref<1000x4xf32, #tpu.memory_space<vmem>>, vector<1000x4xf32>,
    return
  }
  func.func @transform_0(%arg0: i32) -> (i32, i32) {
    %c0_i32 = arith.constant 0 : i32
    %c0_i32_0 = arith.constant 0 : i32
    return %arg0, %c0_i32 : i32, i32
  }
  func.func @transform_1(%arg0: i32) -> (i32, i32) {
    %c0_i32 = arith.constant 0 : i32
    %c0_i32_0 = arith.constant 0 : i32
    return %arg0, %c0_i32 : i32, i32
  }
  func.func @transform_2(%arg0: i32) -> (i32, i32) {
    %c0_i32 = arith.constant 0 : i32
    %c0_i32_0 = arith.constant 0 : i32
    return %arg0, %c0_i32 : i32, i32
  }
  func.func @transform_3(%arg0: i32) -> (i32, i32) {
    %c0_i32 = arith.constant 0 : i32
    %c0_i32_0 = arith.constant 0 : i32
    %c0_i32_1 = arith.constant 0 : i32
    return %c0_i32, %c0_i32_0 : i32, i32
  }
  func.func @transform_4(%arg0: i32) -> (i32, i32) {
    %c0_i32 = arith.constant 0 : i32
    %c0_i32_0 = arith.constant 0 : i32
    %c0_i32_1 = arith.constant 0 : i32
    return %c0_i32, %c0_i32_0 : i32, i32
  }
  func.func @transform_5(%arg0: i32) -> (i32, i32) {
    %c0_i32 = arith.constant 0 : i32
    %c0_i32_0 = arith.constant 0 : i32
    %c0_i32_1 = arith.constant 0 : i32
    return %c0_i32, %c0_i32_0 : i32, i32
  }
  func.func @transform_6(%arg0: i32) -> (i32, i32) {
    %c0_i32 = arith.constant 0 : i32
    %c0_i32_0 = arith.constant 0 : i32
    %c0_i32_1 = arith.constant 0 : i32
    return %c0_i32, %c0_i32_0 : i32, i32
  }
  func.func @transform_7(%arg0: i32) -> (i32, i32) {
    %c0_i32 = arith.constant 0 : i32
    %c0_i32_0 = arith.constant 0 : i32
    %c0_i32_1 = arith.constant 0 : i32
    return %c0_i32, %c0_i32_0 : i32, i32
  }
  func.func @transform_8(%arg0: i32) -> (i32, i32) {
    %c0_i32 = arith.constant 0 : i32
    %c0_i32_0 = arith.constant 0 : i32
    %c0_i32_1 = arith.constant 0 : i32
    return %c0_i32, %c0_i32_0 : i32, i32
  }
  func.func @transform_9(%arg0: i32) -> (i32, i32) {
    %c0_i32 = arith.constant 0 : i32
    %c0_i32_0 = arith.constant 0 : i32
    %c0_i32_1 = arith.constant 0 : i32
    return %c0_i32, %c0_i32_0 : i32, i32
  }
  func.func @transform_10(%arg0: i32) -> (i32, i32) {
    %c0_i32 = arith.constant 0 : i32
    %c0_i32_0 = arith.constant 0 : i32
    %c0_i32_1 = arith.constant 0 : i32
    return %c0_i32, %c0_i32_0 : i32, i32
  }
  func.func @transform_11(%arg0: i32) -> (i32, i32) {
    %c0_i32 = arith.constant 0 : i32
    %c0_i32_0 = arith.constant 0 : i32
    %c0_i32_1 = arith.constant 0 : i32
    return %c0_i32, %c0_i32_0 : i32, i32
  }
  func.func @transform_12(%arg0: i32) -> (i32, i32) {
    %c0_i32 = arith.constant 0 : i32
    %c0_i32_0 = arith.constant 0 : i32
    %c0_i32_1 = arith.constant 0 : i32
    return %c0_i32, %c0_i32_0 : i32, i32
  }
  func.func @transform_13(%arg0: i32) -> (i32, i32) {
    %c0_i32 = arith.constant 0 : i32
    %c0_i32_0 = arith.constant 0 : i32
    %c0_i32_1 = arith.constant 0 : i32
    return %c0_i32, %c0_i32_0 : i32, i32
  }
  func.func @transform_14(%arg0: i32) -> (i32, i32) {
    %c0_i32 = arith.constant 0 : i32
    %c0_i32_0 = arith.constant 0 : i32
    %c0_i32_1 = arith.constant 0 : i32
    return %c0_i32, %c0_i32_0 : i32, i32
  }
  func.func @transform_15(%arg0: i32) -> (i32, i32) {
    %c0_i32 = arith.constant 0 : i32
    %c0_i32_0 = arith.constant 0 : i32
    %c0_i32_1 = arith.constant 0 : i32
    return %c0_i32, %c0_i32_0 : i32, i32
  }
  func.func @transform_16(%arg0: i32) -> (i32, i32) {
    %c0_i32 = arith.constant 0 : i32
    %c0_i32_0 = arith.constant 0 : i32
    %c0_i32_1 = arith.constant 0 : i32
    return %c0_i32, %c0_i32_0 : i32, i32
  }
  func.func @transform_17(%arg0: i32) -> (i32, i32) {
    %c0_i32 = arith.constant 0 : i32
    %c0_i32_0 = arith.constant 0 : i32
    %c0_i32_1 = arith.constant 0 : i32
    return %c0_i32, %c0_i32_0 : i32, i32
  }
  func.func @transform_18(%arg0: i32) -> (i32, i32) {
    %c0_i32 = arith.constant 0 : i32
    %c0_i32_0 = arith.constant 0 : i32
    return %arg0, %c0_i32 : i32, i32
  }
}

</mosaic_0001>

<sc_bundles>
// kernel: kernel.11.cloned.1.call-start
scs
__scs_entry_jumppad:
0x0: {  	(pc) =	sbr.rel $0x88, $3  }
0x1: {  	(tag) =	ssettag $0x0;
	lr =	simm.s32 $0x1  }
0x2: {  	[smem:$0x3F4A] =	sst lr;
	_ =	strace $0xD0000000  }
0x3: {  	_ = 	snop  }
0x4: {  	_ = 	snop  }
0x5: {  	_ = 	snop  }
0x6: {  	_ = 	snop  }
0x7: {  	_ = 	snop  }
__scs_overlays_trampoline_lowered:
0x8: {  	[smem:$0x3F59] =	sst s0  }
0x9: {  	[smem:$0x3F5A] =	sst s1  }
0xa: {  	[smem:$0x3F5B] =	sst s2  }
0xb: {  	[smem:$0x3F5C] =	sst s3  }
0xc: {  	[smem:$0x3F5D] =	sst s4  }
0xd: {  	[smem:$0x3F5E] =	sst s5  }
0xe: {  	[smem:$0x3F5F] =	sst s6  }
0xf: {  	[smem:$0x3F60] =	sst s7  }
0x10: {  	[smem:$0x3F61] =	sst s8  }
0x11: {  	[smem:$0x3F62] =	sst s9;
	s0 =	simm.s32 @!p0 $0x0  }
0x12: {  	s1 =	sld [smem:$0x3F48];
	s0 =	simm.s32 @p0 $0x1  }
0x13: {  	[smem:$0x3F63] =	sst s0;
	s0 =	simm.s32 @!p1 $0x0  }
0x14: {  	s2 =	sld [smem:$0x3F47];
	s0 =	simm.s32 @p1 $0x1  }
0x15: {  	[smem:$0x3F64] =	sst s0;
	s0 =	simm.s32 @!p2 $0x0  }
0x16: {  	s3 =	sld [smem:$0x3FDB];
	s0 =	simm.s32 @p2 $0x1  }
0x17: {  	s4 =	simm.s32 $0x1BF5;
	[smem:$0x3F66] =	sst s0  }
0x18: {  	s0 =	sld [smem:$0x3F49];
	_ =	swait.ge [sflag:s4], $0x0  }
0x19: {  	s7 =	sld [smem:$0x3F4A]  }
0x1a: {  	s8 =	sadd.s32 $0xFFFFE003, lr  }
0x1b: {  	s9 =	sadd.s32 $0xFFFFFEF7, lr;
	s5 =	simm.s32 $0xFFFFFFFF;
	p2 =	slt.u32 s8, $0xFFFFF086  }
0x1c: {  	p1 =	slt.u32 s9, $0xF7A;
	s5 =	simm.s32 @!p2 $0x0  }
0x1d: {  	s5 =	simm.s32 @p1 $0x1;
	p0 =	seq.s32 s7, s2  }
0x1e: {  	s7 =	smul.u32 @!p0 $0xF7A, s2;
	p2 =	seq.s32 @!p0 s5, $0x0  }
0x1f: {  	s9 =	smul.u32 $0xF7A, s1;
	s8 =	simm.s32 @!p0 $0x1BF5;
	p2 =	por !p2, p0  }
0x20: {  	[sflag:s8] =	ssyncset.s32 @!p0 $0xFFFFF086;
	s6 =	sadd.s32 @!p0 s3, s7;
	s7 =	simm.s32 @!p0 $0x108  }
0x21: {  	s3 =	sadd.s32 s3, s9;
	s6 =	sadd.s32 @!p0 $0x88, s6;
	s7 =	simm.s32 @p2 $0x1082  }
0x22: {  	[simem:s7], [sflag:s8] =	dma.local @!p0 [hbm:s6], $0xF7A  }
0x23: {  	s9 =	sor.u32 $0xD0000000, s2;
	s6 =	simm.s32 $0x108;
	_ =	swait.ge @!p0 [sflag:s8], $0x0  }
0x24: {  	s3 =	sadd.s32 $0x88, s3;
	s6 =	simm.s32 @!p1 $0x1082;
	[sflag:s4] =	ssyncset.s32 $0xFFFFF086  }
0x25: {  	[simem:s6], [sflag:s4] =	dma.local [hbm:s3], $0xF7A  }
0x26: {  	[smem:$0x3F4A] =	sst s1;
	(tag) =	ssettag s2;
	_ =	strace s9  }
0x27: {  	s1 =	sld [smem:$0x3F5A]  }
0x28: {  	s2 =	sld [smem:$0x3F5B]  }
0x29: {  	s4 =	sld [smem:$0x3F5D]  }
0x2a: {  	p0 =	seq.s32 s5, $0x0;
	s5 =	sld [smem:$0x3F5E]  }
0x2b: {  	s6 =	sld [smem:$0x3F5F]  }
0x2c: {  	s7 =	sld [smem:$0x3F60]  }
0x2d: {  	s3 =	simm.s32 $0x108;
	s8 =	sld [smem:$0x3F61]  }
0x2e: {  	s3 =	simm.s32 @!p0 $0x1082;
	s9 =	sld [smem:$0x3F62]  }
0x2f: {  	lr =	sadd.s32 s0, s3;
	s0 =	sld [smem:$0x3F59]  }
0x30: {  	s3 =	sld [smem:$0x3F5C]  }
0x31: {  	[smem:$0x3F65] =	sst s10  }
0x32: {  	s10 =	sld [smem:$0x3F63];
	_ =	sdelay $0x3  }
0x33: {  	p0 =	seq.s32 s10, $0x1;
	s10 =	sld [smem:$0x3F65];
	_ =	sdelay $0x3  }
0x34: {  	[smem:$0x3F65] =	sst s10  }
0x35: {  	s10 =	sld [smem:$0x3F64];
	_ =	sdelay $0x3  }
0x36: {  	p1 =	seq.s32 s10, $0x1;
	s10 =	sld [smem:$0x3F65];
	_ =	sdelay $0x3  }
0x37: {  	[smem:$0x3F65] =	sst s10  }
0x38: {  	s10 =	sld [smem:$0x3F66]  }
0x39: {  	_ = 	snop;
	(pc) =	sbr.ind lr, $3  }
0x3a: {  	_ = 	snop  }
0x3b: {  	_ = 	snop  }
0x3c: {  	p2 =	seq.s32 s10, $0x1;
	s10 =	sld [smem:$0x3F65]  }
0x3d: {  	_ =	shalt  }
0x3e: {  	_ =	shalt  }
0x3f: {  	_ =	shalt  }
0x40: {  	_ =	shalt  }
0x41: {  	_ =	shalt  }
0x42: {  	_ =	shalt  }
0x43: {  	_ =	shalt  }
0x44: {  	_ =	shalt  }
0x45: {  	_ =	shalt  }
0x46: {  	_ =	shalt  }
0x47: {  	_ =	shalt  }
0x48: {  	_ =	shalt  }
0x49: {  	_ =	shalt  }
0x4a: {  	_ =	shalt  }
0x4b: {  	_ =	shalt  }
0x4c: {  	_ =	shalt  }
0x4d: {  	_ =	shalt  }
0x4e: {  	_ =	shalt  }
0x4f: {  	_ =	shalt  }
0x50: {  	_ =	shalt  }
0x51: {  	_ =	shalt  }
0x52: {  	_ =	shalt  }
0x53: {  	_ =	shalt  }
0x54: {  	_ =	shalt  }
0x55: {  	_ =	shalt  }
0x56: {  	_ =	shalt  }
0x57: {  	_ =	shalt  }
0x58: {  	_ =	shalt  }
0x59: {  	_ =	shalt  }
0x5a: {  	_ =	shalt  }
0x5b: {  	_ =	shalt  }
0x5c: {  	_ =	shalt  }
0x5d: {  	_ =	shalt  }
0x5e: {  	_ =	shalt  }
0x5f: {  	_ =	shalt  }
0x60: {  	_ =	shalt  }
0x61: {  	_ =	shalt  }
0x62: {  	_ =	shalt  }
0x63: {  	_ =	shalt  }
0x64: {  	_ =	shalt  }
0x65: {  	_ =	shalt  }
0x66: {  	_ =	shalt  }
0x67: {  	_ =	shalt  }
0x68: {  	_ =	shalt  }
0x69: {  	_ =	shalt  }
0x6a: {  	_ =	shalt  }
0x6b: {  	_ =	shalt  }
0x6c: {  	_ =	shalt  }
0x6d: {  	_ =	shalt  }
0x6e: {  	_ =	shalt  }
0x6f: {  	_ =	shalt  }
0x70: {  	_ =	shalt  }
0x71: {  	_ =	shalt  }
0x72: {  	_ =	shalt  }
0x73: {  	_ =	shalt  }
0x74: {  	_ =	shalt  }
0x75: {  	_ =	shalt  }
0x76: {  	_ =	shalt  }
0x77: {  	_ =	shalt  }
0x78: {  	_ =	shalt  }
0x79: {  	_ =	shalt  }
0x7a: {  	_ =	shalt  }
0x7b: {  	_ =	shalt  }
0x7c: {  	_ =	shalt  }
0x7d: {  	_ =	shalt  }
0x7e: {  	_ =	shalt  }
0x7f: {  	_ =	shalt  }
0x80: {  	_ =	shalt  }
0x81: {  	_ =	shalt  }
0x82: {  	_ =	shalt  }
0x83: {  	_ =	shalt  }
0x84: {  	_ =	shalt  }
0x85: {  	_ =	shalt  }
0x86: {  	_ =	shalt  }
0x87: {  	_ =	shalt  }
.Lfunc_end0:
.L_simem_size_0:
called_computation.1_lowered:
.L_overlay_start_0:
0x88: {  	s2 =	sld [smem:$0x3FD9]  }
0x89: {  	s3 =	sld [smem:$0x3FFE];
	_ =	sdelay $0x1  }
0x8a: {  	s1 =	srdreg.scid  }
0x8b: {  	s0 =	sand.u32 $0x1, s1  }
0x8c: {  	s16 =	sshll.u32 s0, $0xA;
	s2 =	sadd.s32 s3, s2  }
0x8d: {  	s2 =	sadd.s32 s2, s16  }
0x8e: {  	[smem:$0x3F71] =	sst s2  }
0x8f: {  	_ = 	snop  }
0x90: {  	(tm) =	ssettm $0x1  }
0x91: {  	s17 =	sld [smem:$0x3FFB];
	_ =	sdelay $0x3  }
0x92: {  	_ =	strace s17  }
0x93: {  	s2 =	sld [smem:$0x3FFC];
	_ =	sdelay $0x3  }
0x94: {  	_ =	strace s2  }
0x95: {  	s2 =	sld [smem:$0x3FFD];
	_ =	sdelay $0x3  }
0x96: {  	_ =	strace s2  }
0x97: {  	_ =	strace $0x8FFFFFFF  }
0x98: {  	s18 =	sld [smem:$0x3FDB];
	_ =	sdelay $0x1  }
0x99: {  	s19 =	simm.s32 $_scs_section_size  }
0x9a: {  	s4 =	simm.s32 $_size__tile_overlayer_lowered;
	s5 =	simm.s32 $_tile_overlayer_lowered  }
0x9b: {  	s22 =	simm.s32 $0x1BFF;
	s21 =	sshll.u32 s5, $0x1;
	s2 =	sadd.s32 s19, s18  }
0x9c: {  	s6 =	simm.s32 $0x0;
	s20 =	sshll.u32 s4, $0x1;
	s4 =	sadd.s32 s21, s2  }
0x9d: {  	[timem:s6], [sflag:s22] =	dma.local [hbm:s4], s20  }
0x9e: {  	_ =	swait.ge [sflag:s22], s20  }
0x9f: {  	s3 =	ssub.s32 $0x0, s20;
	[sflag:s22] =	ssyncset.done $0x0  }
0xa0: {  	[sflag:s22] =	ssyncadd.s32 s3;
	_ =	sdelay $0x1  }
0xa1: {  	s23 =	simm.s32 $0x1B8B  }
0xa2: {  	_ =	swait.ge [sflag:s23], $0x1  }
0xa3: {  	[sflag:s23] =	ssyncset.done $0x0  }
0xa4: {  	s25 =	simm.s32 $0x1B8E;
	s24 =	sld [smem:$0x3FFE];
	[sflag:s23] =	ssyncadd.s32 $0xFFFFFFFF  }
0xa5: {  	s26 =	simm.s32 $execute0_lowered;
	[smem:$0x3FD2] =	sst s25  }
0xa6: {  	s4 =	sshll.u32 s26, $0x1;
	_ =	strace $0x80000049;
	[dreg:$0x1] =	wrdreg $0xFFFFFFFF  }
0xa7: {  	s28 =	simm.s32 $_size_execute0_lowered;
	s2 =	sadd.s32 s2, s4;
	[dreg:$0x0] =	wrdreg $0x0  }
0xa8: {  	s4 =	sshll.u32 s28, $0x1;
	[dreg:$0x2] =	wrdreg s2  }
0xa9: {  	[dreg:$0x3] =	wrdreg s4  }
0xaa: {  	[dreg:$0x4] =	wrdreg $0xC0  }
0xab: {  	_ =	task [dreg:s6], $0x5FFFF  }
0xac: {  	[dreg:$0x1] =	wrdreg $0xFFFFFFFF  }
0xad: {  	[dreg:$0x0] =	wrdreg $0x60  }
0xae: {  	[dreg:$0x2] =	wrdreg s24  }
0xaf: {  	[dreg:$0x3] =	wrdreg $0x84D00  }
0xb0: {  	[dreg:$0x4] =	wrdreg $0x9  }
0xb1: {  	_ =	task.clear_ibuf [dreg:s6], $0x5FFFF;
	_ =	strace $0x90000049  }
0xb2: {  	s29 =	simm.s32 $0x9;
	_ =	strace $0x8000004B  }
0xb3: {  	_ =	swait.ge [sflag:s29], $0x1  }
0xb4: {  	[sflag:s29] =	ssyncadd.s32 $0xFFFFFFFF  }
0xb5: {  	_ =	strace $0x9000004B  }
0xb6: {  	_ =	sfence  }
0xb7: {  	s30 =	sld [smem:$0x0];
	_ =	sdelay $0x2  }
0xb8: {  	s31 =	sshll.u32 s1, $0xD;
	s1 =	sshrl.u32 s1, $0x2  }
0xb9: {  	s3 =	sand.u32 $0x4000, s31;
	s1 =	sadd.s32 s1, s30  }
0xba: {  	s0 =	sor.u32 s3, s0;
	s1 =	sshll.u32 s1, $0x11  }
0xbb: {  	s0 =	sor.u32 s1, s0  }
0xbc: {  	s0 =	sadd.s32 $0x8F2B, s0  }
0xbd: {  	[sflag:s0] =	ssyncadd.remote.s32 $0x1  }
0xbe: {  	_ =	sfence.sel $0xFFFF  }
0xbf: {  	[dreg:$0x0] =	wrdreg $0xFFFFFFFF;
	(pc) =	sbr.abs _section_cstart, $3  }
0xc0: {  	[dreg:$0x1] =	wrdreg $0xFFFFFFFF  }
0xc1: {  	_ =	task.clear_ibuf [dreg:s6], $0x2FFFF;
	_ =	strace $0x9FFFFFFF  }
0xc2: {  	(tm) =	ssettm $0x7FFFFFFF  }
0xc3: {  	_ =	shalt  }
tec
execute0_lowered:
.L_overlay_start_1:
0x0: {  	(tag) =	ssettag $0x1  }
0x1: {  	s3 =	rddreg [dreg:$0x0]  }
0x2: {  	s1 =	rddreg [dreg:$0x1]  }
0x3: {  	s0 =	rddreg [dreg:$0x2]  }
0x4: {  	s2 =	simm.s32 $0x0;
	s4 =	srdreg.scid;
	s5 =	stileid.u32  }
0x5: {  	p1 =	por $0x0, $0x0;
	[smem:$0x7FF] =	sst s2;
	s6 =	sadd.s32 $0x11E800, s3  }
0x6: {  	s4 =	sand.u32 $0x1, s4;
	s7 =	sshll.u32 s5, $0x1;
	s19 =	sadd.s32 $0x11400, s3  }
0x7: {  	s8 =	smul.u32 $0x4E20, s4;
	s9 =	ssub.s32 $0x2, s4;
	s4 =	sor.u32 s4, s7  }
0x8: {  	p0 =	sne.s32 s5, $0x0;
	s5 =	simm.s32 $0x1;
	s18 =	smul.u32 $0x2710, s4  }
0x9: {  	s10 =	sshrl.u32 s9, $0x1;
	s4 =	smul.u32 $0x4E20, s4;
	s3 =	sadd.s32 s8, s3  }
0xa: {  	_ =	strace $0x8000004A;
	s20 =	ssub.s32 s9, s10;
	s17 =	sadd.s32 $0x1B200, s3  }
0xb: {  	s21 =	sshrl.u32 s18, $0x3;
	s22 =	sadd.s32 $0x7D0, s18;
	s15 =	sadd.s32 s6, s4  }
0xc: {  	s25 =	sadd.s32 $0xFA0, s18;
	s28 =	sadd.s32 $0x1770, s18;
	s18 =	sadd.s32 $0x1F40, s18  }
0xd: {  	s8 =	smax.u32 s20, $0x1;
	s3 =	sadd.s32 $0x25000, s3;
	s16 =	sadd.s32 s19, s21  }
0xe: {  	s23 =	sshrl.u32 s22, $0x3;
	s24 =	sshll.u32 s22, $0x1;
	s20 =	sadd.s32 $0xFFFFFFFF, s8  }
0xf: {  	s26 =	sshrl.u32 s25, $0x3;
	s9 =	sshll.u32 s25, $0x1;
	p2 =	sne.s32 s20, $0x0  }
.Ltmp0:
0x10: {  	s29 =	sshrl.u32 s28, $0x3;
	s4 =	sshll.u32 s28, $0x1;
	(pc) =	sbr.rel @!p2 .LBB2_3-.Ltmp0, $4  }
0x11: {  	s30 =	sshrl.u32 s18, $0x3;
	s31 =	sshll.u32 s18, $0x1;
	s8 =	simm.s32 $0x7D0  }
0x12: {  	s14 =	sadd.s32 s19, s23;
	s13 =	sadd.s32 s6, s24;
	s12 =	sadd.s32 s19, s26  }
0x13: {  	s11 =	sadd.s32 s6, s9;
	s10 =	sadd.s32 s19, s29;
	s9 =	sadd.s32 s6, s4  }
0x14: {  	s7 =	sadd.s32 s19, s30;
	s6 =	sadd.s32 s6, s31;
	s4 =	sshrl.u32 @!p0 s1, $0x3  }
0x15: {  	s19 =	simm.s32 @!p0 $0x1C01;
	s18 =	simm.s32 @!p0 $0x1  }
0x16: {  	[spmem:s4], [sflag:s19] =	dma.local @!p0 [hbm:s17], $0x4E20  }
0x17: {  	_ =	swait.ge @!p0 [sflag:s18], $0x4E20  }
0x18: {  	[sflag:s18] =	ssyncset.done @!p0 $0x0  }
0x19: {  	[sflag:s18] =	ssyncadd.s32 @!p0 $0xFFFFB1E0  }
0x1a: {  	[bflag:$0x0] =	sbarrier.arrive $0xFFFF  }
0x1b: {  	[tilespmem:s2], [sflag:$0x1] =	stream.linear.gather [hbm4b:s16+s2], $0x7D0, $0x38;
	[tilespmem:$0xABE0] =	vst v63  }
0x1c: {  	_ =	swait.ge [sflag:s5], $0x7D0  }
0x1d: {  	[sflag:s5] =	ssyncset.done $0x0  }
0x1e: {  	[sflag:s5] =	ssyncadd.s32 $0xFFFFF830  }
0x1f: {  	[tilespmem:s8], [sflag:$0x1] =	stream.linear.gather [hbm4b:s15+s2], $0x7D00, $0x38;
	[tilespmem:$0xABE0] =	vst v63  }
0x20: {  	_ =	swait.ge [sflag:s5], $0x7D00  }
0x21: {  	[sflag:s5] =	ssyncset.done $0x0  }
0x22: {  	[sflag:s5] =	ssyncadd.s32 $0xFFFF8300  }
0x23: {  	[spmem:s1] =	stream.indirect.scatter.add.f32 [tilespmem:s8], [sflag:$0x1], $0x10, s2, s8, $0xb8;
	[tilespmem:$0xABE0] =	vst v63  }
0x24: {  	_ =	swait.ge [sflag:s5], $0x7D00  }
0x25: {  	[sflag:s5] =	ssyncset.done $0x0  }
0x26: {  	[sflag:s5] =	ssyncadd.s32 $0xFFFF8300  }
0x27: {  	[tilespmem:s2], [sflag:$0x1] =	stream.linear.gather [hbm4b:s14+s2], $0x7D0, $0x38;
	[tilespmem:$0xABE0] =	vst v63  }
0x28: {  	_ =	swait.ge [sflag:s5], $0x7D0  }
0x29: {  	[sflag:s5] =	ssyncset.done $0x0  }
0x2a: {  	[sflag:s5] =	ssyncadd.s32 $0xFFFFF830  }
0x2b: {  	[tilespmem:s8], [sflag:$0x1] =	stream.linear.gather [hbm4b:s13+s2], $0x7D00, $0x38;
	[tilespmem:$0xABE0] =	vst v63  }
0x2c: {  	_ =	swait.ge [sflag:s5], $0x7D00  }
0x2d: {  	[sflag:s5] =	ssyncset.done $0x0  }
0x2e: {  	[sflag:s5] =	ssyncadd.s32 $0xFFFF8300  }
0x2f: {  	[spmem:s1] =	stream.indirect.scatter.add.f32 [tilespmem:s8], [sflag:$0x1], $0x10, s2, s8, $0xb8;
	[tilespmem:$0xABE0] =	vst v63  }
0x30: {  	_ =	swait.ge [sflag:s5], $0x7D00  }
0x31: {  	[sflag:s5] =	ssyncset.done $0x0  }
0x32: {  	[sflag:s5] =	ssyncadd.s32 $0xFFFF8300  }
0x33: {  	[tilespmem:s2], [sflag:$0x1] =	stream.linear.gather [hbm4b:s12+s2], $0x7D0, $0x38;
	[tilespmem:$0xABE0] =	vst v63  }
0x34: {  	_ =	swait.ge [sflag:s5], $0x7D0  }
0x35: {  	[sflag:s5] =	ssyncset.done $0x0  }
0x36: {  	[sflag:s5] =	ssyncadd.s32 $0xFFFFF830  }
0x37: {  	[tilespmem:s8], [sflag:$0x1] =	stream.linear.gather [hbm4b:s11+s2], $0x7D00, $0x38;
	[tilespmem:$0xABE0] =	vst v63  }
0x38: {  	_ =	swait.ge [sflag:s5], $0x7D00  }
0x39: {  	[sflag:s5] =	ssyncset.done $0x0  }
0x3a: {  	[sflag:s5] =	ssyncadd.s32 $0xFFFF8300  }
0x3b: {  	[spmem:s1] =	stream.indirect.scatter.add.f32 [tilespmem:s8], [sflag:$0x1], $0x10, s2, s8, $0xb8;
	[tilespmem:$0xABE0] =	vst v63  }
0x3c: {  	_ =	swait.ge [sflag:s5], $0x7D00  }
0x3d: {  	[sflag:s5] =	ssyncset.done $0x0  }
0x3e: {  	[sflag:s5] =	ssyncadd.s32 $0xFFFF8300  }
0x3f: {  	[tilespmem:s2], [sflag:$0x1] =	stream.linear.gather [hbm4b:s10+s2], $0x7D0, $0x38;
	[tilespmem:$0xABE0] =	vst v63  }
0x40: {  	_ =	swait.ge [sflag:s5], $0x7D0  }
0x41: {  	[sflag:s5] =	ssyncset.done $0x0  }
0x42: {  	[sflag:s5] =	ssyncadd.s32 $0xFFFFF830  }
0x43: {  	[tilespmem:s8], [sflag:$0x1] =	stream.linear.gather [hbm4b:s9+s2], $0x7D00, $0x38;
	[tilespmem:$0xABE0] =	vst v63  }
0x44: {  	_ =	swait.ge [sflag:s5], $0x7D00  }
0x45: {  	[sflag:s5] =	ssyncset.done $0x0  }
0x46: {  	[sflag:s5] =	ssyncadd.s32 $0xFFFF8300  }
0x47: {  	[spmem:s1] =	stream.indirect.scatter.add.f32 [tilespmem:s8], [sflag:$0x1], $0x10, s2, s8, $0xb8;
	[tilespmem:$0xABE0] =	vst v63  }
0x48: {  	_ =	swait.ge [sflag:s5], $0x7D00  }
0x49: {  	[sflag:s5] =	ssyncset.done $0x0  }
0x4a: {  	[sflag:s5] =	ssyncadd.s32 $0xFFFF8300  }
0x4b: {  	[tilespmem:s2], [sflag:$0x1] =	stream.linear.gather [hbm4b:s7+s2], $0x7D0, $0x38;
	[tilespmem:$0xABE0] =	vst v63  }
0x4c: {  	_ =	swait.ge [sflag:s5], $0x7D0  }
0x4d: {  	[sflag:s5] =	ssyncset.done $0x0  }
0x4e: {  	[sflag:s5] =	ssyncadd.s32 $0xFFFFF830  }
0x4f: {  	[tilespmem:s8], [sflag:$0x1] =	stream.linear.gather [hbm4b:s6+s2], $0x7D00, $0x38;
	[tilespmem:$0xABE0] =	vst v63  }
0x50: {  	_ =	swait.ge [sflag:s5], $0x7D00  }
0x51: {  	[sflag:s5] =	ssyncset.done $0x0  }
0x52: {  	[sflag:s5] =	ssyncadd.s32 $0xFFFF8300  }
0x53: {  	[spmem:s1] =	stream.indirect.scatter.add.f32 [tilespmem:s8], [sflag:$0x1], $0x10, s2, s8, $0xb8;
	[tilespmem:$0xABE0] =	vst v63  }
0x54: {  	s20 =	sadd.s32 $0xFFFFFFFF, s20;
	_ =	swait.ge [sflag:s5], $0x7D00  }
0x55: {  	p2 =	sne.s32 s20, $0x0;
	[sflag:s5] =	ssyncset.done $0x0  }
.Ltmp1:
0x56: {  	[sflag:s5] =	ssyncadd.s32 $0xFFFF8300;
	(pc) =	sbr.rel @!p2 .LBB2_3-.Ltmp1, $4  }
0x57: {  	[bflag:$0x0] =	sbarrier.arrive $0xFFFF  }
0x58: {  	[hbm:s3], [sflag:s19] =	dma.local @!p0 [spmem:s4], $0x4E20  }
0x59: {  	_ =	swait.ge @!p0 [sflag:s18], $0x4E20  }
0x5a: {  	p1 =	por $0x1, $0x1;
	[sflag:s18] =	ssyncset.done @!p0 $0x0  }
.LBB2_2:
0x5b: {  	[sflag:s18] =	ssyncadd.s32 @!p0 $0xFFFFB1E0  }
0x5c: {  	[spmem:s4], [sflag:s19] =	dma.local @!p0 [hbm:s17], $0x4E20  }
0x5d: {  	s20 =	sadd.s32 $0xFFFFFFFF, s20;
	_ =	swait.ge @!p0 [sflag:s18], $0x4E20  }
0x5e: {  	p2 =	sne.s32 s20, $0x0;
	[sflag:s18] =	ssyncset.done @!p0 $0x0  }
0x5f: {  	[sflag:s18] =	ssyncadd.s32 @!p0 $0xFFFFB1E0  }
0x60: {  	[bflag:$0x0] =	sbarrier.arrive $0xFFFF  }
0x61: {  	[tilespmem:s2], [sflag:$0x1] =	stream.linear.gather [hbm4b:s16+s2], $0x7D0, $0x38;
	[tilespmem:$0xABE0] =	vst v63  }
0x62: {  	_ =	swait.ge [sflag:s5], $0x7D0  }
0x63: {  	[sflag:s5] =	ssyncset.done $0x0  }
0x64: {  	[sflag:s5] =	ssyncadd.s32 $0xFFFFF830  }
0x65: {  	[tilespmem:s8], [sflag:$0x1] =	stream.linear.gather [hbm4b:s15+s2], $0x7D00, $0x38;
	[tilespmem:$0xABE0] =	vst v63  }
0x66: {  	_ =	swait.ge [sflag:s5], $0x7D00  }
0x67: {  	[sflag:s5] =	ssyncset.done $0x0  }
0x68: {  	[sflag:s5] =	ssyncadd.s32 $0xFFFF8300  }
0x69: {  	[spmem:s1] =	stream.indirect.scatter.add.f32 [tilespmem:s8], [sflag:$0x1], $0x10, s2, s8, $0xb8;
	[tilespmem:$0xABE0] =	vst v63  }
0x6a: {  	_ =	swait.ge [sflag:s5], $0x7D00  }
0x6b: {  	[sflag:s5] =	ssyncset.done $0x0  }
0x6c: {  	[sflag:s5] =	ssyncadd.s32 $0xFFFF8300  }
0x6d: {  	[tilespmem:s2], [sflag:$0x1] =	stream.linear.gather [hbm4b:s14+s2], $0x7D0, $0x38;
	[tilespmem:$0xABE0] =	vst v63  }
0x6e: {  	_ =	swait.ge [sflag:s5], $0x7D0  }
0x6f: {  	[sflag:s5] =	ssyncset.done $0x0  }
0x70: {  	[sflag:s5] =	ssyncadd.s32 $0xFFFFF830  }
0x71: {  	[tilespmem:s8], [sflag:$0x1] =	stream.linear.gather [hbm4b:s13+s2], $0x7D00, $0x38;
	[tilespmem:$0xABE0] =	vst v63  }
0x72: {  	_ =	swait.ge [sflag:s5], $0x7D00  }
0x73: {  	[sflag:s5] =	ssyncset.done $0x0  }
0x74: {  	[sflag:s5] =	ssyncadd.s32 $0xFFFF8300  }
0x75: {  	[spmem:s1] =	stream.indirect.scatter.add.f32 [tilespmem:s8], [sflag:$0x1], $0x10, s2, s8, $0xb8;
	[tilespmem:$0xABE0] =	vst v63  }
0x76: {  	_ =	swait.ge [sflag:s5], $0x7D00  }
0x77: {  	[sflag:s5] =	ssyncset.done $0x0  }
0x78: {  	[sflag:s5] =	ssyncadd.s32 $0xFFFF8300  }
0x79: {  	[tilespmem:s2], [sflag:$0x1] =	stream.linear.gather [hbm4b:s12+s2], $0x7D0, $0x38;
	[tilespmem:$0xABE0] =	vst v63  }
0x7a: {  	_ =	swait.ge [sflag:s5], $0x7D0  }
0x7b: {  	[sflag:s5] =	ssyncset.done $0x0  }
0x7c: {  	[sflag:s5] =	ssyncadd.s32 $0xFFFFF830  }
0x7d: {  	[tilespmem:s8], [sflag:$0x1] =	stream.linear.gather [hbm4b:s11+s2], $0x7D00, $0x38;
	[tilespmem:$0xABE0] =	vst v63  }
0x7e: {  	_ =	swait.ge [sflag:s5], $0x7D00  }
0x7f: {  	[sflag:s5] =	ssyncset.done $0x0  }
0x80: {  	[sflag:s5] =	ssyncadd.s32 $0xFFFF8300  }
0x81: {  	[spmem:s1] =	stream.indirect.scatter.add.f32 [tilespmem:s8], [sflag:$0x1], $0x10, s2, s8, $0xb8;
	[tilespmem:$0xABE0] =	vst v63  }
0x82: {  	_ =	swait.ge [sflag:s5], $0x7D00  }
0x83: {  	[sflag:s5] =	ssyncset.done $0x0  }
0x84: {  	[sflag:s5] =	ssyncadd.s32 $0xFFFF8300  }
0x85: {  	[tilespmem:s2], [sflag:$0x1] =	stream.linear.gather [hbm4b:s10+s2], $0x7D0, $0x38;
	[tilespmem:$0xABE0] =	vst v63  }
0x86: {  	_ =	swait.ge [sflag:s5], $0x7D0  }
0x87: {  	[sflag:s5] =	ssyncset.done $0x0  }
0x88: {  	[sflag:s5] =	ssyncadd.s32 $0xFFFFF830  }
0x89: {  	[tilespmem:s8], [sflag:$0x1] =	stream.linear.gather [hbm4b:s9+s2], $0x7D00, $0x38;
	[tilespmem:$0xABE0] =	vst v63  }
0x8a: {  	_ =	swait.ge [sflag:s5], $0x7D00  }
0x8b: {  	[sflag:s5] =	ssyncset.done $0x0  }
0x8c: {  	[sflag:s5] =	ssyncadd.s32 $0xFFFF8300  }
0x8d: {  	[spmem:s1] =	stream.indirect.scatter.add.f32 [tilespmem:s8], [sflag:$0x1], $0x10, s2, s8, $0xb8;
	[tilespmem:$0xABE0] =	vst v63  }
0x8e: {  	_ =	swait.ge [sflag:s5], $0x7D00  }
0x8f: {  	[sflag:s5] =	ssyncset.done $0x0  }
0x90: {  	[sflag:s5] =	ssyncadd.s32 $0xFFFF8300  }
0x91: {  	[tilespmem:s2], [sflag:$0x1] =	stream.linear.gather [hbm4b:s7+s2], $0x7D0, $0x38;
	[tilespmem:$0xABE0] =	vst v63  }
0x92: {  	_ =	swait.ge [sflag:s5], $0x7D0  }
0x93: {  	[sflag:s5] =	ssyncset.done $0x0  }
0x94: {  	[sflag:s5] =	ssyncadd.s32 $0xFFFFF830  }
0x95: {  	[tilespmem:s8], [sflag:$0x1] =	stream.linear.gather [hbm4b:s6+s2], $0x7D00, $0x38;
	[tilespmem:$0xABE0] =	vst v63  }
0x96: {  	_ =	swait.ge [sflag:s5], $0x7D00  }
0x97: {  	[sflag:s5] =	ssyncset.done $0x0  }
0x98: {  	[sflag:s5] =	ssyncadd.s32 $0xFFFF8300  }
0x99: {  	[spmem:s1] =	stream.indirect.scatter.add.f32 [tilespmem:s8], [sflag:$0x1], $0x10, s2, s8, $0xb8;
	[tilespmem:$0xABE0] =	vst v63  }
0x9a: {  	_ =	swait.ge [sflag:s5], $0x7D00  }
0x9b: {  	[sflag:s5] =	ssyncset.done $0x0  }
.Ltmp2:
0x9c: {  	[sflag:s5] =	ssyncadd.s32 $0xFFFF8300;
	(pc) =	sbr.rel @p2 .LBB2_2-.Ltmp2, $4  }
0x9d: {  	[bflag:$0x0] =	sbarrier.arrive $0xFFFF  }
0x9e: {  	[hbm:s3], [sflag:s19] =	dma.local @!p0 [spmem:s4], $0x4E20  }
0x9f: {  	_ =	swait.ge @!p0 [sflag:s18], $0x4E20  }
0xa0: {  	[sflag:s18] =	ssyncset.done @!p0 $0x0  }
.LBB2_3:
0xa1: {  	p1 =	por p0, !p1  }
0xa2: {  	s20 =	simm.s32 @!p0 $0x1C01;
	s19 =	simm.s32 @!p0 $0x1;
	[sflag:s18] =	ssyncadd.s32 @!p1 $0xFFFFB1E0  }
0xa3: {  	[spmem:s4], [sflag:s20] =	dma.local @!p0 [hbm:s17], $0x4E20  }
0xa4: {  	_ =	swait.ge @!p0 [sflag:s19], $0x4E20  }
0xa5: {  	[sflag:s19] =	ssyncset.done @!p0 $0x0  }
0xa6: {  	[sflag:s19] =	ssyncadd.s32 @!p0 $0xFFFFB1E0  }
0xa7: {  	[bflag:$0x0] =	sbarrier.arrive $0xFFFF  }
0xa8: {  	[tilespmem:s2], [sflag:$0x1] =	stream.linear.gather [hbm4b:s16+s2], $0x7D0, $0x38;
	[tilespmem:$0xABE0] =	vst v63  }
0xa9: {  	_ =	swait.ge [sflag:s5], $0x7D0  }
0xaa: {  	[sflag:s5] =	ssyncset.done $0x0  }
0xab: {  	[sflag:s5] =	ssyncadd.s32 $0xFFFFF830  }
0xac: {  	[tilespmem:s8], [sflag:$0x1] =	stream.linear.gather [hbm4b:s15+s2], $0x7D00, $0x38;
	[tilespmem:$0xABE0] =	vst v63  }
0xad: {  	_ =	swait.ge [sflag:s5], $0x7D00  }
0xae: {  	[sflag:s5] =	ssyncset.done $0x0  }
0xaf: {  	[sflag:s5] =	ssyncadd.s32 $0xFFFF8300  }
0xb0: {  	[spmem:s1] =	stream.indirect.scatter.add.f32 [tilespmem:s8], [sflag:$0x1], $0x10, s2, s8, $0xb8;
	[tilespmem:$0xABE0] =	vst v63  }
0xb1: {  	_ =	swait.ge [sflag:s5], $0x7D00  }
0xb2: {  	[sflag:s5] =	ssyncset.done $0x0  }
0xb3: {  	[sflag:s5] =	ssyncadd.s32 $0xFFFF8300  }
0xb4: {  	[tilespmem:s2], [sflag:$0x1] =	stream.linear.gather [hbm4b:s14+s2], $0x7D0, $0x38;
	[tilespmem:$0xABE0] =	vst v63  }
0xb5: {  	_ =	swait.ge [sflag:s5], $0x7D0  }
0xb6: {  	[sflag:s5] =	ssyncset.done $0x0  }
0xb7: {  	[sflag:s5] =	ssyncadd.s32 $0xFFFFF830  }
0xb8: {  	[tilespmem:s8], [sflag:$0x1] =	stream.linear.gather [hbm4b:s13+s2], $0x7D00, $0x38;
	[tilespmem:$0xABE0] =	vst v63  }
0xb9: {  	_ =	swait.ge [sflag:s5], $0x7D00  }
0xba: {  	[sflag:s5] =	ssyncset.done $0x0  }
0xbb: {  	[sflag:s5] =	ssyncadd.s32 $0xFFFF8300  }
0xbc: {  	[spmem:s1] =	stream.indirect.scatter.add.f32 [tilespmem:s8], [sflag:$0x1], $0x10, s2, s8, $0xb8;
	[tilespmem:$0xABE0] =	vst v63  }
0xbd: {  	_ =	swait.ge [sflag:s5], $0x7D00  }
0xbe: {  	[sflag:s5] =	ssyncset.done $0x0  }
0xbf: {  	[sflag:s5] =	ssyncadd.s32 $0xFFFF8300  }
0xc0: {  	[tilespmem:s2], [sflag:$0x1] =	stream.linear.gather [hbm4b:s12+s2], $0x7D0, $0x38;
	[tilespmem:$0xABE0] =	vst v63  }
0xc1: {  	_ =	swait.ge [sflag:s5], $0x7D0  }
0xc2: {  	[sflag:s5] =	ssyncset.done $0x0  }
0xc3: {  	[sflag:s5] =	ssyncadd.s32 $0xFFFFF830  }
0xc4: {  	[tilespmem:s8], [sflag:$0x1] =	stream.linear.gather [hbm4b:s11+s2], $0x7D00, $0x38;
	[tilespmem:$0xABE0] =	vst v63  }
0xc5: {  	_ =	swait.ge [sflag:s5], $0x7D00  }
0xc6: {  	[sflag:s5] =	ssyncset.done $0x0  }
0xc7: {  	[sflag:s5] =	ssyncadd.s32 $0xFFFF8300  }
0xc8: {  	[spmem:s1] =	stream.indirect.scatter.add.f32 [tilespmem:s8], [sflag:$0x1], $0x10, s2, s8, $0xb8;
	[tilespmem:$0xABE0] =	vst v63  }
0xc9: {  	_ =	swait.ge [sflag:s5], $0x7D00  }
0xca: {  	[sflag:s5] =	ssyncset.done $0x0  }
0xcb: {  	[sflag:s5] =	ssyncadd.s32 $0xFFFF8300  }
0xcc: {  	[tilespmem:s2], [sflag:$0x1] =	stream.linear.gather [hbm4b:s10+s2], $0x7D0, $0x38;
	[tilespmem:$0xABE0] =	vst v63  }
0xcd: {  	_ =	swait.ge [sflag:s5], $0x7D0  }
0xce: {  	[sflag:s5] =	ssyncset.done $0x0  }
0xcf: {  	[sflag:s5] =	ssyncadd.s32 $0xFFFFF830  }
0xd0: {  	[tilespmem:s8], [sflag:$0x1] =	stream.linear.gather [hbm4b:s9+s2], $0x7D00, $0x38;
	[tilespmem:$0xABE0] =	vst v63  }
0xd1: {  	_ =	swait.ge [sflag:s5], $0x7D00  }
0xd2: {  	[sflag:s5] =	ssyncset.done $0x0  }
0xd3: {  	[sflag:s5] =	ssyncadd.s32 $0xFFFF8300  }
0xd4: {  	[spmem:s1] =	stream.indirect.scatter.add.f32 [tilespmem:s8], [sflag:$0x1], $0x10, s2, s8, $0xb8;
	[tilespmem:$0xABE0] =	vst v63  }
0xd5: {  	_ =	swait.ge [sflag:s5], $0x7D00  }
0xd6: {  	[sflag:s5] =	ssyncset.done $0x0  }
0xd7: {  	[sflag:s5] =	ssyncadd.s32 $0xFFFF8300  }
0xd8: {  	[tilespmem:s2], [sflag:$0x1] =	stream.linear.gather [hbm4b:s7+s2], $0x7D0, $0x38;
	[tilespmem:$0xABE0] =	vst v63  }
0xd9: {  	_ =	swait.ge [sflag:s5], $0x7D0  }
0xda: {  	[sflag:s5] =	ssyncset.done $0x0  }
0xdb: {  	[sflag:s5] =	ssyncadd.s32 $0xFFFFF830  }
0xdc: {  	[tilespmem:s8], [sflag:$0x1] =	stream.linear.gather [hbm4b:s6+s2], $0x7D00, $0x38;
	[tilespmem:$0xABE0] =	vst v63  }
0xdd: {  	_ =	swait.ge [sflag:s5], $0x7D00  }
0xde: {  	[sflag:s5] =	ssyncset.done $0x0  }
0xdf: {  	[sflag:s5] =	ssyncadd.s32 $0xFFFF8300  }
0xe0: {  	[spmem:s1] =	stream.indirect.scatter.add.f32 [tilespmem:s8], [sflag:$0x1], $0x10, s2, s8, $0xb8;
	[tilespmem:$0xABE0] =	vst v63  }
0xe1: {  	_ =	swait.ge [sflag:s5], $0x7D00  }
0xe2: {  	[sflag:s5] =	ssyncset.done $0x0  }
0xe3: {  	[sflag:s5] =	ssyncadd.s32 $0xFFFF8300  }
0xe4: {  	[bflag:$0x0] =	sbarrier.arrive $0xFFFF  }
0xe5: {  	[hbm:s3], [sflag:s20] =	dma.local @!p0 [spmem:s4], $0x4E20  }
0xe6: {  	_ =	swait.ge @!p0 [sflag:s19], $0x4E20  }
0xe7: {  	[sflag:s19] =	ssyncset.done @!p0 $0x0  }
0xe8: {  	[sflag:s19] =	ssyncadd.s32 @!p0 $0xFFFFB1E0  }
0xe9: {  	_ =	sfence.sel $0x180000  }
0xea: {  	[bflag:$0x0] =	sbarrier.arrive $0xFFFF  }
0xeb: {  	_ =	strace $0x9000004A  }
0xec: {  	s0 =	sadd.s32 @!p0 $0x100000, s0;
	[bflag:$0x2] =	sbarrier.arrive $0xFFFF  }
0xed: {  	[sflag:s0] =	ssyncadd.tile.s32 @!p0 $0x1;
	_ =	shalt  }
.Lfunc_end2:
_tile_overlayer_lowered:
.L_overlay_start_2:
0xee: {  	(tag) =	ssettag $0x2  }
0xef: {  	s0 =	rddreg [dreg:$0x0];
	s2 =	stileid.u32  }
0xf0: {  	s1 =	rddreg [dreg:$0x1];
	p0 =	sne.s32 s2, $0x0  }
0xf1: {  	s3 =	rddreg [dreg:$0x2];
	[bflag:$0x3] =	sbarrier.arrive $0xFFFF;
	s2 =	simm.s32 @!p0 $0x1C01  }
0xf2: {  	[timem:s3], [sflag:s2] =	dma.local @!p0 [hbm:s0], s1  }
0xf3: {  	s0 =	simm.s32 @!p0 $0x1  }
0xf4: {  	_ =	swait.ge @!p0 [sflag:s0], s1  }
0xf5: {  	s1 =	ssub.s32 @!p0 $0x0, s1;
	[sflag:s0] =	ssyncset.done @!p0 $0x0  }
0xf6: {  	[sflag:s0] =	ssyncadd.s32 @!p0 s1  }
0xf7: {  	[bflag:$0x3] =	sbarrier.arrive $0xFFFF  }
0xf8: {  	_ =	shalt  }

// kernel: kernel.14.cloned.1.call-start
scs
__scs_entry_jumppad:
0x0: {  	(pc) =	sbr.rel $0x88, $3  }
0x1: {  	(tag) =	ssettag $0x0;
	lr =	simm.s32 $0x1  }
0x2: {  	[smem:$0x3F4A] =	sst lr;
	_ =	strace $0xD0000000  }
0x3: {  	_ = 	snop  }
0x4: {  	_ = 	snop  }
0x5: {  	_ = 	snop  }
0x6: {  	_ = 	snop  }
0x7: {  	_ = 	snop  }
__scs_overlays_trampoline_lowered:
0x8: {  	[smem:$0x3F59] =	sst s0  }
0x9: {  	[smem:$0x3F5A] =	sst s1  }
0xa: {  	[smem:$0x3F5B] =	sst s2  }
0xb: {  	[smem:$0x3F5C] =	sst s3  }
0xc: {  	[smem:$0x3F5D] =	sst s4  }
0xd: {  	[smem:$0x3F5E] =	sst s5  }
0xe: {  	[smem:$0x3F5F] =	sst s6  }
0xf: {  	[smem:$0x3F60] =	sst s7  }
0x10: {  	[smem:$0x3F61] =	sst s8  }
0x11: {  	[smem:$0x3F62] =	sst s9;
	s0 =	simm.s32 @!p0 $0x0  }
0x12: {  	s1 =	sld [smem:$0x3F48];
	s0 =	simm.s32 @p0 $0x1  }
0x13: {  	[smem:$0x3F63] =	sst s0;
	s0 =	simm.s32 @!p1 $0x0  }
0x14: {  	s2 =	sld [smem:$0x3F47];
	s0 =	simm.s32 @p1 $0x1  }
0x15: {  	[smem:$0x3F64] =	sst s0;
	s0 =	simm.s32 @!p2 $0x0  }
0x16: {  	s3 =	sld [smem:$0x3FDB];
	s0 =	simm.s32 @p2 $0x1  }
0x17: {  	s4 =	simm.s32 $0x1BF5;
	[smem:$0x3F66] =	sst s0  }
0x18: {  	s0 =	sld [smem:$0x3F49];
	_ =	swait.ge [sflag:s4], $0x0  }
0x19: {  	s7 =	sld [smem:$0x3F4A]  }
0x1a: {  	s8 =	sadd.s32 $0xFFFFE003, lr  }
0x1b: {  	s9 =	sadd.s32 $0xFFFFFEF7, lr;
	s5 =	simm.s32 $0xFFFFFFFF;
	p2 =	slt.u32 s8, $0xFFFFF086  }
0x1c: {  	p1 =	slt.u32 s9, $0xF7A;
	s5 =	simm.s32 @!p2 $0x0  }
0x1d: {  	s5 =	simm.s32 @p1 $0x1;
	p0 =	seq.s32 s7, s2  }
0x1e: {  	s7 =	smul.u32 @!p0 $0xF7A, s2;
	p2 =	seq.s32 @!p0 s5, $0x0  }
0x1f: {  	s9 =	smul.u32 $0xF7A, s1;
	s8 =	simm.s32 @!p0 $0x1BF5;
	p2 =	por !p2, p0  }
0x20: {  	[sflag:s8] =	ssyncset.s32 @!p0 $0xFFFFF086;
	s6 =	sadd.s32 @!p0 s3, s7;
	s7 =	simm.s32 @!p0 $0x108  }
0x21: {  	s3 =	sadd.s32 s3, s9;
	s6 =	sadd.s32 @!p0 $0x88, s6;
	s7 =	simm.s32 @p2 $0x1082  }
0x22: {  	[simem:s7], [sflag:s8] =	dma.local @!p0 [hbm:s6], $0xF7A  }
0x23: {  	s9 =	sor.u32 $0xD0000000, s2;
	s6 =	simm.s32 $0x108;
	_ =	swait.ge @!p0 [sflag:s8], $0x0  }
0x24: {  	s3 =	sadd.s32 $0x88, s3;
	s6 =	simm.s32 @!p1 $0x1082;
	[sflag:s4] =	ssyncset.s32 $0xFFFFF086  }
0x25: {  	[simem:s6], [sflag:s4] =	dma.local [hbm:s3], $0xF7A  }
0x26: {  	[smem:$0x3F4A] =	sst s1;
	(tag) =	ssettag s2;
	_ =	strace s9  }
0x27: {  	s1 =	sld [smem:$0x3F5A]  }
0x28: {  	s2 =	sld [smem:$0x3F5B]  }
0x29: {  	s4 =	sld [smem:$0x3F5D]  }
0x2a: {  	p0 =	seq.s32 s5, $0x0;
	s5 =	sld [smem:$0x3F5E]  }
0x2b: {  	s6 =	sld [smem:$0x3F5F]  }
0x2c: {  	s7 =	sld [smem:$0x3F60]  }
0x2d: {  	s3 =	simm.s32 $0x108;
	s8 =	sld [smem:$0x3F61]  }
0x2e: {  	s3 =	simm.s32 @!p0 $0x1082;
	s9 =	sld [smem:$0x3F62]  }
0x2f: {  	lr =	sadd.s32 s0, s3;
	s0 =	sld [smem:$0x3F59]  }
0x30: {  	s3 =	sld [smem:$0x3F5C]  }
0x31: {  	[smem:$0x3F65] =	sst s10  }
0x32: {  	s10 =	sld [smem:$0x3F63];
	_ =	sdelay $0x3  }
0x33: {  	p0 =	seq.s32 s10, $0x1;
	s10 =	sld [smem:$0x3F65];
	_ =	sdelay $0x3  }
0x34: {  	[smem:$0x3F65] =	sst s10  }
0x35: {  	s10 =	sld [smem:$0x3F64];
	_ =	sdelay $0x3  }
0x36: {  	p1 =	seq.s32 s10, $0x1;
	s10 =	sld [smem:$0x3F65];
	_ =	sdelay $0x3  }
0x37: {  	[smem:$0x3F65] =	sst s10  }
0x38: {  	s10 =	sld [smem:$0x3F66]  }
0x39: {  	_ = 	snop;
	(pc) =	sbr.ind lr, $3  }
0x3a: {  	_ = 	snop  }
0x3b: {  	_ = 	snop  }
0x3c: {  	p2 =	seq.s32 s10, $0x1;
	s10 =	sld [smem:$0x3F65]  }
0x3d: {  	_ =	shalt  }
0x3e: {  	_ =	shalt  }
0x3f: {  	_ =	shalt  }
0x40: {  	_ =	shalt  }
0x41: {  	_ =	shalt  }
0x42: {  	_ =	shalt  }
0x43: {  	_ =	shalt  }
0x44: {  	_ =	shalt  }
0x45: {  	_ =	shalt  }
0x46: {  	_ =	shalt  }
0x47: {  	_ =	shalt  }
0x48: {  	_ =	shalt  }
0x49: {  	_ =	shalt  }
0x4a: {  	_ =	shalt  }
0x4b: {  	_ =	shalt  }
0x4c: {  	_ =	shalt  }
0x4d: {  	_ =	shalt  }
0x4e: {  	_ =	shalt  }
0x4f: {  	_ =	shalt  }
0x50: {  	_ =	shalt  }
0x51: {  	_ =	shalt  }
0x52: {  	_ =	shalt  }
0x53: {  	_ =	shalt  }
0x54: {  	_ =	shalt  }
0x55: {  	_ =	shalt  }
0x56: {  	_ =	shalt  }
0x57: {  	_ =	shalt  }
0x58: {  	_ =	shalt  }
0x59: {  	_ =	shalt  }
0x5a: {  	_ =	shalt  }
0x5b: {  	_ =	shalt  }
0x5c: {  	_ =	shalt  }
0x5d: {  	_ =	shalt  }
0x5e: {  	_ =	shalt  }
0x5f: {  	_ =	shalt  }
0x60: {  	_ =	shalt  }
0x61: {  	_ =	shalt  }
0x62: {  	_ =	shalt  }
0x63: {  	_ =	shalt  }
0x64: {  	_ =	shalt  }
0x65: {  	_ =	shalt  }
0x66: {  	_ =	shalt  }
0x67: {  	_ =	shalt  }
0x68: {  	_ =	shalt  }
0x69: {  	_ =	shalt  }
0x6a: {  	_ =	shalt  }
0x6b: {  	_ =	shalt  }
0x6c: {  	_ =	shalt  }
0x6d: {  	_ =	shalt  }
0x6e: {  	_ =	shalt  }
0x6f: {  	_ =	shalt  }
0x70: {  	_ =	shalt  }
0x71: {  	_ =	shalt  }
0x72: {  	_ =	shalt  }
0x73: {  	_ =	shalt  }
0x74: {  	_ =	shalt  }
0x75: {  	_ =	shalt  }
0x76: {  	_ =	shalt  }
0x77: {  	_ =	shalt  }
0x78: {  	_ =	shalt  }
0x79: {  	_ =	shalt  }
0x7a: {  	_ =	shalt  }
0x7b: {  	_ =	shalt  }
0x7c: {  	_ =	shalt  }
0x7d: {  	_ =	shalt  }
0x7e: {  	_ =	shalt  }
0x7f: {  	_ =	shalt  }
0x80: {  	_ =	shalt  }
0x81: {  	_ =	shalt  }
0x82: {  	_ =	shalt  }
0x83: {  	_ =	shalt  }
0x84: {  	_ =	shalt  }
0x85: {  	_ =	shalt  }
0x86: {  	_ =	shalt  }
0x87: {  	_ =	shalt  }
.Lfunc_end0:
.L_simem_size_0:
called_computation.2_lowered:
.L_overlay_start_0:
0x88: {  	s2 =	sld [smem:$0x3FD9]  }
0x89: {  	s3 =	sld [smem:$0x3FFE];
	_ =	sdelay $0x1  }
0x8a: {  	s1 =	srdreg.scid  }
0x8b: {  	s0 =	sand.u32 $0x1, s1  }
0x8c: {  	s14 =	sshll.u32 s0, $0xA;
	s2 =	sadd.s32 s3, s2  }
0x8d: {  	s2 =	sadd.s32 s2, s14  }
0x8e: {  	[smem:$0x3F71] =	sst s2  }
0x8f: {  	_ = 	snop  }
0x90: {  	s2 =	sld [smem:$0x3FD0];
	_ =	sdelay $0x2  }
0x91: {  	s15 =	simm.s32 $0xA;
	s4 =	simm.s32 $0x10  }
0x92: {  	[smem:s4], [sflag:s15] =	dma.local [hbm:s2], $0x1  }
0x93: {  	_ =	swait.eq [sflag:s15], $0x1  }
0x94: {  	[sflag:s15] =	ssyncset.done $0x0  }
0x95: {  	[sflag:s15] =	ssyncadd.s32 $0xFFFFFFFF  }
0x96: {  	s16 =	sld [smem:$0x14];
	(tm) =	ssettm $0x1  }
0x97: {  	s17 =	sld [smem:$0x3FFB];
	_ =	sdelay $0x3  }
0x98: {  	_ =	strace s17  }
0x99: {  	s3 =	sld [smem:$0x3FFC];
	_ =	sdelay $0x3  }
0x9a: {  	_ =	strace s3  }
0x9b: {  	s3 =	sld [smem:$0x3FFD];
	_ =	sdelay $0x3  }
0x9c: {  	_ =	strace s3  }
0x9d: {  	_ =	strace $0x8FFFFFFF  }
0x9e: {  	s18 =	sld [smem:$0x3FDB];
	_ =	sdelay $0x1  }
0x9f: {  	s19 =	simm.s32 $_scs_section_size  }
0xa0: {  	s5 =	simm.s32 $_size__tile_overlayer_lowered;
	s6 =	simm.s32 $_tile_overlayer_lowered  }
0xa1: {  	s22 =	simm.s32 $0x1BFF;
	s21 =	sshll.u32 s6, $0x1;
	s3 =	sadd.s32 s19, s18  }
0xa2: {  	s7 =	simm.s32 $0x0;
	s20 =	sshll.u32 s5, $0x1;
	s5 =	sadd.s32 s21, s3  }
0xa3: {  	[timem:s7], [sflag:s22] =	dma.local [hbm:s5], s20  }
0xa4: {  	_ =	swait.ge [sflag:s22], s20  }
0xa5: {  	s4 =	ssub.s32 $0x0, s20;
	[sflag:s22] =	ssyncset.done $0x0  }
0xa6: {  	[sflag:s22] =	ssyncadd.s32 s4;
	_ =	sdelay $0x1  }
0xa7: {  	s23 =	simm.s32 $0x1B8B  }
0xa8: {  	_ =	swait.ge [sflag:s23], $0x1  }
0xa9: {  	[sflag:s23] =	ssyncset.done $0x0  }
0xaa: {  	s25 =	simm.s32 $0x1B8E;
	s24 =	sld [smem:$0x3FFE];
	[sflag:s23] =	ssyncadd.s32 $0xFFFFFFFF  }
0xab: {  	s26 =	simm.s32 $execute0_lowered;
	[smem:$0x3FD2] =	sst s25  }
0xac: {  	s5 =	sshll.u32 s26, $0x1;
	_ =	strace $0x8000004C;
	[dreg:$0x1] =	wrdreg $0xFFFFFFFF  }
0xad: {  	s28 =	simm.s32 $_size_execute0_lowered;
	s3 =	sadd.s32 s3, s5;
	[dreg:$0x0] =	wrdreg $0x0  }
0xae: {  	s5 =	sshll.u32 s28, $0x1;
	[dreg:$0x2] =	wrdreg s3  }
0xaf: {  	[dreg:$0x3] =	wrdreg s5  }
0xb0: {  	[dreg:$0x4] =	wrdreg $0xC0  }
0xb1: {  	_ =	task [dreg:s7], $0x5FFFF  }
0xb2: {  	[dreg:$0x1] =	wrdreg $0xFFFFFFFF  }
0xb3: {  	[dreg:$0x0] =	wrdreg $0x60  }
0xb4: {  	[dreg:$0x2] =	wrdreg s24  }
0xb5: {  	[dreg:$0x3] =	wrdreg s16  }
0xb6: {  	[dreg:$0x4] =	wrdreg $0x9  }
0xb7: {  	_ =	task.clear_ibuf [dreg:s7], $0x5FFFF;
	_ =	strace $0x9000004C  }
0xb8: {  	s29 =	simm.s32 $0x9;
	_ =	strace $0x8000004E  }
0xb9: {  	_ =	swait.ge [sflag:s29], $0x1  }
0xba: {  	[sflag:s29] =	ssyncadd.s32 $0xFFFFFFFF  }
0xbb: {  	_ =	strace $0x9000004E  }
0xbc: {  	_ =	sfence  }
0xbd: {  	s30 =	sld [smem:$0x0];
	_ =	sdelay $0x2  }
0xbe: {  	s31 =	sshll.u32 s1, $0xD;
	s1 =	sshrl.u32 s1, $0x2  }
0xbf: {  	s3 =	sand.u32 $0x4000, s31;
	s1 =	sadd.s32 s1, s30  }
0xc0: {  	s0 =	sor.u32 s3, s0;
	s1 =	sshll.u32 s1, $0x11  }
0xc1: {  	s0 =	sor.u32 s1, s0  }
0xc2: {  	s0 =	sadd.s32 $0x8F2B, s0  }
0xc3: {  	[sflag:s0] =	ssyncadd.remote.s32 $0x1  }
0xc4: {  	_ =	sfence.sel $0xFFFF  }
0xc5: {  	[dreg:$0x0] =	wrdreg $0xFFFFFFFF;
	(pc) =	sbr.abs _section_cstart, $3  }
0xc6: {  	[dreg:$0x1] =	wrdreg $0xFFFFFFFF  }
0xc7: {  	_ =	task.clear_ibuf [dreg:s7], $0x2FFFF;
	_ =	strace $0x9FFFFFFF  }
0xc8: {  	(tm) =	ssettm $0x7FFFFFFF  }
0xc9: {  	_ =	shalt  }
tec
execute0_lowered:
.L_overlay_start_1:
0x0: {  	(tag) =	ssettag $0x1  }
0x1: {  	s4 =	rddreg [dreg:$0x0];
	s1 =	srdreg.scid  }
0x2: {  	s0 =	stileid.u32;
	s5 =	rddreg [dreg:$0x1]  }
0x3: {  	s2 =	simm.s32 $0x0;
	s10 =	simm.s32 $0x9C40;
	s11 =	simm.s32 $0xC350  }
0x4: {  	s12 =	simm.s32 $0xEA60;
	s3 =	sand.u32 $0x1, s1;
	s6 =	sshll.u32 s0, $0x1  }
0x5: {  	s13 =	simm.s32 $0x11170;
	s14 =	simm.s32 $0x0;
	s6 =	sor.u32 s3, s6  }
0x6: {  	[smem:$0x7FF] =	sst s2;
	s7 =	ssub.s32 $0x2, s3;
	s6 =	smul.u32 $0x4E2, s6  }
0x7: {  	s1 =	rddreg [dreg:$0x2];
	_ =	strace $0x8000004D;
	s31 =	sshrl.u32 s7, $0x1  }
0x8: {  	s3 =	sadd.s32 $0xC400, s4;
	s9 =	ssub.s32 s7, s31;
	s8 =	sadd.s32 s6, s4  }
0x9: {  	s5 =	sadd.s32 s5, s6;
	s4 =	sadd.s32 $0x11400, s8;
	s6 =	sadd.s32 $0x25000, s8  }
0xa: {  	s7 =	sadd.s32 $0x1B200, s8;
	s8 =	smax.u32 s9, $0x1;
	s9 =	simm.s32 $0x1  }
.LBB2_1:
0xb: {  	[tilespmem:s2], [sflag:$0x1] =	stream.linear.gather [hbm4b:s3+s2], $0x9C40, $0x38;
	[tilespmem:$0x13880] =	vst v63  }
0xc: {  	_ =	swait.ge [sflag:s9], $0x9C40  }
0xd: {  	[sflag:s9] =	ssyncset.done $0x0  }
0xe: {  	[sflag:s9] =	ssyncadd.s32 $0xFFFF63C0  }
0xf: {  	[tilespmem:s10], [sflag:$0x1] =	stream.linear.gather [hbm4b:s4+s2], $0x2710, $0x38;
	[tilespmem:$0x13880] =	vst v63  }
0x10: {  	_ =	swait.ge [sflag:s9], $0x2710  }
0x11: {  	[sflag:s9] =	ssyncset.done $0x0  }
0x12: {  	[sflag:s9] =	ssyncadd.s32 $0xFFFFD8F0  }
0x13: {  	[tilespmem:s11], [sflag:$0x1] =	stream.linear.gather [hbm4b:s5+s2], $0x2710, $0x38;
	[tilespmem:$0x13880] =	vst v63  }
0x14: {  	_ =	swait.ge [sflag:s9], $0x2710  }
0x15: {  	[sflag:s9] =	ssyncset.done $0x0  }
0x16: {  	s16 =	simm.s32 $0x0;
	[sflag:s9] =	ssyncadd.s32 $0xFFFFD8F0  }
0x17: {  	v0 =	vld [tilespmem:s16+$0xC350]  }
0x18: {  	v1 =	vld [tilespmem:s16+$0x9C40];
	_ =	sdelay $0x4  }
0x19: {  	v0 =	vshll.u32 v0, $0x2;
	v3 =	vshll.u32 v1, $0x2  }
0x1a: {  	v4 =	vor.u32 $0x3, v0  }
0x1b: {  	s15 =	simm.s32 $0x10;
	v5 =	vor.u32 $0x1, v3  }
0x1c: {  	v2 =	vld [tilespmem:s15+$0xC350];
	v6 =	vor.u32 $0x2, v0  }
0x1d: {  	v1 =	vld [tilespmem:s15+$0x9C40]  }
0x1e: {  	v0 =	vld.idx.msk [tilespmem:v3+s2+$0x0], $0xffff  }
0x1f: {  	v3 =	vld.idx.msk [tilespmem:v4+s2+$0x0], $0xffff  }
0x20: {  	v5 =	vld.idx.msk [tilespmem:v5+s2+$0x0], $0xffff  }
0x21: {  	s17 =	simm.s32 $0x80;
	v4 =	vld.idx.msk [tilespmem:v6+s2+$0x0], $0xffff  }
.LBB2_2:
0x22: {  	p0 =	sne.s32 s17, $0x9C00;
	v2 =	vshll.u32 v2, $0x2;
	s18 =	smov.u32 s17;
	s17 =	sadd.s32 $0x40, s17  }
0x23: {  	v6 =	vor.u32 $0x2, v2;
	v7 =	vor.u32 $0x3, v2  }
0x24: {  	v8 =	vshll.u32 v1, $0x2  }
0x25: {  	v9 =	vor.u32 $0x1, v8;
	v1 =	vadd.f32 v3, v5  }
0x26: {  	s18 =	sshra.s32 s18, $0x2;
	v0 =	vadd.f32 v4, v0  }
0x27: {  	v2 =	vld [tilespmem:s18+$0xC350];
	[tilespmem:s16+$0x11170] =	vst v1  }
.Ltmp0:
0x28: {  	v1 =	vld [tilespmem:s18+$0x9C40];
	[tilespmem:s16+$0xEA60] =	vst v0;
	s16 =	smov.u32 s15;
	s15 =	smov.u32 s18;
	(pc) =	sbr.rel @p0 .LBB2_2-.Ltmp0, $4  }
0x29: {  	v0 =	vld.idx.msk [tilespmem:v8+s2+$0x0], $0xffff  }
0x2a: {  	v3 =	vld.idx.msk [tilespmem:v7+s2+$0x0], $0xffff  }
0x2b: {  	v5 =	vld.idx.msk [tilespmem:v9+s2+$0x0], $0xffff  }
0x2c: {  	v4 =	vld.idx.msk [tilespmem:v6+s2+$0x0], $0xffff  }
0x2d: {  	_ =	sdelay $0x1  }
0x2e: {  	v2 =	vshll.u32 v2, $0x2;
	v1 =	vshll.u32 v1, $0x2  }
0x2f: {  	v6 =	vor.u32 $0x3, v2;
	v3 =	vadd.f32 v3, v5  }
0x30: {  	v62 =	vor.u32 $0x1, v1;
	v0 =	vadd.f32 v4, v0  }
0x31: {  	v2 =	vor.u32 $0x2, v2;
	[tilespmem:s16+$0x11170] =	vst v3  }
0x32: {  	[tilespmem:s16+$0xEA60] =	vst v0  }
0x33: {  	v0 =	vld.idx.msk [tilespmem:v1+s2+$0x0], $0xffff  }
0x34: {  	v63 =	vld.idx.msk [tilespmem:v6+s2+$0x0], $0xffff  }
0x35: {  	v3 =	vld.idx.msk [tilespmem:v62+s2+$0x0], $0xffff  }
0x36: {  	v2 =	vld.idx.msk [tilespmem:v2+s2+$0x0], $0xffff;
	_ =	sdelay $0x3  }
0x37: {  	v1 =	vadd.f32 v63, v3  }
0x38: {  	v0 =	vadd.f32 v2, v0  }
0x39: {  	[tilespmem:s15+$0x11170] =	vst v1  }
0x3a: {  	[tilespmem:s15+$0xEA60] =	vst v0  }
0x3b: {  	[hbm4b:s6+s2] =	stream.linear.scatter [tilespmem:s12], [sflag:$0x1], $0x2710, $0x38;
	[tilespmem:$0x13880] =	vst v63  }
0x3c: {  	s14 =	sadd.s32 $0x1, s14;
	_ =	swait.ge [sflag:s9], $0x2710  }
0x3d: {  	p0 =	sne.s32 s14, s8;
	[sflag:s9] =	ssyncset.done $0x0  }
.Ltmp1:
0x3e: {  	[sflag:s9] =	ssyncadd.s32 $0xFFFFD8F0;
	(pc) =	sbr.rel @p0 .LBB2_1-.Ltmp1, $4  }
0x3f: {  	[hbm4b:s7+s2] =	stream.linear.scatter [tilespmem:s13], [sflag:$0x1], $0x2710, $0x38;
	[tilespmem:$0x13880] =	vst v63  }
0x40: {  	_ =	swait.ge [sflag:s9], $0x2710  }
0x41: {  	[sflag:s9] =	ssyncset.done $0x0  }
0x42: {  	[sflag:s9] =	ssyncadd.s32 $0xFFFFD8F0  }
0x43: {  	_ =	sfence.sel $0x180000  }
0x44: {  	[bflag:$0x0] =	sbarrier.arrive $0xFFFF  }
0x45: {  	p0 =	sne.s32 s0, $0x0;
	_ =	strace $0x9000004D  }
0x46: {  	s0 =	sadd.s32 @!p0 $0x100000, s1;
	[bflag:$0x2] =	sbarrier.arrive $0xFFFF  }
0x47: {  	[sflag:s0] =	ssyncadd.tile.s32 @!p0 $0x1;
	_ =	shalt  }
.Lfunc_end2:
_tile_overlayer_lowered:
.L_overlay_start_2:
0x48: {  	(tag) =	ssettag $0x2  }
0x49: {  	s0 =	rddreg [dreg:$0x0];
	s2 =	stileid.u32  }
0x4a: {  	s1 =	rddreg [dreg:$0x1];
	p0 =	sne.s32 s2, $0x0  }
0x4b: {  	s3 =	rddreg [dreg:$0x2];
	[bflag:$0x3] =	sbarrier.arrive $0xFFFF;
	s2 =	simm.s32 @!p0 $0x1C01  }
0x4c: {  	[timem:s3], [sflag:s2] =	dma.local @!p0 [hbm:s0], s1  }
0x4d: {  	s0 =	simm.s32 @!p0 $0x1  }
0x4e: {  	_ =	swait.ge @!p0 [sflag:s0], s1  }
0x4f: {  	s1 =	ssub.s32 @!p0 $0x0, s1;
	[sflag:s0] =	ssyncset.done @!p0 $0x0  }
0x50: {  	[sflag:s0] =	ssyncadd.s32 @!p0 s1  }
0x51: {  	[bflag:$0x3] =	sbarrier.arrive $0xFFFF  }
0x52: {  	_ =	shalt  }

// kernel: kernel.8.cloned.1.call-start
scs
__scs_entry_jumppad:
0x0: {  	(pc) =	sbr.rel $0x88, $3  }
0x1: {  	(tag) =	ssettag $0x0;
	lr =	simm.s32 $0x1  }
0x2: {  	[smem:$0x3F4A] =	sst lr;
	_ =	strace $0xD0000000  }
0x3: {  	_ = 	snop  }
0x4: {  	_ = 	snop  }
0x5: {  	_ = 	snop  }
0x6: {  	_ = 	snop  }
0x7: {  	_ = 	snop  }
__scs_overlays_trampoline_lowered:
0x8: {  	[smem:$0x3F59] =	sst s0  }
0x9: {  	[smem:$0x3F5A] =	sst s1  }
0xa: {  	[smem:$0x3F5B] =	sst s2  }
0xb: {  	[smem:$0x3F5C] =	sst s3  }
0xc: {  	[smem:$0x3F5D] =	sst s4  }
0xd: {  	[smem:$0x3F5E] =	sst s5  }
0xe: {  	[smem:$0x3F5F] =	sst s6  }
0xf: {  	[smem:$0x3F60] =	sst s7  }
0x10: {  	[smem:$0x3F61] =	sst s8  }
0x11: {  	[smem:$0x3F62] =	sst s9;
	s0 =	simm.s32 @!p0 $0x0  }
0x12: {  	s1 =	sld [smem:$0x3F48];
	s0 =	simm.s32 @p0 $0x1  }
0x13: {  	[smem:$0x3F63] =	sst s0;
	s0 =	simm.s32 @!p1 $0x0  }
0x14: {  	s2 =	sld [smem:$0x3F47];
	s0 =	simm.s32 @p1 $0x1  }
0x15: {  	[smem:$0x3F64] =	sst s0;
	s0 =	simm.s32 @!p2 $0x0  }
0x16: {  	s3 =	sld [smem:$0x3FDB];
	s0 =	simm.s32 @p2 $0x1  }
0x17: {  	s4 =	simm.s32 $0x1BF5;
	[smem:$0x3F66] =	sst s0  }
0x18: {  	s0 =	sld [smem:$0x3F49];
	_ =	swait.ge [sflag:s4], $0x0  }
0x19: {  	s7 =	sld [smem:$0x3F4A]  }
0x1a: {  	s8 =	sadd.s32 $0xFFFFE003, lr  }
0x1b: {  	s9 =	sadd.s32 $0xFFFFFEF7, lr;
	s5 =	simm.s32 $0xFFFFFFFF;
	p2 =	slt.u32 s8, $0xFFFFF086  }
0x1c: {  	p1 =	slt.u32 s9, $0xF7A;
	s5 =	simm.s32 @!p2 $0x0  }
0x1d: {  	s5 =	simm.s32 @p1 $0x1;
	p0 =	seq.s32 s7, s2  }
0x1e: {  	s7 =	smul.u32 @!p0 $0xF7A, s2;
	p2 =	seq.s32 @!p0 s5, $0x0  }
0x1f: {  	s9 =	smul.u32 $0xF7A, s1;
	s8 =	simm.s32 @!p0 $0x1BF5;
	p2 =	por !p2, p0  }
0x20: {  	[sflag:s8] =	ssyncset.s32 @!p0 $0xFFFFF086;
	s6 =	sadd.s32 @!p0 s3, s7;
	s7 =	simm.s32 @!p0 $0x108  }
0x21: {  	s3 =	sadd.s32 s3, s9;
	s6 =	sadd.s32 @!p0 $0x88, s6;
	s7 =	simm.s32 @p2 $0x1082  }
0x22: {  	[simem:s7], [sflag:s8] =	dma.local @!p0 [hbm:s6], $0xF7A  }
0x23: {  	s9 =	sor.u32 $0xD0000000, s2;
	s6 =	simm.s32 $0x108;
	_ =	swait.ge @!p0 [sflag:s8], $0x0  }
0x24: {  	s3 =	sadd.s32 $0x88, s3;
	s6 =	simm.s32 @!p1 $0x1082;
	[sflag:s4] =	ssyncset.s32 $0xFFFFF086  }
0x25: {  	[simem:s6], [sflag:s4] =	dma.local [hbm:s3], $0xF7A  }
0x26: {  	[smem:$0x3F4A] =	sst s1;
	(tag) =	ssettag s2;
	_ =	strace s9  }
0x27: {  	s1 =	sld [smem:$0x3F5A]  }
0x28: {  	s2 =	sld [smem:$0x3F5B]  }
0x29: {  	s4 =	sld [smem:$0x3F5D]  }
0x2a: {  	p0 =	seq.s32 s5, $0x0;
	s5 =	sld [smem:$0x3F5E]  }
0x2b: {  	s6 =	sld [smem:$0x3F5F]  }
0x2c: {  	s7 =	sld [smem:$0x3F60]  }
0x2d: {  	s3 =	simm.s32 $0x108;
	s8 =	sld [smem:$0x3F61]  }
0x2e: {  	s3 =	simm.s32 @!p0 $0x1082;
	s9 =	sld [smem:$0x3F62]  }
0x2f: {  	lr =	sadd.s32 s0, s3;
	s0 =	sld [smem:$0x3F59]  }
0x30: {  	s3 =	sld [smem:$0x3F5C]  }
0x31: {  	[smem:$0x3F65] =	sst s10  }
0x32: {  	s10 =	sld [smem:$0x3F63];
	_ =	sdelay $0x3  }
0x33: {  	p0 =	seq.s32 s10, $0x1;
	s10 =	sld [smem:$0x3F65];
	_ =	sdelay $0x3  }
0x34: {  	[smem:$0x3F65] =	sst s10  }
0x35: {  	s10 =	sld [smem:$0x3F64];
	_ =	sdelay $0x3  }
0x36: {  	p1 =	seq.s32 s10, $0x1;
	s10 =	sld [smem:$0x3F65];
	_ =	sdelay $0x3  }
0x37: {  	[smem:$0x3F65] =	sst s10  }
0x38: {  	s10 =	sld [smem:$0x3F66]  }
0x39: {  	_ = 	snop;
	(pc) =	sbr.ind lr, $3  }
0x3a: {  	_ = 	snop  }
0x3b: {  	_ = 	snop  }
0x3c: {  	p2 =	seq.s32 s10, $0x1;
	s10 =	sld [smem:$0x3F65]  }
0x3d: {  	_ =	shalt  }
0x3e: {  	_ =	shalt  }
0x3f: {  	_ =	shalt  }
0x40: {  	_ =	shalt  }
0x41: {  	_ =	shalt  }
0x42: {  	_ =	shalt  }
0x43: {  	_ =	shalt  }
0x44: {  	_ =	shalt  }
0x45: {  	_ =	shalt  }
0x46: {  	_ =	shalt  }
0x47: {  	_ =	shalt  }
0x48: {  	_ =	shalt  }
0x49: {  	_ =	shalt  }
0x4a: {  	_ =	shalt  }
0x4b: {  	_ =	shalt  }
0x4c: {  	_ =	shalt  }
0x4d: {  	_ =	shalt  }
0x4e: {  	_ =	shalt  }
0x4f: {  	_ =	shalt  }
0x50: {  	_ =	shalt  }
0x51: {  	_ =	shalt  }
0x52: {  	_ =	shalt  }
0x53: {  	_ =	shalt  }
0x54: {  	_ =	shalt  }
0x55: {  	_ =	shalt  }
0x56: {  	_ =	shalt  }
0x57: {  	_ =	shalt  }
0x58: {  	_ =	shalt  }
0x59: {  	_ =	shalt  }
0x5a: {  	_ =	shalt  }
0x5b: {  	_ =	shalt  }
0x5c: {  	_ =	shalt  }
0x5d: {  	_ =	shalt  }
0x5e: {  	_ =	shalt  }
0x5f: {  	_ =	shalt  }
0x60: {  	_ =	shalt  }
0x61: {  	_ =	shalt  }
0x62: {  	_ =	shalt  }
0x63: {  	_ =	shalt  }
0x64: {  	_ =	shalt  }
0x65: {  	_ =	shalt  }
0x66: {  	_ =	shalt  }
0x67: {  	_ =	shalt  }
0x68: {  	_ =	shalt  }
0x69: {  	_ =	shalt  }
0x6a: {  	_ =	shalt  }
0x6b: {  	_ =	shalt  }
0x6c: {  	_ =	shalt  }
0x6d: {  	_ =	shalt  }
0x6e: {  	_ =	shalt  }
0x6f: {  	_ =	shalt  }
0x70: {  	_ =	shalt  }
0x71: {  	_ =	shalt  }
0x72: {  	_ =	shalt  }
0x73: {  	_ =	shalt  }
0x74: {  	_ =	shalt  }
0x75: {  	_ =	shalt  }
0x76: {  	_ =	shalt  }
0x77: {  	_ =	shalt  }
0x78: {  	_ =	shalt  }
0x79: {  	_ =	shalt  }
0x7a: {  	_ =	shalt  }
0x7b: {  	_ =	shalt  }
0x7c: {  	_ =	shalt  }
0x7d: {  	_ =	shalt  }
0x7e: {  	_ =	shalt  }
0x7f: {  	_ =	shalt  }
0x80: {  	_ =	shalt  }
0x81: {  	_ =	shalt  }
0x82: {  	_ =	shalt  }
0x83: {  	_ =	shalt  }
0x84: {  	_ =	shalt  }
0x85: {  	_ =	shalt  }
0x86: {  	_ =	shalt  }
0x87: {  	_ =	shalt  }
.Lfunc_end0:
.L_simem_size_0:
called_computation_lowered:
.L_overlay_start_0:
0x88: {  	s2 =	sld [smem:$0x3FD9]  }
0x89: {  	s3 =	sld [smem:$0x3FFE];
	_ =	sdelay $0x1  }
0x8a: {  	s1 =	srdreg.scid  }
0x8b: {  	s0 =	sand.u32 $0x1, s1  }
0x8c: {  	s14 =	sshll.u32 s0, $0xA;
	s2 =	sadd.s32 s3, s2  }
0x8d: {  	s2 =	sadd.s32 s2, s14  }
0x8e: {  	[smem:$0x3F71] =	sst s2  }
0x8f: {  	_ = 	snop  }
0x90: {  	s2 =	sld [smem:$0x3FD0];
	_ =	sdelay $0x2  }
0x91: {  	s15 =	simm.s32 $0xA;
	s4 =	simm.s32 $0x10  }
0x92: {  	[smem:s4], [sflag:s15] =	dma.local [hbm:s2], $0x1  }
0x93: {  	_ =	swait.eq [sflag:s15], $0x1  }
0x94: {  	[sflag:s15] =	ssyncset.done $0x0  }
0x95: {  	[sflag:s15] =	ssyncadd.s32 $0xFFFFFFFF  }
0x96: {  	s16 =	sld [smem:$0x14];
	(tm) =	ssettm $0x1  }
0x97: {  	s17 =	sld [smem:$0x3FFB];
	_ =	sdelay $0x3  }
0x98: {  	_ =	strace s17  }
0x99: {  	s3 =	sld [smem:$0x3FFC];
	_ =	sdelay $0x3  }
0x9a: {  	_ =	strace s3  }
0x9b: {  	s3 =	sld [smem:$0x3FFD];
	_ =	sdelay $0x3  }
0x9c: {  	_ =	strace s3  }
0x9d: {  	_ =	strace $0x8FFFFFFF  }
0x9e: {  	s18 =	sld [smem:$0x3FDB];
	_ =	sdelay $0x1  }
0x9f: {  	s19 =	simm.s32 $_scs_section_size  }
0xa0: {  	s5 =	simm.s32 $_size__tile_overlayer_lowered;
	s6 =	simm.s32 $_tile_overlayer_lowered  }
0xa1: {  	s22 =	simm.s32 $0x1BFF;
	s21 =	sshll.u32 s6, $0x1;
	s3 =	sadd.s32 s19, s18  }
0xa2: {  	s7 =	simm.s32 $0x0;
	s20 =	sshll.u32 s5, $0x1;
	s5 =	sadd.s32 s21, s3  }
0xa3: {  	[timem:s7], [sflag:s22] =	dma.local [hbm:s5], s20  }
0xa4: {  	_ =	swait.ge [sflag:s22], s20  }
0xa5: {  	s4 =	ssub.s32 $0x0, s20;
	[sflag:s22] =	ssyncset.done $0x0  }
0xa6: {  	[sflag:s22] =	ssyncadd.s32 s4;
	_ =	sdelay $0x1  }
0xa7: {  	s23 =	simm.s32 $0x1B8B  }
0xa8: {  	_ =	swait.ge [sflag:s23], $0x1  }
0xa9: {  	[sflag:s23] =	ssyncset.done $0x0  }
0xaa: {  	s25 =	simm.s32 $0x1B8E;
	s24 =	sld [smem:$0x3FFE];
	[sflag:s23] =	ssyncadd.s32 $0xFFFFFFFF  }
0xab: {  	s26 =	simm.s32 $execute0_lowered;
	[smem:$0x3FD2] =	sst s25  }
0xac: {  	s5 =	sshll.u32 s26, $0x1;
	_ =	strace $0x80000046;
	[dreg:$0x1] =	wrdreg $0xFFFFFFFF  }
0xad: {  	s28 =	simm.s32 $_size_execute0_lowered;
	s3 =	sadd.s32 s3, s5;
	[dreg:$0x0] =	wrdreg $0x0  }
0xae: {  	s5 =	sshll.u32 s28, $0x1;
	[dreg:$0x2] =	wrdreg s3  }
0xaf: {  	[dreg:$0x3] =	wrdreg s5  }
0xb0: {  	[dreg:$0x4] =	wrdreg $0xC0  }
0xb1: {  	_ =	task [dreg:s7], $0x5FFFF  }
0xb2: {  	[dreg:$0x1] =	wrdreg $0xFFFFFFFF  }
0xb3: {  	[dreg:$0x0] =	wrdreg $0x60  }
0xb4: {  	[dreg:$0x2] =	wrdreg s24  }
0xb5: {  	[dreg:$0x3] =	wrdreg s16  }
0xb6: {  	[dreg:$0x4] =	wrdreg $0x9  }
0xb7: {  	_ =	task.clear_ibuf [dreg:s7], $0x5FFFF;
	_ =	strace $0x90000046  }
0xb8: {  	s29 =	simm.s32 $0x9;
	_ =	strace $0x80000048  }
0xb9: {  	_ =	swait.ge [sflag:s29], $0x1  }
0xba: {  	[sflag:s29] =	ssyncadd.s32 $0xFFFFFFFF  }
0xbb: {  	_ =	strace $0x90000048  }
0xbc: {  	_ =	sfence  }
0xbd: {  	s30 =	sld [smem:$0x0];
	_ =	sdelay $0x2  }
0xbe: {  	s31 =	sshll.u32 s1, $0xD;
	s1 =	sshrl.u32 s1, $0x2  }
0xbf: {  	s3 =	sand.u32 $0x4000, s31;
	s1 =	sadd.s32 s1, s30  }
0xc0: {  	s0 =	sor.u32 s3, s0;
	s1 =	sshll.u32 s1, $0x11  }
0xc1: {  	s0 =	sor.u32 s1, s0  }
0xc2: {  	s0 =	sadd.s32 $0x8F2B, s0  }
0xc3: {  	[sflag:s0] =	ssyncadd.remote.s32 $0x1  }
0xc4: {  	_ =	sfence.sel $0xFFFF  }
0xc5: {  	[dreg:$0x0] =	wrdreg $0xFFFFFFFF;
	(pc) =	sbr.abs _section_cstart, $3  }
0xc6: {  	[dreg:$0x1] =	wrdreg $0xFFFFFFFF  }
0xc7: {  	_ =	task.clear_ibuf [dreg:s7], $0x2FFFF;
	_ =	strace $0x9FFFFFFF  }
0xc8: {  	(tm) =	ssettm $0x7FFFFFFF  }
0xc9: {  	_ =	shalt  }
tec
execute0_lowered:
.L_overlay_start_1:
0x0: {  	(tag) =	ssettag $0x1  }
0x1: {  	s1 =	srdreg.scid;
	s0 =	stileid.u32  }
0x2: {  	s26 =	sand.u32 $0x1, s1;
	s29 =	sshll.u32 s0, $0x1  }
0x3: {  	s8 =	sor.u32 s26, s29  }
0x4: {  	s10 =	rddreg [dreg:$0x0];
	s24 =	smul.u32 $0x2710, s8  }
0x5: {  	s25 =	rddreg [dreg:$0x1];
	s2 =	simm.s32 $0x0;
	s3 =	simm.s32 $0x2  }
0x6: {  	[smem:$0x7FF] =	sst s2;
	s23 =	sadd.s32 $0x11400, s10;
	s9 =	sshrl.u32 s24, $0x3  }
0x7: {  	s1 =	rddreg [dreg:$0x2];
	_ =	strace $0x80000047;
	s4 =	sadd.s32 s23, s9  }
0x8: {  	[tilespmem:s2], [sflag:$0x2] =	stream.linear.gather [hbm4b:s4+s2], $0x7D0, $0x38;
	[tilespmem:$0x84D0] =	vst v63  }
0x9: {  	_ =	swait.ge [sflag:s3], $0x7D0  }
0xa: {  	s6 =	simm.s32 $0x7D0;
	[sflag:s3] =	ssyncset.done $0x0  }
0xb: {  	s7 =	simm.s32 $0x1;
	s5 =	sadd.s32 $0xC400, s10;
	[sflag:s3] =	ssyncadd.s32 $0xFFFFF830  }
0xc: {  	[tilespmem:s6], [sflag:$0x1] =	stream.indirect.gather [hbm4b:s5+s6], $0x10, s2, s6, $0xb8;
	[tilespmem:$0x84D0] =	vst v63  }
0xd: {  	s11 =	smul.u32 $0x4E20, s8;
	_ =	swait.ge [sflag:s7], $0x7D00  }
0xe: {  	s29 =	sadd.s32 $0x11E800, s10;
	[sflag:s7] =	ssyncset.done $0x0  }
0xf: {  	s8 =	sadd.s32 s29, s11;
	[sflag:s7] =	ssyncadd.s32 $0xFFFF8300  }
0x10: {  	[hbm4b:s8+s2] =	stream.linear.scatter [tilespmem:s6], [sflag:$0x2], $0x7D00, $0x38;
	[tilespmem:$0x84D0] =	vst v63  }
0x11: {  	_ =	swait.ge [sflag:s3], $0x7D00  }
0x12: {  	[sflag:s3] =	ssyncset.done $0x0  }
0x13: {  	s9 =	sadd.s32 s25, s9;
	[sflag:s3] =	ssyncadd.s32 $0xFFFF8300  }
0x14: {  	[tilespmem:s2], [sflag:$0x2] =	stream.linear.gather [hbm4b:s9+s2], $0x7D0, $0x38;
	[tilespmem:$0x84D0] =	vst v63  }
0x15: {  	_ =	swait.ge [sflag:s3], $0x7D0  }
0x16: {  	[sflag:s3] =	ssyncset.done $0x0  }
0x17: {  	[sflag:s3] =	ssyncadd.s32 $0xFFFFF830  }
0x18: {  	[tilespmem:s6], [sflag:$0x1] =	stream.indirect.gather [hbm4b:s5+s6], $0x10, s2, s6, $0xb8;
	[tilespmem:$0x84D0] =	vst v63  }
0x19: {  	_ =	swait.ge [sflag:s7], $0x7D00  }
0x1a: {  	s28 =	sadd.s32 $0x1BAC00, s10;
	[sflag:s7] =	ssyncset.done $0x0  }
0x1b: {  	s10 =	sadd.s32 s28, s11;
	[sflag:s7] =	ssyncadd.s32 $0xFFFF8300  }
0x1c: {  	[hbm4b:s10+s2] =	stream.linear.scatter [tilespmem:s6], [sflag:$0x2], $0x7D00, $0x38;
	[tilespmem:$0x84D0] =	vst v63  }
0x1d: {  	s12 =	sadd.s32 $0x7D0, s24;
	_ =	swait.ge [sflag:s3], $0x7D00  }
0x1e: {  	s13 =	sshrl.u32 s12, $0x3;
	[sflag:s3] =	ssyncset.done $0x0  }
0x1f: {  	s11 =	sadd.s32 s23, s13;
	[sflag:s3] =	ssyncadd.s32 $0xFFFF8300  }
0x20: {  	[tilespmem:s2], [sflag:$0x2] =	stream.linear.gather [hbm4b:s11+s2], $0x7D0, $0x38;
	[tilespmem:$0x84D0] =	vst v63  }
0x21: {  	_ =	swait.ge [sflag:s3], $0x7D0  }
0x22: {  	[sflag:s3] =	ssyncset.done $0x0  }
0x23: {  	[sflag:s3] =	ssyncadd.s32 $0xFFFFF830  }
0x24: {  	[tilespmem:s6], [sflag:$0x1] =	stream.indirect.gather [hbm4b:s5+s6], $0x10, s2, s6, $0xb8;
	[tilespmem:$0x84D0] =	vst v63  }
0x25: {  	_ =	swait.ge [sflag:s7], $0x7D00  }
0x26: {  	s14 =	sshll.u32 s12, $0x1;
	[sflag:s7] =	ssyncset.done $0x0  }
0x27: {  	s12 =	sadd.s32 s29, s14;
	[sflag:s7] =	ssyncadd.s32 $0xFFFF8300  }
0x28: {  	[hbm4b:s12+s2] =	stream.linear.scatter [tilespmem:s6], [sflag:$0x2], $0x7D00, $0x38;
	[tilespmem:$0x84D0] =	vst v63  }
0x29: {  	_ =	swait.ge [sflag:s3], $0x7D00  }
0x2a: {  	[sflag:s3] =	ssyncset.done $0x0  }
0x2b: {  	s13 =	sadd.s32 s25, s13;
	[sflag:s3] =	ssyncadd.s32 $0xFFFF8300  }
0x2c: {  	[tilespmem:s2], [sflag:$0x2] =	stream.linear.gather [hbm4b:s13+s2], $0x7D0, $0x38;
	[tilespmem:$0x84D0] =	vst v63  }
0x2d: {  	_ =	swait.ge [sflag:s3], $0x7D0  }
0x2e: {  	[sflag:s3] =	ssyncset.done $0x0  }
0x2f: {  	[sflag:s3] =	ssyncadd.s32 $0xFFFFF830  }
0x30: {  	[tilespmem:s6], [sflag:$0x1] =	stream.indirect.gather [hbm4b:s5+s6], $0x10, s2, s6, $0xb8;
	[tilespmem:$0x84D0] =	vst v63  }
0x31: {  	_ =	swait.ge [sflag:s7], $0x7D00  }
0x32: {  	[sflag:s7] =	ssyncset.done $0x0  }
0x33: {  	s14 =	sadd.s32 s28, s14;
	[sflag:s7] =	ssyncadd.s32 $0xFFFF8300  }
0x34: {  	[hbm4b:s14+s2] =	stream.linear.scatter [tilespmem:s6], [sflag:$0x2], $0x7D00, $0x38;
	[tilespmem:$0x84D0] =	vst v63  }
0x35: {  	s16 =	sadd.s32 $0xFA0, s24;
	_ =	swait.ge [sflag:s3], $0x7D00  }
0x36: {  	s17 =	sshrl.u32 s16, $0x3;
	[sflag:s3] =	ssyncset.done $0x0  }
0x37: {  	s15 =	sadd.s32 s23, s17;
	[sflag:s3] =	ssyncadd.s32 $0xFFFF8300  }
0x38: {  	[tilespmem:s2], [sflag:$0x2] =	stream.linear.gather [hbm4b:s15+s2], $0x7D0, $0x38;
	[tilespmem:$0x84D0] =	vst v63  }
0x39: {  	_ =	swait.ge [sflag:s3], $0x7D0  }
0x3a: {  	[sflag:s3] =	ssyncset.done $0x0  }
0x3b: {  	[sflag:s3] =	ssyncadd.s32 $0xFFFFF830  }
0x3c: {  	[tilespmem:s6], [sflag:$0x1] =	stream.indirect.gather [hbm4b:s5+s6], $0x10, s2, s6, $0xb8;
	[tilespmem:$0x84D0] =	vst v63  }
0x3d: {  	_ =	swait.ge [sflag:s7], $0x7D00  }
0x3e: {  	s18 =	sshll.u32 s16, $0x1;
	[sflag:s7] =	ssyncset.done $0x0  }
0x3f: {  	s16 =	sadd.s32 s29, s18;
	[sflag:s7] =	ssyncadd.s32 $0xFFFF8300  }
0x40: {  	[hbm4b:s16+s2] =	stream.linear.scatter [tilespmem:s6], [sflag:$0x2], $0x7D00, $0x38;
	[tilespmem:$0x84D0] =	vst v63  }
0x41: {  	_ =	swait.ge [sflag:s3], $0x7D00  }
0x42: {  	[sflag:s3] =	ssyncset.done $0x0  }
0x43: {  	s17 =	sadd.s32 s25, s17;
	[sflag:s3] =	ssyncadd.s32 $0xFFFF8300  }
0x44: {  	[tilespmem:s2], [sflag:$0x2] =	stream.linear.gather [hbm4b:s17+s2], $0x7D0, $0x38;
	[tilespmem:$0x84D0] =	vst v63  }
0x45: {  	_ =	swait.ge [sflag:s3], $0x7D0  }
0x46: {  	[sflag:s3] =	ssyncset.done $0x0  }
0x47: {  	[sflag:s3] =	ssyncadd.s32 $0xFFFFF830  }
0x48: {  	[tilespmem:s6], [sflag:$0x1] =	stream.indirect.gather [hbm4b:s5+s6], $0x10, s2, s6, $0xb8;
	[tilespmem:$0x84D0] =	vst v63  }
0x49: {  	_ =	swait.ge [sflag:s7], $0x7D00  }
0x4a: {  	[sflag:s7] =	ssyncset.done $0x0  }
0x4b: {  	s18 =	sadd.s32 s28, s18;
	[sflag:s7] =	ssyncadd.s32 $0xFFFF8300  }
0x4c: {  	[hbm4b:s18+s2] =	stream.linear.scatter [tilespmem:s6], [sflag:$0x2], $0x7D00, $0x38;
	[tilespmem:$0x84D0] =	vst v63  }
0x4d: {  	s20 =	sadd.s32 $0x1770, s24;
	_ =	swait.ge [sflag:s3], $0x7D00  }
0x4e: {  	s21 =	sshrl.u32 s20, $0x3;
	[sflag:s3] =	ssyncset.done $0x0  }
0x4f: {  	s19 =	sadd.s32 s23, s21;
	[sflag:s3] =	ssyncadd.s32 $0xFFFF8300  }
0x50: {  	[tilespmem:s2], [sflag:$0x2] =	stream.linear.gather [hbm4b:s19+s2], $0x7D0, $0x38;
	[tilespmem:$0x84D0] =	vst v63  }
0x51: {  	_ =	swait.ge [sflag:s3], $0x7D0  }
0x52: {  	[sflag:s3] =	ssyncset.done $0x0  }
0x53: {  	[sflag:s3] =	ssyncadd.s32 $0xFFFFF830  }
0x54: {  	[tilespmem:s6], [sflag:$0x1] =	stream.indirect.gather [hbm4b:s5+s6], $0x10, s2, s6, $0xb8;
	[tilespmem:$0x84D0] =	vst v63  }
0x55: {  	_ =	swait.ge [sflag:s7], $0x7D00  }
0x56: {  	s22 =	sshll.u32 s20, $0x1;
	[sflag:s7] =	ssyncset.done $0x0  }
0x57: {  	s20 =	sadd.s32 s29, s22;
	[sflag:s7] =	ssyncadd.s32 $0xFFFF8300  }
0x58: {  	[hbm4b:s20+s2] =	stream.linear.scatter [tilespmem:s6], [sflag:$0x2], $0x7D00, $0x38;
	[tilespmem:$0x84D0] =	vst v63  }
0x59: {  	_ =	swait.ge [sflag:s3], $0x7D00  }
0x5a: {  	[sflag:s3] =	ssyncset.done $0x0  }
0x5b: {  	s21 =	sadd.s32 s25, s21;
	[sflag:s3] =	ssyncadd.s32 $0xFFFF8300  }
0x5c: {  	[tilespmem:s2], [sflag:$0x2] =	stream.linear.gather [hbm4b:s21+s2], $0x7D0, $0x38;
	[tilespmem:$0x84D0] =	vst v63  }
0x5d: {  	_ =	swait.ge [sflag:s3], $0x7D0  }
0x5e: {  	[sflag:s3] =	ssyncset.done $0x0  }
0x5f: {  	[sflag:s3] =	ssyncadd.s32 $0xFFFFF830  }
0x60: {  	[tilespmem:s6], [sflag:$0x1] =	stream.indirect.gather [hbm4b:s5+s6], $0x10, s2, s6, $0xb8;
	[tilespmem:$0x84D0] =	vst v63  }
0x61: {  	_ =	swait.ge [sflag:s7], $0x7D00  }
0x62: {  	[sflag:s7] =	ssyncset.done $0x0  }
0x63: {  	s22 =	sadd.s32 s28, s22;
	[sflag:s7] =	ssyncadd.s32 $0xFFFF8300  }
0x64: {  	[hbm4b:s22+s2] =	stream.linear.scatter [tilespmem:s6], [sflag:$0x2], $0x7D00, $0x38;
	[tilespmem:$0x84D0] =	vst v63  }
0x65: {  	s24 =	sadd.s32 $0x1F40, s24;
	_ =	swait.ge [sflag:s3], $0x7D00  }
0x66: {  	s30 =	sshrl.u32 s24, $0x3;
	[sflag:s3] =	ssyncset.done $0x0  }
0x67: {  	s23 =	sadd.s32 s23, s30;
	[sflag:s3] =	ssyncadd.s32 $0xFFFF8300  }
0x68: {  	[tilespmem:s2], [sflag:$0x2] =	stream.linear.gather [hbm4b:s23+s2], $0x7D0, $0x38;
	[tilespmem:$0x84D0] =	vst v63  }
0x69: {  	_ =	swait.ge [sflag:s3], $0x7D0  }
0x6a: {  	[sflag:s3] =	ssyncset.done $0x0  }
0x6b: {  	[sflag:s3] =	ssyncadd.s32 $0xFFFFF830  }
0x6c: {  	[tilespmem:s6], [sflag:$0x1] =	stream.indirect.gather [hbm4b:s5+s6], $0x10, s2, s6, $0xb8;
	[tilespmem:$0x84D0] =	vst v63  }
0x6d: {  	_ =	swait.ge [sflag:s7], $0x7D00  }
0x6e: {  	s31 =	sshll.u32 s24, $0x1;
	[sflag:s7] =	ssyncset.done $0x0  }
0x6f: {  	s24 =	sadd.s32 s29, s31;
	[sflag:s7] =	ssyncadd.s32 $0xFFFF8300  }
0x70: {  	[hbm4b:s24+s2] =	stream.linear.scatter [tilespmem:s6], [sflag:$0x2], $0x7D00, $0x38;
	[tilespmem:$0x84D0] =	vst v63  }
0x71: {  	_ =	swait.ge [sflag:s3], $0x7D00  }
0x72: {  	[sflag:s3] =	ssyncset.done $0x0  }
0x73: {  	s26 =	ssub.s32 $0x2, s26;
	s25 =	sadd.s32 s25, s30;
	[sflag:s3] =	ssyncadd.s32 $0xFFFF8300  }
0x74: {  	[tilespmem:s2], [sflag:$0x2] =	stream.linear.gather [hbm4b:s25+s2], $0x7D0, $0x38;
	[tilespmem:$0x84D0] =	vst v63  }
0x75: {  	s30 =	sshrl.u32 s26, $0x1;
	_ =	swait.ge [sflag:s3], $0x7D0  }
0x76: {  	s29 =	ssub.s32 s26, s30;
	[sflag:s3] =	ssyncset.done $0x0  }
0x77: {  	s26 =	sadd.s32 s28, s31;
	s28 =	smax.u32 s29, $0x1;
	[sflag:s3] =	ssyncadd.s32 $0xFFFFF830  }
0x78: {  	[tilespmem:s6], [sflag:$0x1] =	stream.indirect.gather [hbm4b:s5+s6], $0x10, s2, s6, $0xb8;
	[tilespmem:$0x84D0] =	vst v63  }
0x79: {  	p0 =	sne.s32 s28, $0x1;
	_ =	swait.ge [sflag:s7], $0x7D00  }
.Ltmp0:
0x7a: {  	[sflag:s7] =	ssyncset.done $0x0;
	(pc) =	sbr.rel @!p0 .LBB2_2-.Ltmp0, $4  }
0x7b: {  	[sflag:s7] =	ssyncadd.s32 $0xFFFF8300  }
0x7c: {  	[hbm4b:s26+s2] =	stream.linear.scatter [tilespmem:s6], [sflag:$0x2], $0x7D00, $0x38;
	[tilespmem:$0x84D0] =	vst v63  }
0x7d: {  	_ =	swait.ge [sflag:s3], $0x7D00  }
0x7e: {  	s28 =	sadd.s32 $0xFFFFFFFF, s28;
	[sflag:s3] =	ssyncset.done $0x0  }
.LBB2_1:
0x7f: {  	p0 =	sne.s32 s28, $0x1;
	s28 =	sadd.s32 $0xFFFFFFFF, s28;
	[sflag:s3] =	ssyncadd.s32 $0xFFFF8300  }
0x80: {  	[tilespmem:s2], [sflag:$0x2] =	stream.linear.gather [hbm4b:s4+s2], $0x7D0, $0x38;
	[tilespmem:$0x84D0] =	vst v63  }
0x81: {  	_ =	swait.ge [sflag:s3], $0x7D0  }
0x82: {  	[sflag:s3] =	ssyncset.done $0x0  }
0x83: {  	[sflag:s3] =	ssyncadd.s32 $0xFFFFF830  }
0x84: {  	[tilespmem:s6], [sflag:$0x1] =	stream.indirect.gather [hbm4b:s5+s6], $0x10, s2, s6, $0xb8;
	[tilespmem:$0x84D0] =	vst v63  }
0x85: {  	_ =	swait.ge [sflag:s7], $0x7D00  }
0x86: {  	[sflag:s7] =	ssyncset.done $0x0  }
0x87: {  	[sflag:s7] =	ssyncadd.s32 $0xFFFF8300  }
0x88: {  	[hbm4b:s8+s2] =	stream.linear.scatter [tilespmem:s6], [sflag:$0x2], $0x7D00, $0x38;
	[tilespmem:$0x84D0] =	vst v63  }
0x89: {  	_ =	swait.ge [sflag:s3], $0x7D00  }
0x8a: {  	[sflag:s3] =	ssyncset.done $0x0  }
0x8b: {  	[sflag:s3] =	ssyncadd.s32 $0xFFFF8300  }
0x8c: {  	[tilespmem:s2], [sflag:$0x2] =	stream.linear.gather [hbm4b:s9+s2], $0x7D0, $0x38;
	[tilespmem:$0x84D0] =	vst v63  }
0x8d: {  	_ =	swait.ge [sflag:s3], $0x7D0  }
0x8e: {  	[sflag:s3] =	ssyncset.done $0x0  }
0x8f: {  	[sflag:s3] =	ssyncadd.s32 $0xFFFFF830  }
0x90: {  	[tilespmem:s6], [sflag:$0x1] =	stream.indirect.gather [hbm4b:s5+s6], $0x10, s2, s6, $0xb8;
	[tilespmem:$0x84D0] =	vst v63  }
0x91: {  	_ =	swait.ge [sflag:s7], $0x7D00  }
0x92: {  	[sflag:s7] =	ssyncset.done $0x0  }
0x93: {  	[sflag:s7] =	ssyncadd.s32 $0xFFFF8300  }
0x94: {  	[hbm4b:s10+s2] =	stream.linear.scatter [tilespmem:s6], [sflag:$0x2], $0x7D00, $0x38;
	[tilespmem:$0x84D0] =	vst v63  }
0x95: {  	_ =	swait.ge [sflag:s3], $0x7D00  }
0x96: {  	[sflag:s3] =	ssyncset.done $0x0  }
0x97: {  	[sflag:s3] =	ssyncadd.s32 $0xFFFF8300  }
0x98: {  	[tilespmem:s2], [sflag:$0x2] =	stream.linear.gather [hbm4b:s11+s2], $0x7D0, $0x38;
	[tilespmem:$0x84D0] =	vst v63  }
0x99: {  	_ =	swait.ge [sflag:s3], $0x7D0  }
0x9a: {  	[sflag:s3] =	ssyncset.done $0x0  }
0x9b: {  	[sflag:s3] =	ssyncadd.s32 $0xFFFFF830  }
0x9c: {  	[tilespmem:s6], [sflag:$0x1] =	stream.indirect.gather [hbm4b:s5+s6], $0x10, s2, s6, $0xb8;
	[tilespmem:$0x84D0] =	vst v63  }
0x9d: {  	_ =	swait.ge [sflag:s7], $0x7D00  }
0x9e: {  	[sflag:s7] =	ssyncset.done $0x0  }
0x9f: {  	[sflag:s7] =	ssyncadd.s32 $0xFFFF8300  }
0xa0: {  	[hbm4b:s12+s2] =	stream.linear.scatter [tilespmem:s6], [sflag:$0x2], $0x7D00, $0x38;
	[tilespmem:$0x84D0] =	vst v63  }
0xa1: {  	_ =	swait.ge [sflag:s3], $0x7D00  }
0xa2: {  	[sflag:s3] =	ssyncset.done $0x0  }
0xa3: {  	[sflag:s3] =	ssyncadd.s32 $0xFFFF8300  }
0xa4: {  	[tilespmem:s2], [sflag:$0x2] =	stream.linear.gather [hbm4b:s13+s2], $0x7D0, $0x38;
	[tilespmem:$0x84D0] =	vst v63  }
0xa5: {  	_ =	swait.ge [sflag:s3], $0x7D0  }
0xa6: {  	[sflag:s3] =	ssyncset.done $0x0  }
0xa7: {  	[sflag:s3] =	ssyncadd.s32 $0xFFFFF830  }
0xa8: {  	[tilespmem:s6], [sflag:$0x1] =	stream.indirect.gather [hbm4b:s5+s6], $0x10, s2, s6, $0xb8;
	[tilespmem:$0x84D0] =	vst v63  }
0xa9: {  	_ =	swait.ge [sflag:s7], $0x7D00  }
0xaa: {  	[sflag:s7] =	ssyncset.done $0x0  }
0xab: {  	[sflag:s7] =	ssyncadd.s32 $0xFFFF8300  }
0xac: {  	[hbm4b:s14+s2] =	stream.linear.scatter [tilespmem:s6], [sflag:$0x2], $0x7D00, $0x38;
	[tilespmem:$0x84D0] =	vst v63  }
0xad: {  	_ =	swait.ge [sflag:s3], $0x7D00  }
0xae: {  	[sflag:s3] =	ssyncset.done $0x0  }
0xaf: {  	[sflag:s3] =	ssyncadd.s32 $0xFFFF8300  }
0xb0: {  	[tilespmem:s2], [sflag:$0x2] =	stream.linear.gather [hbm4b:s15+s2], $0x7D0, $0x38;
	[tilespmem:$0x84D0] =	vst v63  }
0xb1: {  	_ =	swait.ge [sflag:s3], $0x7D0  }
0xb2: {  	[sflag:s3] =	ssyncset.done $0x0  }
0xb3: {  	[sflag:s3] =	ssyncadd.s32 $0xFFFFF830  }
0xb4: {  	[tilespmem:s6], [sflag:$0x1] =	stream.indirect.gather [hbm4b:s5+s6], $0x10, s2, s6, $0xb8;
	[tilespmem:$0x84D0] =	vst v63  }
0xb5: {  	_ =	swait.ge [sflag:s7], $0x7D00  }
0xb6: {  	[sflag:s7] =	ssyncset.done $0x0  }
0xb7: {  	[sflag:s7] =	ssyncadd.s32 $0xFFFF8300  }
0xb8: {  	[hbm4b:s16+s2] =	stream.linear.scatter [tilespmem:s6], [sflag:$0x2], $0x7D00, $0x38;
	[tilespmem:$0x84D0] =	vst v63  }
0xb9: {  	_ =	swait.ge [sflag:s3], $0x7D00  }
0xba: {  	[sflag:s3] =	ssyncset.done $0x0  }
0xbb: {  	[sflag:s3] =	ssyncadd.s32 $0xFFFF8300  }
0xbc: {  	[tilespmem:s2], [sflag:$0x2] =	stream.linear.gather [hbm4b:s17+s2], $0x7D0, $0x38;
	[tilespmem:$0x84D0] =	vst v63  }
0xbd: {  	_ =	swait.ge [sflag:s3], $0x7D0  }
0xbe: {  	[sflag:s3] =	ssyncset.done $0x0  }
0xbf: {  	[sflag:s3] =	ssyncadd.s32 $0xFFFFF830  }
0xc0: {  	[tilespmem:s6], [sflag:$0x1] =	stream.indirect.gather [hbm4b:s5+s6], $0x10, s2, s6, $0xb8;
	[tilespmem:$0x84D0] =	vst v63  }
0xc1: {  	_ =	swait.ge [sflag:s7], $0x7D00  }
0xc2: {  	[sflag:s7] =	ssyncset.done $0x0  }
0xc3: {  	[sflag:s7] =	ssyncadd.s32 $0xFFFF8300  }
0xc4: {  	[hbm4b:s18+s2] =	stream.linear.scatter [tilespmem:s6], [sflag:$0x2], $0x7D00, $0x38;
	[tilespmem:$0x84D0] =	vst v63  }
0xc5: {  	_ =	swait.ge [sflag:s3], $0x7D00  }
0xc6: {  	[sflag:s3] =	ssyncset.done $0x0  }
0xc7: {  	[sflag:s3] =	ssyncadd.s32 $0xFFFF8300  }
0xc8: {  	[tilespmem:s2], [sflag:$0x2] =	stream.linear.gather [hbm4b:s19+s2], $0x7D0, $0x38;
	[tilespmem:$0x84D0] =	vst v63  }
0xc9: {  	_ =	swait.ge [sflag:s3], $0x7D0  }
0xca: {  	[sflag:s3] =	ssyncset.done $0x0  }
0xcb: {  	[sflag:s3] =	ssyncadd.s32 $0xFFFFF830  }
0xcc: {  	[tilespmem:s6], [sflag:$0x1] =	stream.indirect.gather [hbm4b:s5+s6], $0x10, s2, s6, $0xb8;
	[tilespmem:$0x84D0] =	vst v63  }
0xcd: {  	_ =	swait.ge [sflag:s7], $0x7D00  }
0xce: {  	[sflag:s7] =	ssyncset.done $0x0  }
0xcf: {  	[sflag:s7] =	ssyncadd.s32 $0xFFFF8300  }
0xd0: {  	[hbm4b:s20+s2] =	stream.linear.scatter [tilespmem:s6], [sflag:$0x2], $0x7D00, $0x38;
	[tilespmem:$0x84D0] =	vst v63  }
0xd1: {  	_ =	swait.ge [sflag:s3], $0x7D00  }
0xd2: {  	[sflag:s3] =	ssyncset.done $0x0  }
0xd3: {  	[sflag:s3] =	ssyncadd.s32 $0xFFFF8300  }
0xd4: {  	[tilespmem:s2], [sflag:$0x2] =	stream.linear.gather [hbm4b:s21+s2], $0x7D0, $0x38;
	[tilespmem:$0x84D0] =	vst v63  }
0xd5: {  	_ =	swait.ge [sflag:s3], $0x7D0  }
0xd6: {  	[sflag:s3] =	ssyncset.done $0x0  }
0xd7: {  	[sflag:s3] =	ssyncadd.s32 $0xFFFFF830  }
0xd8: {  	[tilespmem:s6], [sflag:$0x1] =	stream.indirect.gather [hbm4b:s5+s6], $0x10, s2, s6, $0xb8;
	[tilespmem:$0x84D0] =	vst v63  }
0xd9: {  	_ =	swait.ge [sflag:s7], $0x7D00  }
0xda: {  	[sflag:s7] =	ssyncset.done $0x0  }
0xdb: {  	[sflag:s7] =	ssyncadd.s32 $0xFFFF8300  }
0xdc: {  	[hbm4b:s22+s2] =	stream.linear.scatter [tilespmem:s6], [sflag:$0x2], $0x7D00, $0x38;
	[tilespmem:$0x84D0] =	vst v63  }
0xdd: {  	_ =	swait.ge [sflag:s3], $0x7D00  }
0xde: {  	[sflag:s3] =	ssyncset.done $0x0  }
0xdf: {  	[sflag:s3] =	ssyncadd.s32 $0xFFFF8300  }
0xe0: {  	[tilespmem:s2], [sflag:$0x2] =	stream.linear.gather [hbm4b:s23+s2], $0x7D0, $0x38;
	[tilespmem:$0x84D0] =	vst v63  }
0xe1: {  	_ =	swait.ge [sflag:s3], $0x7D0  }
0xe2: {  	[sflag:s3] =	ssyncset.done $0x0  }
0xe3: {  	[sflag:s3] =	ssyncadd.s32 $0xFFFFF830  }
0xe4: {  	[tilespmem:s6], [sflag:$0x1] =	stream.indirect.gather [hbm4b:s5+s6], $0x10, s2, s6, $0xb8;
	[tilespmem:$0x84D0] =	vst v63  }
0xe5: {  	_ =	swait.ge [sflag:s7], $0x7D00  }
0xe6: {  	[sflag:s7] =	ssyncset.done $0x0  }
0xe7: {  	[sflag:s7] =	ssyncadd.s32 $0xFFFF8300  }
0xe8: {  	[hbm4b:s24+s2] =	stream.linear.scatter [tilespmem:s6], [sflag:$0x2], $0x7D00, $0x38;
	[tilespmem:$0x84D0] =	vst v63  }
0xe9: {  	_ =	swait.ge [sflag:s3], $0x7D00  }
0xea: {  	[sflag:s3] =	ssyncset.done $0x0  }
0xeb: {  	[sflag:s3] =	ssyncadd.s32 $0xFFFF8300  }
0xec: {  	[tilespmem:s2], [sflag:$0x2] =	stream.linear.gather [hbm4b:s25+s2], $0x7D0, $0x38;
	[tilespmem:$0x84D0] =	vst v63  }
0xed: {  	_ =	swait.ge [sflag:s3], $0x7D0  }
0xee: {  	[sflag:s3] =	ssyncset.done $0x0  }
0xef: {  	[sflag:s3] =	ssyncadd.s32 $0xFFFFF830  }
0xf0: {  	[tilespmem:s6], [sflag:$0x1] =	stream.indirect.gather [hbm4b:s5+s6], $0x10, s2, s6, $0xb8;
	[tilespmem:$0x84D0] =	vst v63  }
0xf1: {  	_ =	swait.ge [sflag:s7], $0x7D00  }
.Ltmp1:
0xf2: {  	[sflag:s7] =	ssyncset.done $0x0;
	(pc) =	sbr.rel @p0 .LBB2_1-.Ltmp1, $4  }
0xf3: {  	[sflag:s7] =	ssyncadd.s32 $0xFFFF8300  }
0xf4: {  	[hbm4b:s26+s2] =	stream.linear.scatter [tilespmem:s6], [sflag:$0x2], $0x7D00, $0x38;
	[tilespmem:$0x84D0] =	vst v63  }
0xf5: {  	_ =	swait.ge [sflag:s3], $0x7D00  }
0xf6: {  	[sflag:s3] =	ssyncset.done $0x0  }
.LBB2_2:
0xf7: {  	[sflag:s3] =	ssyncadd.s32 $0xFFFF8300  }
0xf8: {  	_ =	sfence.sel $0x180000  }
0xf9: {  	[bflag:$0x0] =	sbarrier.arrive $0xFFFF  }
0xfa: {  	p0 =	sne.s32 s0, $0x0;
	_ =	strace $0x90000047  }
0xfb: {  	s0 =	sadd.s32 @!p0 $0x100000, s1;
	[bflag:$0x2] =	sbarrier.arrive $0xFFFF  }
0xfc: {  	[sflag:s0] =	ssyncadd.tile.s32 @!p0 $0x1;
	_ =	shalt  }
.Lfunc_end2:
_tile_overlayer_lowered:
.L_overlay_start_2:
0xfd: {  	(tag) =	ssettag $0x2  }
0xfe: {  	s0 =	rddreg [dreg:$0x0];
	s2 =	stileid.u32  }
0xff: {  	s1 =	rddreg [dreg:$0x1];
	p0 =	sne.s32 s2, $0x0  }
0x100: {  	s3 =	rddreg [dreg:$0x2];
	[bflag:$0x3] =	sbarrier.arrive $0xFFFF;
	s2 =	simm.s32 @!p0 $0x1C02  }
0x101: {  	[timem:s3], [sflag:s2] =	dma.local @!p0 [hbm:s0], s1  }
0x102: {  	s0 =	simm.s32 @!p0 $0x2  }
0x103: {  	_ =	swait.ge @!p0 [sflag:s0], s1  }
0x104: {  	s1 =	ssub.s32 @!p0 $0x0, s1;
	[sflag:s0] =	ssyncset.done @!p0 $0x0  }
0x105: {  	[sflag:s0] =	ssyncadd.s32 @!p0 s1  }
0x106: {  	[bflag:$0x3] =	sbarrier.arrive $0xFFFF  }
0x107: {  	_ =	shalt  }

</sc_bundles>
